<compile_context>
chip_gen: v7x
topology: tpu7x:2x2x1
jax: 0.10.2.dev20260603
libtpu: 0.0.44.dev20260713+nightly
codegen_flags: <defaults>
</compile_context>

<pallas_src>
import functools

import jax
import jax.numpy as jnp
from jax import lax
from jax.experimental import pallas as pl
from jax.experimental.pallas import tpu as pltpu
from jax.experimental.pallas import tpu_sc as plsc

NC = 2
NS = 16
L = 16

_SC_PARAMS = pltpu.CompilerParams(needs_layout_passes=False, use_tc_tiling_on_sc=False)


def _mesh():
  return plsc.VectorSubcoreMesh(core_axis_name="c", subcore_axis_name="s")


def _k1_body(n, npad, chunk,
             mask_hbm, hv_hbm, vv_hbm, vr_hbm, vc_hbm, node_hbm,
             mh_hbm, mv_hbm, nd0_hbm, nd1_hbm, pp_hbm, cnt_hbm,
             m_v, hv_v, vv_v, vr_v, vc_v, node_v, mh_v, mv_v, st_v,
             ones_v, idx_v, cb_v, nd_sh, sem):
  cid = lax.axis_index("c")
  sid = lax.axis_index("s")
  wid = cid * NS + sid
  base = wid * chunk
  sl = npad // NS

  cps = [
      pltpu.async_copy(mask_hbm.at[pl.ds(base, chunk)], m_v, sem),
      pltpu.async_copy(hv_hbm.at[pl.ds(base, chunk)], hv_v, sem),
      pltpu.async_copy(vv_hbm.at[pl.ds(base, chunk)], vv_v, sem),
      pltpu.async_copy(vr_hbm.at[pl.ds(base, chunk)], vr_v, sem),
      pltpu.async_copy(vc_hbm.at[pl.ds(base, chunk)], vc_v, sem),
      pltpu.async_copy(node_hbm, node_v, sem),
  ]

  @pl.loop(0, sl, step=L)
  def _(i):
    st_v[pl.ds(i, L)] = jnp.zeros((L,), jnp.int32)

  ones_v[...] = jnp.ones((L,), jnp.int32)

  pltpu.sync_copy(st_v.at[pl.ds(0, sl)], nd_sh.at[pl.ds(sid * sl, sl)])
  plsc.subcore_barrier()

  for c in cps:
    c.wait()

  node = node_v[...]

  def sbody(i, cnt):
    s = pl.ds(i * L, L)
    m = m_v[s]
    sym = 1.0 / (1.0 + jnp.exp(-m))
    mh = hv_v[s] * sym
    mv = vv_v[s] * sym
    mh_v[s] = mh
    mv_v[s] = mv
    vr = vr_v[s]
    sel = jnp.logical_and(vr % n == node, mv > 0.5)
    ap = plsc.all_reduce_population_count(sel)

    @pl.when(ap[0] != 0)
    def _():
      inc = plsc.cumsum(jnp.where(sel, 1, 0).astype(jnp.int32))
      plsc.store_scatter(st_v, [cnt + inc - 1],
                         (vr // n) * n + vc_v[s], mask=sel)

    return cnt + ap

  cnt = lax.fori_loop(0, chunk // L, sbody, jnp.zeros((L,), jnp.int32))
  o1 = pltpu.async_copy(mh_v, mh_hbm.at[pl.ds(base, chunk)], sem)
  o2 = pltpu.async_copy(mv_v, mv_hbm.at[pl.ds(base, chunk)], sem)

  cs = cnt[0]
  nb = (cs + (L - 1)) // L
  lane = lax.iota(jnp.int32, L)

  def bbody(b, carry):
    valid = (b * L + lane) < cnt
    idx_v[...] = jnp.where(valid, st_v[pl.ds(b * L, L)] % n, n)
    pltpu.sync_copy(ones_v, nd_sh.at[idx_v])
    return carry

  lax.fori_loop(0, nb, bbody, 0)

  cb_v[...] = cnt
  o3 = pltpu.async_copy(st_v, pp_hbm.at[pl.ds(base, chunk)], sem)
  o4 = pltpu.async_copy(cb_v, cnt_hbm.at[pl.ds(wid * L, L)], sem)
  plsc.subcore_barrier()

  @pl.when(cid == 0)
  def _():
    pltpu.sync_copy(nd_sh.at[pl.ds(sid * sl, sl)], nd0_hbm.at[pl.ds(sid * sl, sl)])

  @pl.when(cid == 1)
  def _():
    pltpu.sync_copy(nd_sh.at[pl.ds(sid * sl, sl)], nd1_hbm.at[pl.ds(sid * sl, sl)])

  o1.wait()
  o2.wait()
  o3.wait()
  o4.wait()


def _k2_body(n, npad, chunk, emb, nb_w,
             hr_hbm, hc_hbm, mh_hbm, nd0_hbm, nd1_hbm, w1x_hbm, z_hbm,
             hp0_hbm, hp1_hbm,
             hr_v, hc_v, mh_v, nd_a, nd_b, ssrc_v, sdst_v, rows_v,
             bidx_v, lane_v, gidx_v, blk_v, dst_v, hacc_sh, sem):
  cid = lax.axis_index("c")
  sid = lax.axis_index("s")
  base = (cid * NS + sid) * chunk
  rp = npad // NS

  cps = [
      pltpu.async_copy(hr_hbm.at[pl.ds(base, chunk)], hr_v, sem),
      pltpu.async_copy(hc_hbm.at[pl.ds(base, chunk)], hc_v, sem),
      pltpu.async_copy(mh_hbm.at[pl.ds(base, chunk)], mh_v, sem),
      pltpu.async_copy(nd0_hbm, nd_a, sem),
      pltpu.async_copy(nd1_hbm, nd_b, sem),
  ]
  pltpu.sync_copy(z_hbm, hacc_sh.at[pl.ds(sid * rp, rp), :])
  for c in cps:
    c.wait()

  @pl.loop(0, npad, step=L)
  def _(i):
    s = pl.ds(i, L)
    nd_a[s] = nd_a[s] + nd_b[s]

  plsc.subcore_barrier()

  def sbody(i, cnt):
    s = pl.ds(i * L, L)
    hr = hr_v[s]
    ndl = plsc.load_gather(nd_a, [hr])
    active = jnp.logical_and(mh_v[s] > 0.5, ndl > 0)
    ap = plsc.all_reduce_population_count(active)

    @pl.when(ap[0] != 0)
    def _():
      inc = plsc.cumsum(jnp.where(active, 1, 0).astype(jnp.int32))
      pos = cnt + inc - 1
      plsc.store_scatter(ssrc_v, [pos], hc_v[s], mask=active)
      plsc.store_scatter(sdst_v, [pos], hr, mask=active)

    return cnt + ap

  cnt = lax.fori_loop(0, chunk // L, sbody, jnp.zeros((L,), jnp.int32))
  cs = cnt[0]
  nb = (cs + (L - 1)) // L
  lane = lax.iota(jnp.int32, L)

  def bbody(b, carry):
    s = pl.ds(b * L, L)
    valid = (b * L + lane) < cnt
    src = jnp.where(valid, ssrc_v[s], 0)
    bidx_v[...] = src // 128
    lane_v[...] = src % 128
    dst_v[...] = jnp.where(valid, sdst_v[s], n)

    @pl.loop(0, L)
    def _(i):
      bi = plsc.load_gather(bidx_v, [jnp.zeros((L,), jnp.int32) + i])
      li = plsc.load_gather(lane_v, [jnp.zeros((L,), jnp.int32) + i])

      @pl.loop(0, emb, step=L)
      def _(j):
        gidx_v[pl.ds(j, L)] = (j + lane) * nb_w + bi

      pltpu.sync_copy(w1x_hbm.at[gidx_v], blk_v)

      @pl.loop(0, emb, step=L)
      def _(j):
        rows_v[i, pl.ds(j, L)] = plsc.load_gather(blk_v, [j + lane, li])

    pltpu.sync_copy(rows_v, hacc_sh.at[dst_v], add=True)
    return carry

  lax.fori_loop(0, nb, bbody, 0)
  plsc.subcore_barrier()

  @pl.when(cid == 0)
  def _():
    pltpu.sync_copy(hacc_sh.at[pl.ds(sid * rp, rp), :],
                    hp0_hbm.at[pl.ds(sid * rp, rp), :])

  @pl.when(cid == 1)
  def _():
    pltpu.sync_copy(hacc_sh.at[pl.ds(sid * rp, rp), :],
                    hp1_hbm.at[pl.ds(sid * rp, rp), :])


def _k3_body(n, r_rel, ur, chunk, emb,
             pp_hbm, cnt_hbm, hp0_hbm, hp1_hbm, z_hbm,
             up0_hbm, up1_hbm,
             cv_v, r0_v, r1_v, hs_v, idx_v, dst_v, u_sh, sem):
  cid = lax.axis_index("c")
  sid = lax.axis_index("s")
  wid = cid * NS + sid
  base = wid * chunk
  lane = lax.iota(jnp.int32, L)

  c0 = pltpu.async_copy(cnt_hbm.at[pl.ds(wid * L, L)], cv_v, sem)

  @pl.when(sid == 0)
  def _():
    pltpu.sync_copy(z_hbm.at[pl.ds(0, ur), :], u_sh)

  c0.wait()
  cnt = cv_v[...]
  plsc.subcore_barrier()

  def bbody(b, carry):
    pltpu.sync_copy(pp_hbm.at[pl.ds(base + b * L, L)], idx_v)
    valid = (b * L + lane) < cnt
    p = idx_v[...]
    idx_v[...] = jnp.where(valid, p % n, 0)
    dst_v[...] = jnp.where(valid, p // n, r_rel)
    pltpu.sync_copy(hp0_hbm.at[idx_v], r0_v)
    pltpu.sync_copy(hp1_hbm.at[idx_v], r1_v)

    @pl.loop(0, L)
    def _(i):
      @pl.loop(0, emb, step=L)
      def _(j):
        hs_v[i, pl.ds(j, L)] = jnp.maximum(
            r0_v[i, pl.ds(j, L)] + r1_v[i, pl.ds(j, L)], 0.0)

    pltpu.sync_copy(hs_v, u_sh.at[dst_v], add=True)
    return carry

  lax.fori_loop(0, (cnt[0] + (L - 1)) // L, bbody, 0)
  plsc.subcore_barrier()

  @pl.when(jnp.logical_and(cid == 0, sid == 0))
  def _():
    pltpu.sync_copy(u_sh, up0_hbm)

  @pl.when(jnp.logical_and(cid == 1, sid == 0))
  def _():
    pltpu.sync_copy(u_sh, up1_hbm)


def _k4_body(r_rel, u0_ref, u1_ref, w2_ref, b_ref, o_ref):
  u = u0_ref[...][:r_rel] + u1_ref[...][:r_rel]
  prod = u[:, :, None] * w2_ref[...]
  s1 = jnp.sum(prod, axis=0)
  logits = jnp.sum(s1, axis=0, keepdims=True) + b_ref[...]
  m = jnp.max(logits, axis=1, keepdims=True)
  e = jnp.exp(logits - m)
  o_ref[...] = e / jnp.sum(e, axis=1, keepdims=True)


def kernel(mask, hor_rows, hor_cols, hor_vals, ver_rows, ver_cols, ver_vals,
           weights1, weights2, bias2, node_idx):
  e = mask.shape[0]
  rn, emb = weights1.shape
  r_rel, _, c_cls = weights2.shape
  n = rn // r_rel
  nw = NC * NS
  chunk = e // nw
  assert chunk * nw == e and chunk % L == 0
  assert rn % 128 == 0 and emb % L == 0
  nb_w = rn // 128
  npad = (n // (NS * L) + 1) * (NS * L)
  ur = ((r_rel + L) // L) * L

  f32, i32 = jnp.float32, jnp.int32
  node_vec = jnp.full((L,), node_idx, i32)
  zrows = jnp.zeros((npad // NS, emb), f32)
  hr = hor_rows.astype(i32)
  hc = hor_cols.astype(i32)
  vr = ver_rows.astype(i32)
  vc = ver_cols.astype(i32)
  w1x = weights1.T.reshape(emb * nb_w, 128)

  k1 = pl.kernel(
      functools.partial(_k1_body, n, npad, chunk),
      out_type=(jax.ShapeDtypeStruct((e,), f32),
                jax.ShapeDtypeStruct((e,), f32),
                jax.ShapeDtypeStruct((npad,), i32),
                jax.ShapeDtypeStruct((npad,), i32),
                jax.ShapeDtypeStruct((e,), i32),
                jax.ShapeDtypeStruct((nw * L,), i32)),
      mesh=_mesh(),
      scratch_types=[
          pltpu.VMEM((chunk,), f32), pltpu.VMEM((chunk,), f32),
          pltpu.VMEM((chunk,), f32), pltpu.VMEM((chunk,), i32),
          pltpu.VMEM((chunk,), i32), pltpu.VMEM((L,), i32),
          pltpu.VMEM((chunk,), f32), pltpu.VMEM((chunk,), f32),
          pltpu.VMEM((chunk,), i32),
          pltpu.VMEM((L,), i32), pltpu.VMEM((L,), i32), pltpu.VMEM((L,), i32),
          pltpu.VMEM_SHARED((npad,), i32),
          pltpu.SemaphoreType.DMA,
      ],
      compiler_params=_SC_PARAMS)
  mh, mv, nd0, nd1, pp, cnts = k1(mask, hor_vals, ver_vals, vr, vc, node_vec)

  k2 = pl.kernel(
      functools.partial(_k2_body, n, npad, chunk, emb, nb_w),
      out_type=(jax.ShapeDtypeStruct((npad, emb), f32),
                jax.ShapeDtypeStruct((npad, emb), f32)),
      mesh=_mesh(),
      scratch_types=[
          pltpu.VMEM((chunk,), i32), pltpu.VMEM((chunk,), i32),
          pltpu.VMEM((chunk,), f32),
          pltpu.VMEM((npad,), i32), pltpu.VMEM((npad,), i32),
          pltpu.VMEM((chunk,), i32), pltpu.VMEM((chunk,), i32),
          pltpu.VMEM((L, emb), f32),
          pltpu.VMEM((L,), i32), pltpu.VMEM((L,), i32),
          pltpu.VMEM((emb,), i32), pltpu.VMEM((emb, 128), f32),
          pltpu.VMEM((L,), i32),
          pltpu.VMEM_SHARED((npad, emb), f32),
          pltpu.SemaphoreType.DMA,
      ],
      compiler_params=_SC_PARAMS)
  hp0, hp1 = k2(hr, hc, mh, nd0, nd1, w1x, zrows)

  k3 = pl.kernel(
      functools.partial(_k3_body, n, r_rel, ur, chunk, emb),
      out_type=(jax.ShapeDtypeStruct((ur, emb), f32),
                jax.ShapeDtypeStruct((ur, emb), f32)),
      mesh=_mesh(),
      scratch_types=[
          pltpu.VMEM((L,), i32),
          pltpu.VMEM((L, emb), f32), pltpu.VMEM((L, emb), f32),
          pltpu.VMEM((L, emb), f32),
          pltpu.VMEM((L,), i32), pltpu.VMEM((L,), i32),
          pltpu.VMEM_SHARED((ur, emb), f32),
          pltpu.SemaphoreType.DMA,
      ],
      compiler_params=_SC_PARAMS)
  up0, up1 = k3(pp, cnts, hp0, hp1, zrows)

  res2d = pl.pallas_call(
      functools.partial(_k4_body, r_rel),
      out_shape=jax.ShapeDtypeStruct((1, c_cls), f32),
  )(up0, up1, weights2, bias2.reshape(1, c_cls))

  return (res2d.reshape(c_cls), mh, mv)

# --- scband reference (transcript-rebuilt; emitter-appended) ---
"""Pipeline reference for scband-explain-module-43215960932604 (READ-ONLY COPY).

The authoritative reference and input builder live on the scoring server;
editing this copy changes nothing except your own understanding.
"""

import jax, jax.numpy as jnp
import numpy as np

N = 10000
R = 40
E = 320000
EMB = 64
NUM_CLASSES = 16
THRESHOLD = 0.5


def setup_inputs(seed: int = 0):
    key = jax.random.key(seed)
    ks = jax.random.split(key, 10)
    # learned edge mask (init_strategy='normal': mean 1.0, small std)
    mask = jax.random.normal(ks[0], (E,), dtype=jnp.float32) * 0.1 + 1.0
    # hor_graph: sparse [N, R*N]
    hor_rows = jax.random.randint(ks[1], (E,), 0, N)
    hor_cols = jax.random.randint(ks[2], (E,), 0, R * N)
    hor_vals = jax.random.uniform(ks[3], (E,), dtype=jnp.float32)
    # ver_graph: sparse [R*N, N]
    ver_rows = jax.random.randint(ks[4], (E,), 0, R * N)
    ver_cols = jax.random.randint(ks[5], (E,), 0, N)
    ver_vals = jax.random.uniform(ks[6], (E,), dtype=jnp.float32)
    # model (featureless 2-layer RGCN) parameters, used by model.forward2
    weights1 = jax.random.normal(ks[7], (R * N, EMB), dtype=jnp.float32) * 0.02
    weights2 = jax.random.normal(ks[8], (R, EMB, NUM_CLASSES), dtype=jnp.float32) * 0.02
    bias2 = jnp.zeros((NUM_CLASSES,), dtype=jnp.float32)
    node_idx = 123
    return {"mask": mask, "hor_rows": hor_rows, "hor_cols": hor_cols,
            "hor_vals": hor_vals, "ver_rows": ver_rows, "ver_cols": ver_cols,
            "ver_vals": ver_vals, "weights1": weights1, "weights2": weights2,
            "bias2": bias2, "node_idx": node_idx}


def _spmm(rows, cols, vals, dense, out_rows):
    # sparse [out_rows, K] @ dense [K, D] via gather + scatter-add
    gathered = jnp.take(dense, cols, axis=0) * vals[:, None]
    return jax.ops.segment_sum(gathered, rows, num_segments=out_rows)


def reference(mask, hor_rows, hor_cols, hor_vals, ver_rows, ver_cols, ver_vals,
              weights1, weights2, bias2, node_idx):
    # _masked_adj_hor / _masked_adj_ver
    sym_mask = jax.nn.sigmoid(mask)
    sym_mask = (sym_mask + sym_mask) / 2.0  # .t() on 1D tensor is identity
    masked_hor_vals = hor_vals * sym_mask
    masked_ver_vals = ver_vals * sym_mask
    # convert_binary with config['threshold']
    bin_hor = jnp.where(masked_hor_vals > THRESHOLD, 1.0, 0.0).astype(jnp.float32)
    bin_ver = jnp.where(masked_ver_vals > THRESHOLD, 1.0, 0.0).astype(jnp.float32)
    # model.forward2: featureless 2-layer RGCN with hor/ver stacked adjacencies
    h = _spmm(hor_rows, hor_cols, bin_hor, weights1, N)        # [N, EMB]
    h = jax.nn.relu(h)
    h2 = _spmm(ver_rows, ver_cols, bin_ver, h, R * N)          # [R*N, EMB]
    h2 = h2.reshape(R, N, EMB)
    logits = jnp.einsum('rne,rec->nc', h2, weights2) + bias2   # [N, C]
    node_pred = logits[node_idx, :]
    res = jax.nn.softmax(node_pred, axis=0)
    return (res, masked_hor_vals, masked_ver_vals)

if __name__ == "__main__":
    import jax
    _d = setup_inputs()
    print(jax.jit(kernel)(*tuple(_d.values())))

</pallas_src>

<mosaic_0001>
#map = affine_map<(d0, d1) -> (0)>
#map1 = affine_map<(d0, d1) -> (0, 0)>
module attributes {stable_mosaic.version = 14 : i64} {
  func.func @_k2_body(%arg0: i32, %arg1: i32, %arg2: memref<320000xi32, #tpu.memory_space<hbm>>, %arg3: memref<320000xi32, #tpu.memory_space<hbm>>, %arg4: memref<320000xf32, #tpu.memory_space<hbm>>, %arg5: memref<10240xi32, #tpu.memory_space<hbm>>, %arg6: memref<10240xi32, #tpu.memory_space<hbm>>, %arg7: memref<200000x128xf32, #tpu.memory_space<hbm>>, %arg8: memref<640x64xf32, #tpu.memory_space<hbm>>, %arg9: memref<10240x64xf32, #tpu.memory_space<hbm>>, %arg10: memref<10240x64xf32, #tpu.memory_space<hbm>>, %arg11: memref<10000xi32, #tpu.memory_space<vmem>>, %arg12: memref<10000xi32, #tpu.memory_space<vmem>>, %arg13: memref<10000xf32, #tpu.memory_space<vmem>>, %arg14: memref<10240xi32, #tpu.memory_space<vmem>>, %arg15: memref<10240xi32, #tpu.memory_space<vmem>>, %arg16: memref<10000xi32, #tpu.memory_space<vmem>>, %arg17: memref<10000xi32, #tpu.memory_space<vmem>>, %arg18: memref<16x64xf32, #tpu.memory_space<vmem>>, %arg19: memref<16xi32, #tpu.memory_space<vmem>>, %arg20: memref<16xi32, #tpu.memory_space<vmem>>, %arg21: memref<64xi32, #tpu.memory_space<vmem>>, %arg22: memref<64x128xf32, #tpu.memory_space<vmem>>, %arg23: memref<16xi32, #tpu.memory_space<vmem>>, %arg24: memref<10240x64xf32, #tpu.memory_space<vmem_shared>>, %arg25: memref<!tpu.dma_semaphore, #tpu.memory_space<semaphore_mem>>) attributes {dimension_semantics = [#tpu.dimension_semantics<core_parallel>, #tpu.dimension_semantics<subcore_parallel>], iteration_bounds = array<i64: 2, 16>, scalar_prefetch = 0 : i64, scratch_operands = 15 : i64, tpu.core_type = #tpu.core_type<sc_vector_subcore>, window_params = [{transform_indices = #map}, {transform_indices = #map}, {transform_indices = #map}, {transform_indices = #map}, {transform_indices = #map}, {transform_indices = #map1}, {transform_indices = #map1}, {transform_indices = #map1}, {transform_indices = #map1}]} {
    %mul3A = arith.constant 16 : i32
    %mul3A_0 = arith.muli %arg0, %mul3A : i32
    %add3A = arith.addi %mul3A_0, %arg1 : i32
    %mul3A_1 = arith.constant 10000 : i32
    %mul3A_2 = arith.muli %add3A, %mul3A_1 : i32
    %dma_start3A = tpu.memref_slice %arg2[%mul3A_2] : memref<320000xi32, #tpu.memory_space<hbm>> -> memref<10000xi32, #tpu.memory_space<hbm>>
    %dma_start3A_3 = tpu.memref_slice %arg2[%mul3A_2] : memref<320000xi32, #tpu.memory_space<hbm>> -> memref<10000xi32, #tpu.memory_space<hbm>>
    tpu.enqueue_dma source(%dma_start3A_3 : memref<10000xi32, #tpu.memory_space<hbm>>) target(%arg11 : memref<10000xi32, #tpu.memory_space<vmem>>) target_semaphore(%arg25 : memref<!tpu.dma_semaphore, #tpu.memory_space<semaphore_mem>>)
    %dma_start3A_4 = tpu.memref_slice %arg3[%mul3A_2] : memref<320000xi32, #tpu.memory_space<hbm>> -> memref<10000xi32, #tpu.memory_space<hbm>>
    %dma_start3A_5 = tpu.memref_slice %arg3[%mul3A_2] : memref<320000xi32, #tpu.memory_space<hbm>> -> memref<10000xi32, #tpu.memory_space<hbm>>
    tpu.enqueue_dma source(%dma_start3A_5 : memref<10000xi32, #tpu.memory_space<hbm>>) target(%arg12 : memref<10000xi32, #tpu.memory_space<vmem>>) target_semaphore(%arg25 : memref<!tpu.dma_semaphore, #tpu.memory_space<semaphore_mem>>)
    %dma_start3A_6 = tpu.memref_slice %arg4[%mul3A_2] : memref<320000xf32, #tpu.memory_space<hbm>> -> memref<10000xf32, #tpu.memory_space<hbm>>
    %dma_start3A_7 = tpu.memref_slice %arg4[%mul3A_2] : memref<320000xf32, #tpu.memory_space<hbm>> -> memref<10000xf32, #tpu.memory_space<hbm>>
    tpu.enqueue_dma source(%dma_start3A_7 : memref<10000xf32, #tpu.memory_space<hbm>>) target(%arg13 : memref<10000xf32, #tpu.memory_space<vmem>>) target_semaphore(%arg25 : memref<!tpu.dma_semaphore, #tpu.memory_space<semaphore_mem>>)
    tpu.enqueue_dma source(%arg5 : memref<10240xi32, #tpu.memory_space<hbm>>) target(%arg14 : memref<10240xi32, #tpu.memory_space<vmem>>) target_semaphore(%arg25 : memref<!tpu.dma_semaphore, #tpu.memory_space<semaphore_mem>>)
    tpu.enqueue_dma source(%arg6 : memref<10240xi32, #tpu.memory_space<hbm>>) target(%arg15 : memref<10240xi32, #tpu.memory_space<vmem>>) target_semaphore(%arg25 : memref<!tpu.dma_semaphore, #tpu.memory_space<semaphore_mem>>)
    %mul3A_8 = arith.constant 640 : i32
    %mul3A_9 = arith.muli %arg1, %mul3A_8 : i32
    "tpu.region"() ({
      %run_scoped3A = tpu.sem_alloc : memref<!tpu.dma_semaphore, #tpu.memory_space<semaphore_mem>>
      %dma_start3A_61 = arith.constant 0 : i32
      %dma_start3A_62 = tpu.memref_slice %arg24[%mul3A_9, %dma_start3A_61] : memref<10240x64xf32, #tpu.memory_space<vmem_shared>> -> memref<640x64xf32, #tpu.memory_space<vmem_shared>>
      tpu.enqueue_dma source(%arg8 : memref<640x64xf32, #tpu.memory_space<hbm>>) target(%dma_start3A_62 : memref<640x64xf32, #tpu.memory_space<vmem_shared>>) target_semaphore(%run_scoped3A : memref<!tpu.dma_semaphore, #tpu.memory_space<semaphore_mem>>)
      %dma_wait3A_63 = arith.constant 0 : i32
      %dma_wait3A_64 = tpu.memref_slice %arg24[%mul3A_9, %dma_wait3A_63] : memref<10240x64xf32, #tpu.memory_space<vmem_shared>> -> memref<640x64xf32, #tpu.memory_space<vmem_shared>>
      tpu.wait_dma2 semaphore(%run_scoped3A : memref<!tpu.dma_semaphore, #tpu.memory_space<semaphore_mem>>) src(%arg8 : memref<640x64xf32, #tpu.memory_space<hbm>>) dst(%dma_wait3A_64 : memref<640x64xf32, #tpu.memory_space<vmem_shared>>)
      tpu.yield
    }) : () -> ()
    %dma_wait3A = tpu.memref_slice %arg2[%mul3A_2] : memref<320000xi32, #tpu.memory_space<hbm>> -> memref<10000xi32, #tpu.memory_space<hbm>>
    %dma_wait3A_10 = tpu.memref_slice %arg2[%mul3A_2] : memref<320000xi32, #tpu.memory_space<hbm>> -> memref<10000xi32, #tpu.memory_space<hbm>>
    tpu.wait_dma2 semaphore(%arg25 : memref<!tpu.dma_semaphore, #tpu.memory_space<semaphore_mem>>) src(%dma_wait3A_10 : memref<10000xi32, #tpu.memory_space<hbm>>) dst(%arg11 : memref<10000xi32, #tpu.memory_space<vmem>>)
    %dma_wait3A_11 = tpu.memref_slice %arg3[%mul3A_2] : memref<320000xi32, #tpu.memory_space<hbm>> -> memref<10000xi32, #tpu.memory_space<hbm>>
    %dma_wait3A_12 = tpu.memref_slice %arg3[%mul3A_2] : memref<320000xi32, #tpu.memory_space<hbm>> -> memref<10000xi32, #tpu.memory_space<hbm>>
    tpu.wait_dma2 semaphore(%arg25 : memref<!tpu.dma_semaphore, #tpu.memory_space<semaphore_mem>>) src(%dma_wait3A_12 : memref<10000xi32, #tpu.memory_space<hbm>>) dst(%arg12 : memref<10000xi32, #tpu.memory_space<vmem>>)
    %dma_wait3A_13 = tpu.memref_slice %arg4[%mul3A_2] : memref<320000xf32, #tpu.memory_space<hbm>> -> memref<10000xf32, #tpu.memory_space<hbm>>
    %dma_wait3A_14 = tpu.memref_slice %arg4[%mul3A_2] : memref<320000xf32, #tpu.memory_space<hbm>> -> memref<10000xf32, #tpu.memory_space<hbm>>
    tpu.wait_dma2 semaphore(%arg25 : memref<!tpu.dma_semaphore, #tpu.memory_space<semaphore_mem>>) src(%dma_wait3A_14 : memref<10000xf32, #tpu.memory_space<hbm>>) dst(%arg13 : memref<10000xf32, #tpu.memory_space<vmem>>)
    tpu.wait_dma2 semaphore(%arg25 : memref<!tpu.dma_semaphore, #tpu.memory_space<semaphore_mem>>) src(%arg5 : memref<10240xi32, #tpu.memory_space<hbm>>) dst(%arg14 : memref<10240xi32, #tpu.memory_space<vmem>>)
    tpu.wait_dma2 semaphore(%arg25 : memref<!tpu.dma_semaphore, #tpu.memory_space<semaphore_mem>>) src(%arg6 : memref<10240xi32, #tpu.memory_space<hbm>>) dst(%arg15 : memref<10240xi32, #tpu.memory_space<vmem>>)
    %scan3A = arith.constant 0 : i32
    %scan3A_15 = arith.constant 640 : i32
    %scan3A_16 = arith.addi %scan3A, %scan3A_15 : i32
    %scan3A_17 = arith.constant 1 : i32
    scf.for %scan3A_61 = %scan3A to %scan3A_16 step %scan3A_17  : i32 {
      %mul3A_62 = arith.constant 16 : i32
      %mul3A_63 = arith.muli %scan3A_61, %mul3A_62 : i32
      %add3A_64 = arith.constant 0 : i32
      %add3A_65 = arith.addi %add3A_64, %mul3A_63 : i32
      %get3A = arith.index_cast %add3A_65 : i32 to index
      %get3A_66 = tpu.vector_load %arg14[%get3A] {strides = array<i32>} : memref<10240xi32, #tpu.memory_space<vmem>>, vector<16xi32>,
      %get3A_67 = arith.index_cast %add3A_65 : i32 to index
      %get3A_68 = tpu.vector_load %arg15[%get3A_67] {strides = array<i32>} : memref<10240xi32, #tpu.memory_space<vmem>>, vector<16xi32>,
      %add3A_69 = arith.addi %get3A_66, %get3A_68 : vector<16xi32>
      %swap3A = arith.index_cast %add3A_65 : i32 to index
      %swap3A_70 = tpu.vector_load %arg14[%swap3A] {strides = array<i32>} : memref<10240xi32, #tpu.memory_space<vmem>>, vector<16xi32>,
      tpu.vector_store %arg14[%swap3A], %add3A_69 {strides = array<i32>} : memref<10240xi32, #tpu.memory_space<vmem>>, vector<16xi32>,
    }
    %scan3A_18 = arith.constant 640 : i32
    %barrier3A = arith.constant 0 : index
    tpu.barrier barrier_id(%barrier3A)
    %broadcast_in_dim3A = arith.constant 0 : i32
    %broadcast_in_dim3A_19 = vector.broadcast %broadcast_in_dim3A : i32 to vector<16xi32>
    %scan3A_20 = arith.constant 0 : i32
    %scan3A_21 = arith.constant 625 : i32
    %scan3A_22 = arith.addi %scan3A_20, %scan3A_21 : i32
    %scan3A_23 = arith.constant 1 : i32
    %scan3A_24 = scf.for %scan3A_61 = %scan3A_20 to %scan3A_22 step %scan3A_23 iter_args(%scan3A_62 = %broadcast_in_dim3A_19) -> (vector<16xi32>)  : i32 {
      %mul3A_63 = arith.constant 16 : i32
      %mul3A_64 = arith.muli %scan3A_61, %mul3A_63 : i32
      %get3A = arith.index_cast %mul3A_64 : i32 to index
      %get3A_65 = tpu.vector_load %arg11[%get3A] {strides = array<i32>} : memref<10000xi32, #tpu.memory_space<vmem>>, vector<16xi32>,
      %gather3A = tpu.vector_load_idx %arg14[%get3A_65] : memref<10240xi32, #tpu.memory_space<vmem>>[vector<16xi32>], vector<16xi32>,
      %get3A_66 = arith.index_cast %mul3A_64 : i32 to index
      %get3A_67 = tpu.vector_load %arg13[%get3A_66] {strides = array<i32>} : memref<10000xf32, #tpu.memory_space<vmem>>, vector<16xf32>,
      %gt3A = arith.constant 5.000000e-01 : f32
      %gt3A_68 = vector.broadcast %gt3A : f32 to vector<16xf32>
      %gt3A_69 = arith.cmpf ogt, %get3A_67, %gt3A_68 : vector<16xf32>
      %gt3A_70 = arith.constant 0 : i32
      %gt3A_71 = vector.broadcast %gt3A_70 : i32 to vector<16xi32>
      %gt3A_72 = arith.cmpi sgt, %gather3A, %gt3A_71 : vector<16xi32>
      %and3A_73 = arith.andi %gt3A_69, %gt3A_72 : vector<16xi1>
      %all_reduce_population_count3A = tpu.all_reduce %and3A_73 {dim = 0 : i64, kind = #tpu.reduction_kind<sum>} : vector<16xi1> -> vector<16xi32>
      %slice3A_74 = vector.extract_strided_slice %all_reduce_population_count3A {offsets = [0], sizes = [1], strides = [1]} : vector<16xi32> to vector<1xi32>
      %squeeze3A_75 = vector.extract %slice3A_74[0] : i32 from vector<1xi32>
      %ne3A_76 = arith.constant 0 : i32
      %ne3A_77 = arith.cmpi ne, %squeeze3A_75, %ne3A_76 : i32
      %convert_element_type3A_78 = arith.extui %ne3A_77 : i1 to i32
      %cond3A_79 = arith.constant 0 : i32
      %cond3A_80 = arith.cmpi ne, %convert_element_type3A_78, %cond3A_79 : i32
      scf.if %cond3A_80 {
        %jit3A_82 = arith.constant 1 : i32
        %jit3A_83 = arith.constant 0 : i32
        %broadcast_in_dim3A_84 = vector.broadcast %jit3A_82 : i32 to vector<16xi32>
        %broadcast_in_dim3A_85 = vector.broadcast %jit3A_83 : i32 to vector<16xi32>
        %select_n3A_86 = arith.select %and3A_73, %broadcast_in_dim3A_84, %broadcast_in_dim3A_85 : vector<16xi1>, vector<16xi32>
        %broadcast_in_dim3A_87 = arith.constant true
        %broadcast_in_dim3A_88 = vector.broadcast %broadcast_in_dim3A_87 : i1 to vector<16xi1>
        %masked_cumsum3A = tpu.scan <sum>, %select_n3A_86 masked %broadcast_in_dim3A_88 : vector<16xi32>, vector<16xi1> -> vector<16xi32>
        %add3A_89 = arith.addi %scan3A_62, %masked_cumsum3A : vector<16xi32>
        %sub3A_90 = arith.constant 1 : i32
        %sub3A_91 = vector.broadcast %sub3A_90 : i32 to vector<16xi32>
        %sub3A_92 = arith.subi %add3A_89, %sub3A_91 : vector<16xi32>
        %get3A_93 = arith.index_cast %mul3A_64 : i32 to index
        %get3A_94 = tpu.vector_load %arg12[%get3A_93] {strides = array<i32>} : memref<10000xi32, #tpu.memory_space<vmem>>, vector<16xi32>,
        tpu.vector_store_idx %arg16[%sub3A_92], %get3A_94 masked %and3A_73 : memref<10000xi32, #tpu.memory_space<vmem>>[vector<16xi32>], vector<16xi32>, vector<16xi1>
        tpu.vector_store_idx %arg17[%sub3A_92], %get3A_65 masked %and3A_73 : memref<10000xi32, #tpu.memory_space<vmem>>[vector<16xi32>], vector<16xi32>, vector<16xi1>
      } else {
      }
      %add3A_81 = arith.addi %scan3A_62, %all_reduce_population_count3A : vector<16xi32>
      scf.yield %add3A_81 : vector<16xi32>
    }
    %scan3A_25 = arith.constant 625 : i32
    %slice3A = vector.extract_strided_slice %scan3A_24 {offsets = [0], sizes = [1], strides = [1]} : vector<16xi32> to vector<1xi32>
    %squeeze3A = vector.extract %slice3A[0] : i32 from vector<1xi32>
    %add3A_26 = arith.constant 15 : i32
    %add3A_27 = arith.addi %squeeze3A, %add3A_26 : i32
    %jit3A = arith.constant 16 : i32
    %div3A = arith.divsi %add3A_27, %jit3A : i32
    %sign3A = arith.constant 0 : i32
    %sign3A_28 = arith.cmpi sgt, %add3A_27, %sign3A : i32
    %sign3A_29 = arith.extui %sign3A_28 : i1 to i32
    %sign3A_30 = arith.constant 0 : i32
    %sign3A_31 = arith.cmpi slt, %add3A_27, %sign3A_30 : i32
    %sign3A_32 = arith.extui %sign3A_31 : i1 to i32
    %sign3A_33 = arith.subi %sign3A_29, %sign3A_32 : i32
    %sign3A_34 = arith.constant 0 : i32
    %sign3A_35 = arith.cmpi sgt, %jit3A, %sign3A_34 : i32
    %sign3A_36 = arith.extui %sign3A_35 : i1 to i32
    %sign3A_37 = arith.constant 0 : i32
    %sign3A_38 = arith.cmpi slt, %jit3A, %sign3A_37 : i32
    %sign3A_39 = arith.extui %sign3A_38 : i1 to i32
    %sign3A_40 = arith.subi %sign3A_36, %sign3A_39 : i32
    %ne3A = arith.cmpi ne, %sign3A_33, %sign3A_40 : i32
    %rem3A = arith.remsi %add3A_27, %jit3A : i32
    %ne3A_41 = arith.constant 0 : i32
    %ne3A_42 = arith.cmpi ne, %rem3A, %ne3A_41 : i32
    %and3A = arith.andi %ne3A, %ne3A_42 : i1
    %sub3A = arith.constant 1 : i32
    %sub3A_43 = arith.subi %div3A, %sub3A : i32
    %select_n3A = arith.select %and3A, %sub3A_43, %div3A : i32
    %iota3A = tpu.iota {dimensions = array<i32: 0>} : vector<16xi32>
    %while3A = arith.constant 0 : i32
    %while3A_44 = arith.constant 0 : i32
    %while3A_45 = arith.subi %select_n3A, %while3A_44 : i32
    %while3A_46 = arith.addi %while3A_44, %while3A_45 : i32
    %while3A_47 = arith.constant 1 : i32
    %while3A_48 = arith.divsi %while3A_45, %while3A_47 : i32
    %while3A_49 = arith.muli %while3A_48, %while3A_47 : i32
    %while3A_50 = arith.addi %while3A_44, %while3A_49 : i32
    %while3A_51 = arith.constant 1 : i32
    scf.for %while3A_61 = %while3A_44 to %while3A_50 step %while3A_51  : i32 {
      %mul3A_62 = arith.constant 16 : i32
      %mul3A_63 = arith.muli %while3A_61, %mul3A_62 : i32
      %mul3A_64 = arith.constant 16 : i32
      %mul3A_65 = arith.muli %while3A_61, %mul3A_64 : i32
      %add3A_66 = vector.broadcast %mul3A_65 : i32 to vector<16xi32>
      %add3A_67 = arith.addi %add3A_66, %iota3A : vector<16xi32>
      %lt3A = arith.cmpi slt, %add3A_67, %scan3A_24 : vector<16xi32>
      %get3A = arith.index_cast %mul3A_63 : i32 to index
      %get3A_68 = tpu.vector_load %arg16[%get3A] {strides = array<i32>} : memref<10000xi32, #tpu.memory_space<vmem>>, vector<16xi32>,
      %jit3A_69 = arith.constant 0 : i32
      %broadcast_in_dim3A_70 = vector.broadcast %jit3A_69 : i32 to vector<16xi32>
      %select_n3A_71 = arith.select %lt3A, %get3A_68, %broadcast_in_dim3A_70 : vector<16xi1>, vector<16xi32>
      %jit3A_72 = arith.constant 128 : i32
      %div3A_73 = vector.broadcast %jit3A_72 : i32 to vector<16xi32>
      %div3A_74 = arith.divsi %select_n3A_71, %div3A_73 : vector<16xi32>
      %sign3A_75 = arith.constant 0 : i32
      %sign3A_76 = vector.broadcast %sign3A_75 : i32 to vector<16xi32>
      %sign3A_77 = arith.cmpi sgt, %select_n3A_71, %sign3A_76 : vector<16xi32>
      %sign3A_78 = arith.extui %sign3A_77 : vector<16xi1> to vector<16xi32>
      %sign3A_79 = arith.constant 0 : i32
      %sign3A_80 = vector.broadcast %sign3A_79 : i32 to vector<16xi32>
      %sign3A_81 = arith.cmpi slt, %select_n3A_71, %sign3A_80 : vector<16xi32>
      %sign3A_82 = arith.extui %sign3A_81 : vector<16xi1> to vector<16xi32>
      %sign3A_83 = arith.subi %sign3A_78, %sign3A_82 : vector<16xi32>
      %sign3A_84 = arith.constant 0 : i32
      %sign3A_85 = arith.cmpi sgt, %jit3A_72, %sign3A_84 : i32
      %sign3A_86 = arith.extui %sign3A_85 : i1 to i32
      %sign3A_87 = arith.constant 0 : i32
      %sign3A_88 = arith.cmpi slt, %jit3A_72, %sign3A_87 : i32
      %sign3A_89 = arith.extui %sign3A_88 : i1 to i32
      %sign3A_90 = arith.subi %sign3A_86, %sign3A_89 : i32
      %ne3A_91 = vector.broadcast %sign3A_90 : i32 to vector<16xi32>
      %ne3A_92 = arith.cmpi ne, %sign3A_83, %ne3A_91 : vector<16xi32>
      %rem3A_93 = vector.broadcast %jit3A_72 : i32 to vector<16xi32>
      %rem3A_94 = arith.remsi %select_n3A_71, %rem3A_93 : vector<16xi32>
      %ne3A_95 = arith.constant 0 : i32
      %ne3A_96 = vector.broadcast %ne3A_95 : i32 to vector<16xi32>
      %ne3A_97 = arith.cmpi ne, %rem3A_94, %ne3A_96 : vector<16xi32>
      %and3A_98 = arith.andi %ne3A_92, %ne3A_97 : vector<16xi1>
      %sub3A_99 = arith.constant 1 : i32
      %sub3A_100 = vector.broadcast %sub3A_99 : i32 to vector<16xi32>
      %sub3A_101 = arith.subi %div3A_74, %sub3A_100 : vector<16xi32>
      %select_n3A_102 = arith.select %and3A_98, %sub3A_101, %div3A_74 : vector<16xi1>, vector<16xi32>
      %swap3A = arith.constant 0 : index
      %swap3A_103 = tpu.vector_load %arg19[%swap3A] {strides = array<i32>} : memref<16xi32, #tpu.memory_space<vmem>>, vector<16xi32>,
      tpu.vector_store %arg19[%swap3A], %select_n3A_102 {strides = array<i32>} : memref<16xi32, #tpu.memory_space<vmem>>, vector<16xi32>,
      %jit3A_104 = arith.constant 128 : i32
      %eq3A_105 = arith.constant 0 : i32
      %eq3A_106 = arith.cmpi eq, %jit3A_104, %eq3A_105 : i32
      %jit3A_107 = arith.constant 1 : i32
      %select_n3A_108 = arith.select %eq3A_106, %jit3A_107, %jit3A_104 : i32
      %rem3A_109 = vector.broadcast %select_n3A_108 : i32 to vector<16xi32>
      %rem3A_110 = arith.remsi %select_n3A_71, %rem3A_109 : vector<16xi32>
      %ne3A_111 = arith.constant 0 : i32
      %ne3A_112 = vector.broadcast %ne3A_111 : i32 to vector<16xi32>
      %ne3A_113 = arith.cmpi ne, %rem3A_110, %ne3A_112 : vector<16xi32>
      %lt3A_114 = arith.constant 0 : i32
      %lt3A_115 = vector.broadcast %lt3A_114 : i32 to vector<16xi32>
      %lt3A_116 = arith.cmpi slt, %rem3A_110, %lt3A_115 : vector<16xi32>
      %lt3A_117 = arith.constant 0 : i32
      %lt3A_118 = arith.cmpi slt, %select_n3A_108, %lt3A_117 : i32
      %ne3A_119 = vector.broadcast %lt3A_118 : i1 to vector<16xi1>
      %ne3A_120 = vector.broadcast %ne3A_119 : vector<16xi1> to vector<16xi1>
      %ne3A_121 = arith.xori %lt3A_116, %ne3A_120 : vector<16xi1>
      %and3A_122 = arith.andi %ne3A_121, %ne3A_113 : vector<16xi1>
      %add3A_123 = vector.broadcast %select_n3A_108 : i32 to vector<16xi32>
      %add3A_124 = arith.addi %rem3A_110, %add3A_123 : vector<16xi32>
      %select_n3A_125 = arith.select %and3A_122, %add3A_124, %rem3A_110 : vector<16xi1>, vector<16xi32>
      %swap3A_126 = arith.constant 0 : index
      %swap3A_127 = tpu.vector_load %arg20[%swap3A_126] {strides = array<i32>} : memref<16xi32, #tpu.memory_space<vmem>>, vector<16xi32>,
      tpu.vector_store %arg20[%swap3A_126], %select_n3A_125 {strides = array<i32>} : memref<16xi32, #tpu.memory_space<vmem>>, vector<16xi32>,
      %get3A_128 = arith.index_cast %mul3A_63 : i32 to index
      %get3A_129 = tpu.vector_load %arg17[%get3A_128] {strides = array<i32>} : memref<10000xi32, #tpu.memory_space<vmem>>, vector<16xi32>,
      %jit3A_130 = arith.constant 10000 : i32
      %broadcast_in_dim3A_131 = vector.broadcast %jit3A_130 : i32 to vector<16xi32>
      %select_n3A_132 = arith.select %lt3A, %get3A_129, %broadcast_in_dim3A_131 : vector<16xi1>, vector<16xi32>
      %swap3A_133 = arith.constant 0 : index
      %swap3A_134 = tpu.vector_load %arg23[%swap3A_133] {strides = array<i32>} : memref<16xi32, #tpu.memory_space<vmem>>, vector<16xi32>,
      tpu.vector_store %arg23[%swap3A_133], %select_n3A_132 {strides = array<i32>} : memref<16xi32, #tpu.memory_space<vmem>>, vector<16xi32>,
      %scan3A_135 = arith.constant 0 : i32
      %scan3A_136 = arith.constant 16 : i32
      %scan3A_137 = arith.addi %scan3A_135, %scan3A_136 : i32
      %scan3A_138 = arith.constant 1 : i32
      scf.for %scan3A_140 = %scan3A_135 to %scan3A_137 step %scan3A_138  : i32 {
        %mul3A_141 = arith.constant 1 : i32
        %mul3A_142 = arith.muli %scan3A_140, %mul3A_141 : i32
        %add3A_143 = arith.constant 0 : i32
        %add3A_144 = arith.addi %add3A_143, %mul3A_142 : i32
        %broadcast_in_dim3A_145 = arith.constant 0 : i32
        %broadcast_in_dim3A_146 = vector.broadcast %broadcast_in_dim3A_145 : i32 to vector<16xi32>
        %add3A_147 = vector.broadcast %add3A_144 : i32 to vector<16xi32>
        %add3A_148 = arith.addi %broadcast_in_dim3A_146, %add3A_147 : vector<16xi32>
        %gather3A = tpu.vector_load_idx %arg19[%add3A_148] : memref<16xi32, #tpu.memory_space<vmem>>[vector<16xi32>], vector<16xi32>,
        %broadcast_in_dim3A_149 = arith.constant 0 : i32
        %broadcast_in_dim3A_150 = vector.broadcast %broadcast_in_dim3A_149 : i32 to vector<16xi32>
        %add3A_151 = vector.broadcast %add3A_144 : i32 to vector<16xi32>
        %add3A_152 = arith.addi %broadcast_in_dim3A_150, %add3A_151 : vector<16xi32>
        %gather3A_153 = tpu.vector_load_idx %arg20[%add3A_152] : memref<16xi32, #tpu.memory_space<vmem>>[vector<16xi32>], vector<16xi32>,
        %scan3A_154 = arith.constant 0 : i32
        %scan3A_155 = arith.constant 4 : i32
        %scan3A_156 = arith.addi %scan3A_154, %scan3A_155 : i32
        %scan3A_157 = arith.constant 1 : i32
        scf.for %scan3A_164 = %scan3A_154 to %scan3A_156 step %scan3A_157  : i32 {
          %mul3A_165 = arith.constant 16 : i32
          %mul3A_166 = arith.muli %scan3A_164, %mul3A_165 : i32
          %add3A_167 = arith.constant 0 : i32
          %add3A_168 = arith.addi %add3A_167, %mul3A_166 : i32
          %add3A_169 = vector.broadcast %add3A_168 : i32 to vector<16xi32>
          %add3A_170 = arith.addi %add3A_169, %iota3A : vector<16xi32>
          %mul3A_171 = arith.constant 3125 : i32
          %mul3A_172 = vector.broadcast %mul3A_171 : i32 to vector<16xi32>
          %mul3A_173 = arith.muli %add3A_170, %mul3A_172 : vector<16xi32>
          %add3A_174 = arith.addi %mul3A_173, %gather3A : vector<16xi32>
          %swap3A_175 = arith.index_cast %add3A_168 : i32 to index
          %swap3A_176 = tpu.vector_load %arg21[%swap3A_175] {strides = array<i32>} : memref<64xi32, #tpu.memory_space<vmem>>, vector<16xi32>,
          tpu.vector_store %arg21[%swap3A_175], %add3A_174 {strides = array<i32>} : memref<64xi32, #tpu.memory_space<vmem>>, vector<16xi32>,
        }
        %scan3A_158 = arith.constant 4 : i32
        "tpu.region"() ({
          %run_scoped3A = tpu.sem_alloc : memref<!tpu.dma_semaphore, #tpu.memory_space<semaphore_mem>>
          %dma_start3A_164 = arith.constant 0 : i32
          %dma_start3A_165 = arith.constant 0 : i32
          %dma_start3A_166 = tpu.memref_slice %arg7[%dma_start3A_164, %dma_start3A_165] : memref<200000x128xf32, #tpu.memory_space<hbm>> -> memref<200000x128xf32, #tpu.memory_space<hbm>>
          tpu.enqueue_indirect_dma source(%dma_start3A_166 : memref<200000x128xf32, #tpu.memory_space<hbm>>) target(%arg22 : memref<64x128xf32, #tpu.memory_space<vmem>>) offsets(%arg21 : memref<64xi32, #tpu.memory_space<vmem>>) semaphore(%run_scoped3A : memref<!tpu.dma_semaphore, #tpu.memory_space<semaphore_mem>>)
          %dma_wait3A_167 = arith.constant 0 : i32
          %dma_wait3A_168 = arith.constant 0 : i32
          %dma_wait3A_169 = tpu.memref_slice %arg7[%dma_wait3A_167, %dma_wait3A_168] : memref<200000x128xf32, #tpu.memory_space<hbm>> -> memref<200000x128xf32, #tpu.memory_space<hbm>>
          tpu.wait_indirect_dma semaphore(%run_scoped3A : memref<!tpu.dma_semaphore, #tpu.memory_space<semaphore_mem>>) src(%dma_wait3A_169 : memref<200000x128xf32, #tpu.memory_space<hbm>>) dst(%arg22 : memref<64x128xf32, #tpu.memory_space<vmem>>)
          tpu.yield
        }) : () -> ()
        %scan3A_159 = arith.constant 0 : i32
        %scan3A_160 = arith.constant 4 : i32
        %scan3A_161 = arith.addi %scan3A_159, %scan3A_160 : i32
        %scan3A_162 = arith.constant 1 : i32
        scf.for %scan3A_164 = %scan3A_159 to %scan3A_161 step %scan3A_162  : i32 {
          %mul3A_165 = arith.constant 16 : i32
          %mul3A_166 = arith.muli %scan3A_164, %mul3A_165 : i32
          %add3A_167 = arith.constant 0 : i32
          %add3A_168 = arith.addi %add3A_167, %mul3A_166 : i32
          %add3A_169 = vector.broadcast %add3A_168 : i32 to vector<16xi32>
          %add3A_170 = arith.addi %add3A_169, %iota3A : vector<16xi32>
          %gather3A_171 = tpu.vector_load_idx %arg22[%add3A_170, %gather3A_153] : memref<64x128xf32, #tpu.memory_space<vmem>>[vector<16xi32>, vector<16xi32>], vector<16xf32>,
          %swap3A_172 = arith.index_cast %add3A_144 : i32 to index
          %swap3A_173 = arith.index_cast %add3A_168 : i32 to index
          %swap3A_174 = tpu.vector_load %arg18[%swap3A_172, %swap3A_173] {strides = array<i32>} : memref<16x64xf32, #tpu.memory_space<vmem>>, vector<16xf32>,
          tpu.vector_store %arg18[%swap3A_172, %swap3A_173], %gather3A_171 {strides = array<i32>} : memref<16x64xf32, #tpu.memory_space<vmem>>, vector<16xf32>,
        }
        %scan3A_163 = arith.constant 4 : i32
      }
      %scan3A_139 = arith.constant 16 : i32
      "tpu.region"() ({
        %run_scoped3A = tpu.sem_alloc : memref<!tpu.dma_semaphore, #tpu.memory_space<semaphore_mem>>
        %dma_start3A_140 = arith.constant 0 : i32
        %dma_start3A_141 = arith.constant 0 : i32
        %dma_start3A_142 = tpu.memref_slice %arg24[%dma_start3A_140, %dma_start3A_141] : memref<10240x64xf32, #tpu.memory_space<vmem_shared>> -> memref<10240x64xf32, #tpu.memory_space<vmem_shared>>
        tpu.enqueue_indirect_dma source(%arg18 : memref<16x64xf32, #tpu.memory_space<vmem>>) target(%dma_start3A_142 : memref<10240x64xf32, #tpu.memory_space<vmem_shared>>) offsets(%arg23 : memref<16xi32, #tpu.memory_space<vmem>>) semaphore(%run_scoped3A : memref<!tpu.dma_semaphore, #tpu.memory_space<semaphore_mem>>) {add = true}
        %dma_wait3A_143 = arith.constant 0 : i32
        %dma_wait3A_144 = arith.constant 0 : i32
        %dma_wait3A_145 = tpu.memref_slice %arg24[%dma_wait3A_143, %dma_wait3A_144] : memref<10240x64xf32, #tpu.memory_space<vmem_shared>> -> memref<10240x64xf32, #tpu.memory_space<vmem_shared>>
        tpu.wait_indirect_dma semaphore(%run_scoped3A : memref<!tpu.dma_semaphore, #tpu.memory_space<semaphore_mem>>) src(%arg18 : memref<16x64xf32, #tpu.memory_space<vmem>>) dst(%dma_wait3A_145 : memref<10240x64xf32, #tpu.memory_space<vmem_shared>>)
        tpu.yield
      }) : () -> ()
    }
    %while3A_52 = arith.constant 1 : i32
    scf.for %while3A_61 = %while3A_50 to %while3A_46 step %while3A_52  : i32 {
      %mul3A_62 = arith.constant 16 : i32
      %mul3A_63 = arith.muli %while3A_61, %mul3A_62 : i32
      %mul3A_64 = arith.constant 16 : i32
      %mul3A_65 = arith.muli %while3A_61, %mul3A_64 : i32
      %add3A_66 = vector.broadcast %mul3A_65 : i32 to vector<16xi32>
      %add3A_67 = arith.addi %add3A_66, %iota3A : vector<16xi32>
      %lt3A = arith.cmpi slt, %add3A_67, %scan3A_24 : vector<16xi32>
      %get3A = arith.index_cast %mul3A_63 : i32 to index
      %get3A_68 = tpu.vector_load %arg16[%get3A] {strides = array<i32>} : memref<10000xi32, #tpu.memory_space<vmem>>, vector<16xi32>,
      %jit3A_69 = arith.constant 0 : i32
      %broadcast_in_dim3A_70 = vector.broadcast %jit3A_69 : i32 to vector<16xi32>
      %select_n3A_71 = arith.select %lt3A, %get3A_68, %broadcast_in_dim3A_70 : vector<16xi1>, vector<16xi32>
      %jit3A_72 = arith.constant 128 : i32
      %div3A_73 = vector.broadcast %jit3A_72 : i32 to vector<16xi32>
      %div3A_74 = arith.divsi %select_n3A_71, %div3A_73 : vector<16xi32>
      %sign3A_75 = arith.constant 0 : i32
      %sign3A_76 = vector.broadcast %sign3A_75 : i32 to vector<16xi32>
      %sign3A_77 = arith.cmpi sgt, %select_n3A_71, %sign3A_76 : vector<16xi32>
      %sign3A_78 = arith.extui %sign3A_77 : vector<16xi1> to vector<16xi32>
      %sign3A_79 = arith.constant 0 : i32
      %sign3A_80 = vector.broadcast %sign3A_79 : i32 to vector<16xi32>
      %sign3A_81 = arith.cmpi slt, %select_n3A_71, %sign3A_80 : vector<16xi32>
      %sign3A_82 = arith.extui %sign3A_81 : vector<16xi1> to vector<16xi32>
      %sign3A_83 = arith.subi %sign3A_78, %sign3A_82 : vector<16xi32>
      %sign3A_84 = arith.constant 0 : i32
      %sign3A_85 = arith.cmpi sgt, %jit3A_72, %sign3A_84 : i32
      %sign3A_86 = arith.extui %sign3A_85 : i1 to i32
      %sign3A_87 = arith.constant 0 : i32
      %sign3A_88 = arith.cmpi slt, %jit3A_72, %sign3A_87 : i32
      %sign3A_89 = arith.extui %sign3A_88 : i1 to i32
      %sign3A_90 = arith.subi %sign3A_86, %sign3A_89 : i32
      %ne3A_91 = vector.broadcast %sign3A_90 : i32 to vector<16xi32>
      %ne3A_92 = arith.cmpi ne, %sign3A_83, %ne3A_91 : vector<16xi32>
      %rem3A_93 = vector.broadcast %jit3A_72 : i32 to vector<16xi32>
      %rem3A_94 = arith.remsi %select_n3A_71, %rem3A_93 : vector<16xi32>
      %ne3A_95 = arith.constant 0 : i32
      %ne3A_96 = vector.broadcast %ne3A_95 : i32 to vector<16xi32>
      %ne3A_97 = arith.cmpi ne, %rem3A_94, %ne3A_96 : vector<16xi32>
      %and3A_98 = arith.andi %ne3A_92, %ne3A_97 : vector<16xi1>
      %sub3A_99 = arith.constant 1 : i32
      %sub3A_100 = vector.broadcast %sub3A_99 : i32 to vector<16xi32>
      %sub3A_101 = arith.subi %div3A_74, %sub3A_100 : vector<16xi32>
      %select_n3A_102 = arith.select %and3A_98, %sub3A_101, %div3A_74 : vector<16xi1>, vector<16xi32>
      %swap3A = arith.constant 0 : index
      %swap3A_103 = tpu.vector_load %arg19[%swap3A] {strides = array<i32>} : memref<16xi32, #tpu.memory_space<vmem>>, vector<16xi32>,
      tpu.vector_store %arg19[%swap3A], %select_n3A_102 {strides = array<i32>} : memref<16xi32, #tpu.memory_space<vmem>>, vector<16xi32>,
      %jit3A_104 = arith.constant 128 : i32
      %eq3A_105 = arith.constant 0 : i32
      %eq3A_106 = arith.cmpi eq, %jit3A_104, %eq3A_105 : i32
      %jit3A_107 = arith.constant 1 : i32
      %select_n3A_108 = arith.select %eq3A_106, %jit3A_107, %jit3A_104 : i32
      %rem3A_109 = vector.broadcast %select_n3A_108 : i32 to vector<16xi32>
      %rem3A_110 = arith.remsi %select_n3A_71, %rem3A_109 : vector<16xi32>
      %ne3A_111 = arith.constant 0 : i32
      %ne3A_112 = vector.broadcast %ne3A_111 : i32 to vector<16xi32>
      %ne3A_113 = arith.cmpi ne, %rem3A_110, %ne3A_112 : vector<16xi32>
      %lt3A_114 = arith.constant 0 : i32
      %lt3A_115 = vector.broadcast %lt3A_114 : i32 to vector<16xi32>
      %lt3A_116 = arith.cmpi slt, %rem3A_110, %lt3A_115 : vector<16xi32>
      %lt3A_117 = arith.constant 0 : i32
      %lt3A_118 = arith.cmpi slt, %select_n3A_108, %lt3A_117 : i32
      %ne3A_119 = vector.broadcast %lt3A_118 : i1 to vector<16xi1>
      %ne3A_120 = vector.broadcast %ne3A_119 : vector<16xi1> to vector<16xi1>
      %ne3A_121 = arith.xori %lt3A_116, %ne3A_120 : vector<16xi1>
      %and3A_122 = arith.andi %ne3A_121, %ne3A_113 : vector<16xi1>
      %add3A_123 = vector.broadcast %select_n3A_108 : i32 to vector<16xi32>
      %add3A_124 = arith.addi %rem3A_110, %add3A_123 : vector<16xi32>
      %select_n3A_125 = arith.select %and3A_122, %add3A_124, %rem3A_110 : vector<16xi1>, vector<16xi32>
      %swap3A_126 = arith.constant 0 : index
      %swap3A_127 = tpu.vector_load %arg20[%swap3A_126] {strides = array<i32>} : memref<16xi32, #tpu.memory_space<vmem>>, vector<16xi32>,
      tpu.vector_store %arg20[%swap3A_126], %select_n3A_125 {strides = array<i32>} : memref<16xi32, #tpu.memory_space<vmem>>, vector<16xi32>,
      %get3A_128 = arith.index_cast %mul3A_63 : i32 to index
      %get3A_129 = tpu.vector_load %arg17[%get3A_128] {strides = array<i32>} : memref<10000xi32, #tpu.memory_space<vmem>>, vector<16xi32>,
      %jit3A_130 = arith.constant 10000 : i32
      %broadcast_in_dim3A_131 = vector.broadcast %jit3A_130 : i32 to vector<16xi32>
      %select_n3A_132 = arith.select %lt3A, %get3A_129, %broadcast_in_dim3A_131 : vector<16xi1>, vector<16xi32>
      %swap3A_133 = arith.constant 0 : index
      %swap3A_134 = tpu.vector_load %arg23[%swap3A_133] {strides = array<i32>} : memref<16xi32, #tpu.memory_space<vmem>>, vector<16xi32>,
      tpu.vector_store %arg23[%swap3A_133], %select_n3A_132 {strides = array<i32>} : memref<16xi32, #tpu.memory_space<vmem>>, vector<16xi32>,
      %scan3A_135 = arith.constant 0 : i32
      %scan3A_136 = arith.constant 16 : i32
      %scan3A_137 = arith.addi %scan3A_135, %scan3A_136 : i32
      %scan3A_138 = arith.constant 1 : i32
      scf.for %scan3A_140 = %scan3A_135 to %scan3A_137 step %scan3A_138  : i32 {
        %mul3A_141 = arith.constant 1 : i32
        %mul3A_142 = arith.muli %scan3A_140, %mul3A_141 : i32
        %add3A_143 = arith.constant 0 : i32
        %add3A_144 = arith.addi %add3A_143, %mul3A_142 : i32
        %broadcast_in_dim3A_145 = arith.constant 0 : i32
        %broadcast_in_dim3A_146 = vector.broadcast %broadcast_in_dim3A_145 : i32 to vector<16xi32>
        %add3A_147 = vector.broadcast %add3A_144 : i32 to vector<16xi32>
        %add3A_148 = arith.addi %broadcast_in_dim3A_146, %add3A_147 : vector<16xi32>
        %gather3A = tpu.vector_load_idx %arg19[%add3A_148] : memref<16xi32, #tpu.memory_space<vmem>>[vector<16xi32>], vector<16xi32>,
        %broadcast_in_dim3A_149 = arith.constant 0 : i32
        %broadcast_in_dim3A_150 = vector.broadcast %broadcast_in_dim3A_149 : i32 to vector<16xi32>
        %add3A_151 = vector.broadcast %add3A_144 : i32 to vector<16xi32>
        %add3A_152 = arith.addi %broadcast_in_dim3A_150, %add3A_151 : vector<16xi32>
        %gather3A_153 = tpu.vector_load_idx %arg20[%add3A_152] : memref<16xi32, #tpu.memory_space<vmem>>[vector<16xi32>], vector<16xi32>,
        %scan3A_154 = arith.constant 0 : i32
        %scan3A_155 = arith.constant 4 : i32
        %scan3A_156 = arith.addi %scan3A_154, %scan3A_155 : i32
        %scan3A_157 = arith.constant 1 : i32
        scf.for %scan3A_164 = %scan3A_154 to %scan3A_156 step %scan3A_157  : i32 {
          %mul3A_165 = arith.constant 16 : i32
          %mul3A_166 = arith.muli %scan3A_164, %mul3A_165 : i32
          %add3A_167 = arith.constant 0 : i32
          %add3A_168 = arith.addi %add3A_167, %mul3A_166 : i32
          %add3A_169 = vector.broadcast %add3A_168 : i32 to vector<16xi32>
          %add3A_170 = arith.addi %add3A_169, %iota3A : vector<16xi32>
          %mul3A_171 = arith.constant 3125 : i32
          %mul3A_172 = vector.broadcast %mul3A_171 : i32 to vector<16xi32>
          %mul3A_173 = arith.muli %add3A_170, %mul3A_172 : vector<16xi32>
          %add3A_174 = arith.addi %mul3A_173, %gather3A : vector<16xi32>
          %swap3A_175 = arith.index_cast %add3A_168 : i32 to index
          %swap3A_176 = tpu.vector_load %arg21[%swap3A_175] {strides = array<i32>} : memref<64xi32, #tpu.memory_space<vmem>>, vector<16xi32>,
          tpu.vector_store %arg21[%swap3A_175], %add3A_174 {strides = array<i32>} : memref<64xi32, #tpu.memory_space<vmem>>, vector<16xi32>,
        }
        %scan3A_158 = arith.constant 4 : i32
        "tpu.region"() ({
          %run_scoped3A = tpu.sem_alloc : memref<!tpu.dma_semaphore, #tpu.memory_space<semaphore_mem>>
          %dma_start3A_164 = arith.constant 0 : i32
          %dma_start3A_165 = arith.constant 0 : i32
          %dma_start3A_166 = tpu.memref_slice %arg7[%dma_start3A_164, %dma_start3A_165] : memref<200000x128xf32, #tpu.memory_space<hbm>> -> memref<200000x128xf32, #tpu.memory_space<hbm>>
          tpu.enqueue_indirect_dma source(%dma_start3A_166 : memref<200000x128xf32, #tpu.memory_space<hbm>>) target(%arg22 : memref<64x128xf32, #tpu.memory_space<vmem>>) offsets(%arg21 : memref<64xi32, #tpu.memory_space<vmem>>) semaphore(%run_scoped3A : memref<!tpu.dma_semaphore, #tpu.memory_space<semaphore_mem>>)
          %dma_wait3A_167 = arith.constant 0 : i32
          %dma_wait3A_168 = arith.constant 0 : i32
          %dma_wait3A_169 = tpu.memref_slice %arg7[%dma_wait3A_167, %dma_wait3A_168] : memref<200000x128xf32, #tpu.memory_space<hbm>> -> memref<200000x128xf32, #tpu.memory_space<hbm>>
          tpu.wait_indirect_dma semaphore(%run_scoped3A : memref<!tpu.dma_semaphore, #tpu.memory_space<semaphore_mem>>) src(%dma_wait3A_169 : memref<200000x128xf32, #tpu.memory_space<hbm>>) dst(%arg22 : memref<64x128xf32, #tpu.memory_space<vmem>>)
          tpu.yield
        }) : () -> ()
        %scan3A_159 = arith.constant 0 : i32
        %scan3A_160 = arith.constant 4 : i32
        %scan3A_161 = arith.addi %scan3A_159, %scan3A_160 : i32
        %scan3A_162 = arith.constant 1 : i32
        scf.for %scan3A_164 = %scan3A_159 to %scan3A_161 step %scan3A_162  : i32 {
          %mul3A_165 = arith.constant 16 : i32
          %mul3A_166 = arith.muli %scan3A_164, %mul3A_165 : i32
          %add3A_167 = arith.constant 0 : i32
          %add3A_168 = arith.addi %add3A_167, %mul3A_166 : i32
          %add3A_169 = vector.broadcast %add3A_168 : i32 to vector<16xi32>
          %add3A_170 = arith.addi %add3A_169, %iota3A : vector<16xi32>
          %gather3A_171 = tpu.vector_load_idx %arg22[%add3A_170, %gather3A_153] : memref<64x128xf32, #tpu.memory_space<vmem>>[vector<16xi32>, vector<16xi32>], vector<16xf32>,
          %swap3A_172 = arith.index_cast %add3A_144 : i32 to index
          %swap3A_173 = arith.index_cast %add3A_168 : i32 to index
          %swap3A_174 = tpu.vector_load %arg18[%swap3A_172, %swap3A_173] {strides = array<i32>} : memref<16x64xf32, #tpu.memory_space<vmem>>, vector<16xf32>,
          tpu.vector_store %arg18[%swap3A_172, %swap3A_173], %gather3A_171 {strides = array<i32>} : memref<16x64xf32, #tpu.memory_space<vmem>>, vector<16xf32>,
        }
        %scan3A_163 = arith.constant 4 : i32
      }
      %scan3A_139 = arith.constant 16 : i32
      "tpu.region"() ({
        %run_scoped3A = tpu.sem_alloc : memref<!tpu.dma_semaphore, #tpu.memory_space<semaphore_mem>>
        %dma_start3A_140 = arith.constant 0 : i32
        %dma_start3A_141 = arith.constant 0 : i32
        %dma_start3A_142 = tpu.memref_slice %arg24[%dma_start3A_140, %dma_start3A_141] : memref<10240x64xf32, #tpu.memory_space<vmem_shared>> -> memref<10240x64xf32, #tpu.memory_space<vmem_shared>>
        tpu.enqueue_indirect_dma source(%arg18 : memref<16x64xf32, #tpu.memory_space<vmem>>) target(%dma_start3A_142 : memref<10240x64xf32, #tpu.memory_space<vmem_shared>>) offsets(%arg23 : memref<16xi32, #tpu.memory_space<vmem>>) semaphore(%run_scoped3A : memref<!tpu.dma_semaphore, #tpu.memory_space<semaphore_mem>>) {add = true}
        %dma_wait3A_143 = arith.constant 0 : i32
        %dma_wait3A_144 = arith.constant 0 : i32
        %dma_wait3A_145 = tpu.memref_slice %arg24[%dma_wait3A_143, %dma_wait3A_144] : memref<10240x64xf32, #tpu.memory_space<vmem_shared>> -> memref<10240x64xf32, #tpu.memory_space<vmem_shared>>
        tpu.wait_indirect_dma semaphore(%run_scoped3A : memref<!tpu.dma_semaphore, #tpu.memory_space<semaphore_mem>>) src(%arg18 : memref<16x64xf32, #tpu.memory_space<vmem>>) dst(%dma_wait3A_145 : memref<10240x64xf32, #tpu.memory_space<vmem_shared>>)
        tpu.yield
      }) : () -> ()
    }
    %barrier3A_53 = arith.constant 0 : index
    tpu.barrier barrier_id(%barrier3A_53)
    %eq3A = arith.constant 0 : i32
    %eq3A_54 = arith.cmpi eq, %arg0, %eq3A : i32
    %convert_element_type3A = arith.extui %eq3A_54 : i1 to i32
    %cond3A = arith.constant 0 : i32
    %cond3A_55 = arith.cmpi ne, %convert_element_type3A, %cond3A : i32
    scf.if %cond3A_55 {
      %mul3A_61 = arith.constant 640 : i32
      %mul3A_62 = arith.muli %arg1, %mul3A_61 : i32
      %mul3A_63 = arith.constant 640 : i32
      %mul3A_64 = arith.muli %arg1, %mul3A_63 : i32
      "tpu.region"() ({
        %run_scoped3A = tpu.sem_alloc : memref<!tpu.dma_semaphore, #tpu.memory_space<semaphore_mem>>
        %dma_start3A_65 = arith.constant 0 : i32
        %dma_start3A_66 = tpu.memref_slice %arg9[%mul3A_64, %dma_start3A_65] : memref<10240x64xf32, #tpu.memory_space<hbm>> -> memref<640x64xf32, #tpu.memory_space<hbm>>
        %dma_start3A_67 = arith.constant 0 : i32
        %dma_start3A_68 = tpu.memref_slice %arg24[%mul3A_62, %dma_start3A_67] : memref<10240x64xf32, #tpu.memory_space<vmem_shared>> -> memref<640x64xf32, #tpu.memory_space<vmem_shared>>
        tpu.enqueue_dma source(%dma_start3A_68 : memref<640x64xf32, #tpu.memory_space<vmem_shared>>) target(%dma_start3A_66 : memref<640x64xf32, #tpu.memory_space<hbm>>) target_semaphore(%run_scoped3A : memref<!tpu.dma_semaphore, #tpu.memory_space<semaphore_mem>>)
        %dma_wait3A_69 = arith.constant 0 : i32
        %dma_wait3A_70 = tpu.memref_slice %arg9[%mul3A_64, %dma_wait3A_69] : memref<10240x64xf32, #tpu.memory_space<hbm>> -> memref<640x64xf32, #tpu.memory_space<hbm>>
        %dma_wait3A_71 = arith.constant 0 : i32
        %dma_wait3A_72 = tpu.memref_slice %arg24[%mul3A_62, %dma_wait3A_71] : memref<10240x64xf32, #tpu.memory_space<vmem_shared>> -> memref<640x64xf32, #tpu.memory_space<vmem_shared>>
        tpu.wait_dma2 semaphore(%run_scoped3A : memref<!tpu.dma_semaphore, #tpu.memory_space<semaphore_mem>>) src(%dma_wait3A_72 : memref<640x64xf32, #tpu.memory_space<vmem_shared>>) dst(%dma_wait3A_70 : memref<640x64xf32, #tpu.memory_space<hbm>>)
        tpu.yield
      }) : () -> ()
    } else {
    }
    %eq3A_56 = arith.constant 1 : i32
    %eq3A_57 = arith.cmpi eq, %arg0, %eq3A_56 : i32
    %convert_element_type3A_58 = arith.extui %eq3A_57 : i1 to i32
    %cond3A_59 = arith.constant 0 : i32
    %cond3A_60 = arith.cmpi ne, %convert_element_type3A_58, %cond3A_59 : i32
    scf.if %cond3A_60 {
      %mul3A_61 = arith.constant 640 : i32
      %mul3A_62 = arith.muli %arg1, %mul3A_61 : i32
      %mul3A_63 = arith.constant 640 : i32
      %mul3A_64 = arith.muli %arg1, %mul3A_63 : i32
      "tpu.region"() ({
        %run_scoped3A = tpu.sem_alloc : memref<!tpu.dma_semaphore, #tpu.memory_space<semaphore_mem>>
        %dma_start3A_65 = arith.constant 0 : i32
        %dma_start3A_66 = tpu.memref_slice %arg10[%mul3A_64, %dma_start3A_65] : memref<10240x64xf32, #tpu.memory_space<hbm>> -> memref<640x64xf32, #tpu.memory_space<hbm>>
        %dma_start3A_67 = arith.constant 0 : i32
        %dma_start3A_68 = tpu.memref_slice %arg24[%mul3A_62, %dma_start3A_67] : memref<10240x64xf32, #tpu.memory_space<vmem_shared>> -> memref<640x64xf32, #tpu.memory_space<vmem_shared>>
        tpu.enqueue_dma source(%dma_start3A_68 : memref<640x64xf32, #tpu.memory_space<vmem_shared>>) target(%dma_start3A_66 : memref<640x64xf32, #tpu.memory_space<hbm>>) target_semaphore(%run_scoped3A : memref<!tpu.dma_semaphore, #tpu.memory_space<semaphore_mem>>)
        %dma_wait3A_69 = arith.constant 0 : i32
        %dma_wait3A_70 = tpu.memref_slice %arg10[%mul3A_64, %dma_wait3A_69] : memref<10240x64xf32, #tpu.memory_space<hbm>> -> memref<640x64xf32, #tpu.memory_space<hbm>>
        %dma_wait3A_71 = arith.constant 0 : i32
        %dma_wait3A_72 = tpu.memref_slice %arg24[%mul3A_62, %dma_wait3A_71] : memref<10240x64xf32, #tpu.memory_space<vmem_shared>> -> memref<640x64xf32, #tpu.memory_space<vmem_shared>>
        tpu.wait_dma2 semaphore(%run_scoped3A : memref<!tpu.dma_semaphore, #tpu.memory_space<semaphore_mem>>) src(%dma_wait3A_72 : memref<640x64xf32, #tpu.memory_space<vmem_shared>>) dst(%dma_wait3A_70 : memref<640x64xf32, #tpu.memory_space<hbm>>)
        tpu.yield
      }) : () -> ()
    } else {
    }
    return
  }
}

#map = affine_map<(d0, d1) -> (0)>
module attributes {stable_mosaic.version = 14 : i64} {
  func.func @_k1_body(%arg0: i32, %arg1: i32, %arg2: memref<320000xf32, #tpu.memory_space<hbm>>, %arg3: memref<320000xf32, #tpu.memory_space<hbm>>, %arg4: memref<320000xf32, #tpu.memory_space<hbm>>, %arg5: memref<320000xi32, #tpu.memory_space<hbm>>, %arg6: memref<320000xi32, #tpu.memory_space<hbm>>, %arg7: memref<16xi32, #tpu.memory_space<hbm>>, %arg8: memref<320000xf32, #tpu.memory_space<hbm>>, %arg9: memref<320000xf32, #tpu.memory_space<hbm>>, %arg10: memref<10240xi32, #tpu.memory_space<hbm>>, %arg11: memref<10240xi32, #tpu.memory_space<hbm>>, %arg12: memref<320000xi32, #tpu.memory_space<hbm>>, %arg13: memref<512xi32, #tpu.memory_space<hbm>>, %arg14: memref<10000xf32, #tpu.memory_space<vmem>>, %arg15: memref<10000xf32, #tpu.memory_space<vmem>>, %arg16: memref<10000xf32, #tpu.memory_space<vmem>>, %arg17: memref<10000xi32, #tpu.memory_space<vmem>>, %arg18: memref<10000xi32, #tpu.memory_space<vmem>>, %arg19: memref<16xi32, #tpu.memory_space<vmem>>, %arg20: memref<10000xf32, #tpu.memory_space<vmem>>, %arg21: memref<10000xf32, #tpu.memory_space<vmem>>, %arg22: memref<10000xi32, #tpu.memory_space<vmem>>, %arg23: memref<16xi32, #tpu.memory_space<vmem>>, %arg24: memref<16xi32, #tpu.memory_space<vmem>>, %arg25: memref<16xi32, #tpu.memory_space<vmem>>, %arg26: memref<10240xi32, #tpu.memory_space<vmem_shared>>, %arg27: memref<!tpu.dma_semaphore, #tpu.memory_space<semaphore_mem>>) attributes {dimension_semantics = [#tpu.dimension_semantics<core_parallel>, #tpu.dimension_semantics<subcore_parallel>], iteration_bounds = array<i64: 2, 16>, scalar_prefetch = 0 : i64, scratch_operands = 14 : i64, tpu.core_type = #tpu.core_type<sc_vector_subcore>, window_params = [{transform_indices = #map}, {transform_indices = #map}, {transform_indices = #map}, {transform_indices = #map}, {transform_indices = #map}, {transform_indices = #map}, {transform_indices = #map}, {transform_indices = #map}, {transform_indices = #map}, {transform_indices = #map}, {transform_indices = #map}, {transform_indices = #map}]} {
    %mul3A = arith.constant 16 : i32
    %mul3A_0 = arith.muli %arg0, %mul3A : i32
    %add3A = arith.addi %mul3A_0, %arg1 : i32
    %mul3A_1 = arith.constant 10000 : i32
    %mul3A_2 = arith.muli %add3A, %mul3A_1 : i32
    %dma_start3A = tpu.memref_slice %arg2[%mul3A_2] : memref<320000xf32, #tpu.memory_space<hbm>> -> memref<10000xf32, #tpu.memory_space<hbm>>
    %dma_start3A_3 = tpu.memref_slice %arg2[%mul3A_2] : memref<320000xf32, #tpu.memory_space<hbm>> -> memref<10000xf32, #tpu.memory_space<hbm>>
    tpu.enqueue_dma source(%dma_start3A_3 : memref<10000xf32, #tpu.memory_space<hbm>>) target(%arg14 : memref<10000xf32, #tpu.memory_space<vmem>>) target_semaphore(%arg27 : memref<!tpu.dma_semaphore, #tpu.memory_space<semaphore_mem>>)
    %dma_start3A_4 = tpu.memref_slice %arg3[%mul3A_2] : memref<320000xf32, #tpu.memory_space<hbm>> -> memref<10000xf32, #tpu.memory_space<hbm>>
    %dma_start3A_5 = tpu.memref_slice %arg3[%mul3A_2] : memref<320000xf32, #tpu.memory_space<hbm>> -> memref<10000xf32, #tpu.memory_space<hbm>>
    tpu.enqueue_dma source(%dma_start3A_5 : memref<10000xf32, #tpu.memory_space<hbm>>) target(%arg15 : memref<10000xf32, #tpu.memory_space<vmem>>) target_semaphore(%arg27 : memref<!tpu.dma_semaphore, #tpu.memory_space<semaphore_mem>>)
    %dma_start3A_6 = tpu.memref_slice %arg4[%mul3A_2] : memref<320000xf32, #tpu.memory_space<hbm>> -> memref<10000xf32, #tpu.memory_space<hbm>>
    %dma_start3A_7 = tpu.memref_slice %arg4[%mul3A_2] : memref<320000xf32, #tpu.memory_space<hbm>> -> memref<10000xf32, #tpu.memory_space<hbm>>
    tpu.enqueue_dma source(%dma_start3A_7 : memref<10000xf32, #tpu.memory_space<hbm>>) target(%arg16 : memref<10000xf32, #tpu.memory_space<vmem>>) target_semaphore(%arg27 : memref<!tpu.dma_semaphore, #tpu.memory_space<semaphore_mem>>)
    %dma_start3A_8 = tpu.memref_slice %arg5[%mul3A_2] : memref<320000xi32, #tpu.memory_space<hbm>> -> memref<10000xi32, #tpu.memory_space<hbm>>
    %dma_start3A_9 = tpu.memref_slice %arg5[%mul3A_2] : memref<320000xi32, #tpu.memory_space<hbm>> -> memref<10000xi32, #tpu.memory_space<hbm>>
    tpu.enqueue_dma source(%dma_start3A_9 : memref<10000xi32, #tpu.memory_space<hbm>>) target(%arg17 : memref<10000xi32, #tpu.memory_space<vmem>>) target_semaphore(%arg27 : memref<!tpu.dma_semaphore, #tpu.memory_space<semaphore_mem>>)
    %dma_start3A_10 = tpu.memref_slice %arg6[%mul3A_2] : memref<320000xi32, #tpu.memory_space<hbm>> -> memref<10000xi32, #tpu.memory_space<hbm>>
    %dma_start3A_11 = tpu.memref_slice %arg6[%mul3A_2] : memref<320000xi32, #tpu.memory_space<hbm>> -> memref<10000xi32, #tpu.memory_space<hbm>>
    tpu.enqueue_dma source(%dma_start3A_11 : memref<10000xi32, #tpu.memory_space<hbm>>) target(%arg18 : memref<10000xi32, #tpu.memory_space<vmem>>) target_semaphore(%arg27 : memref<!tpu.dma_semaphore, #tpu.memory_space<semaphore_mem>>)
    tpu.enqueue_dma source(%arg7 : memref<16xi32, #tpu.memory_space<hbm>>) target(%arg19 : memref<16xi32, #tpu.memory_space<vmem>>) target_semaphore(%arg27 : memref<!tpu.dma_semaphore, #tpu.memory_space<semaphore_mem>>)
    %scan3A = arith.constant 0 : i32
    %scan3A_12 = arith.constant 40 : i32
    %scan3A_13 = arith.addi %scan3A, %scan3A_12 : i32
    %scan3A_14 = arith.constant 1 : i32
    scf.for %scan3A_93 = %scan3A to %scan3A_13 step %scan3A_14  : i32 {
      %mul3A_94 = arith.constant 16 : i32
      %mul3A_95 = arith.muli %scan3A_93, %mul3A_94 : i32
      %add3A_96 = arith.constant 0 : i32
      %add3A_97 = arith.addi %add3A_96, %mul3A_95 : i32
      %broadcast_in_dim3A_98 = arith.constant 0 : i32
      %broadcast_in_dim3A_99 = vector.broadcast %broadcast_in_dim3A_98 : i32 to vector<16xi32>
      %swap3A_100 = arith.index_cast %add3A_97 : i32 to index
      %swap3A_101 = tpu.vector_load %arg22[%swap3A_100] {strides = array<i32>} : memref<10000xi32, #tpu.memory_space<vmem>>, vector<16xi32>,
      tpu.vector_store %arg22[%swap3A_100], %broadcast_in_dim3A_99 {strides = array<i32>} : memref<10000xi32, #tpu.memory_space<vmem>>, vector<16xi32>,
    }
    %scan3A_15 = arith.constant 40 : i32
    %broadcast_in_dim3A = arith.constant 1 : i32
    %broadcast_in_dim3A_16 = vector.broadcast %broadcast_in_dim3A : i32 to vector<16xi32>
    %swap3A = arith.constant 0 : index
    %swap3A_17 = tpu.vector_load %arg23[%swap3A] {strides = array<i32>} : memref<16xi32, #tpu.memory_space<vmem>>, vector<16xi32>,
    tpu.vector_store %arg23[%swap3A], %broadcast_in_dim3A_16 {strides = array<i32>} : memref<16xi32, #tpu.memory_space<vmem>>, vector<16xi32>,
    %mul3A_18 = arith.constant 640 : i32
    %mul3A_19 = arith.muli %arg1, %mul3A_18 : i32
    "tpu.region"() ({
      %run_scoped3A = tpu.sem_alloc : memref<!tpu.dma_semaphore, #tpu.memory_space<semaphore_mem>>
      %dma_start3A_93 = arith.constant 0 : i32
      %dma_start3A_94 = tpu.memref_slice %arg22[%dma_start3A_93] : memref<10000xi32, #tpu.memory_space<vmem>> -> memref<640xi32, #tpu.memory_space<vmem>>
      %dma_start3A_95 = tpu.memref_slice %arg26[%mul3A_19] : memref<10240xi32, #tpu.memory_space<vmem_shared>> -> memref<640xi32, #tpu.memory_space<vmem_shared>>
      %dma_start3A_96 = tpu.memref_slice %arg26[%mul3A_19] : memref<10240xi32, #tpu.memory_space<vmem_shared>> -> memref<640xi32, #tpu.memory_space<vmem_shared>>
      %dma_start3A_97 = arith.constant 0 : i32
      %dma_start3A_98 = tpu.memref_slice %arg22[%dma_start3A_97] : memref<10000xi32, #tpu.memory_space<vmem>> -> memref<640xi32, #tpu.memory_space<vmem>>
      tpu.enqueue_dma source(%dma_start3A_98 : memref<640xi32, #tpu.memory_space<vmem>>) target(%dma_start3A_96 : memref<640xi32, #tpu.memory_space<vmem_shared>>) target_semaphore(%run_scoped3A : memref<!tpu.dma_semaphore, #tpu.memory_space<semaphore_mem>>)
      %dma_wait3A_99 = arith.constant 0 : i32
      %dma_wait3A_100 = tpu.memref_slice %arg22[%dma_wait3A_99] : memref<10000xi32, #tpu.memory_space<vmem>> -> memref<640xi32, #tpu.memory_space<vmem>>
      %dma_wait3A_101 = tpu.memref_slice %arg26[%mul3A_19] : memref<10240xi32, #tpu.memory_space<vmem_shared>> -> memref<640xi32, #tpu.memory_space<vmem_shared>>
      %dma_wait3A_102 = tpu.memref_slice %arg26[%mul3A_19] : memref<10240xi32, #tpu.memory_space<vmem_shared>> -> memref<640xi32, #tpu.memory_space<vmem_shared>>
      %dma_wait3A_103 = arith.constant 0 : i32
      %dma_wait3A_104 = tpu.memref_slice %arg22[%dma_wait3A_103] : memref<10000xi32, #tpu.memory_space<vmem>> -> memref<640xi32, #tpu.memory_space<vmem>>
      tpu.wait_dma2 semaphore(%run_scoped3A : memref<!tpu.dma_semaphore, #tpu.memory_space<semaphore_mem>>) src(%dma_wait3A_104 : memref<640xi32, #tpu.memory_space<vmem>>) dst(%dma_wait3A_102 : memref<640xi32, #tpu.memory_space<vmem_shared>>)
      tpu.yield
    }) : () -> ()
    %barrier3A = arith.constant 0 : index
    tpu.barrier barrier_id(%barrier3A)
    %dma_wait3A = tpu.memref_slice %arg2[%mul3A_2] : memref<320000xf32, #tpu.memory_space<hbm>> -> memref<10000xf32, #tpu.memory_space<hbm>>
    %dma_wait3A_20 = tpu.memref_slice %arg2[%mul3A_2] : memref<320000xf32, #tpu.memory_space<hbm>> -> memref<10000xf32, #tpu.memory_space<hbm>>
    tpu.wait_dma2 semaphore(%arg27 : memref<!tpu.dma_semaphore, #tpu.memory_space<semaphore_mem>>) src(%dma_wait3A_20 : memref<10000xf32, #tpu.memory_space<hbm>>) dst(%arg14 : memref<10000xf32, #tpu.memory_space<vmem>>)
    %dma_wait3A_21 = tpu.memref_slice %arg3[%mul3A_2] : memref<320000xf32, #tpu.memory_space<hbm>> -> memref<10000xf32, #tpu.memory_space<hbm>>
    %dma_wait3A_22 = tpu.memref_slice %arg3[%mul3A_2] : memref<320000xf32, #tpu.memory_space<hbm>> -> memref<10000xf32, #tpu.memory_space<hbm>>
    tpu.wait_dma2 semaphore(%arg27 : memref<!tpu.dma_semaphore, #tpu.memory_space<semaphore_mem>>) src(%dma_wait3A_22 : memref<10000xf32, #tpu.memory_space<hbm>>) dst(%arg15 : memref<10000xf32, #tpu.memory_space<vmem>>)
    %dma_wait3A_23 = tpu.memref_slice %arg4[%mul3A_2] : memref<320000xf32, #tpu.memory_space<hbm>> -> memref<10000xf32, #tpu.memory_space<hbm>>
    %dma_wait3A_24 = tpu.memref_slice %arg4[%mul3A_2] : memref<320000xf32, #tpu.memory_space<hbm>> -> memref<10000xf32, #tpu.memory_space<hbm>>
    tpu.wait_dma2 semaphore(%arg27 : memref<!tpu.dma_semaphore, #tpu.memory_space<semaphore_mem>>) src(%dma_wait3A_24 : memref<10000xf32, #tpu.memory_space<hbm>>) dst(%arg16 : memref<10000xf32, #tpu.memory_space<vmem>>)
    %dma_wait3A_25 = tpu.memref_slice %arg5[%mul3A_2] : memref<320000xi32, #tpu.memory_space<hbm>> -> memref<10000xi32, #tpu.memory_space<hbm>>
    %dma_wait3A_26 = tpu.memref_slice %arg5[%mul3A_2] : memref<320000xi32, #tpu.memory_space<hbm>> -> memref<10000xi32, #tpu.memory_space<hbm>>
    tpu.wait_dma2 semaphore(%arg27 : memref<!tpu.dma_semaphore, #tpu.memory_space<semaphore_mem>>) src(%dma_wait3A_26 : memref<10000xi32, #tpu.memory_space<hbm>>) dst(%arg17 : memref<10000xi32, #tpu.memory_space<vmem>>)
    %dma_wait3A_27 = tpu.memref_slice %arg6[%mul3A_2] : memref<320000xi32, #tpu.memory_space<hbm>> -> memref<10000xi32, #tpu.memory_space<hbm>>
    %dma_wait3A_28 = tpu.memref_slice %arg6[%mul3A_2] : memref<320000xi32, #tpu.memory_space<hbm>> -> memref<10000xi32, #tpu.memory_space<hbm>>
    tpu.wait_dma2 semaphore(%arg27 : memref<!tpu.dma_semaphore, #tpu.memory_space<semaphore_mem>>) src(%dma_wait3A_28 : memref<10000xi32, #tpu.memory_space<hbm>>) dst(%arg18 : memref<10000xi32, #tpu.memory_space<vmem>>)
    tpu.wait_dma2 semaphore(%arg27 : memref<!tpu.dma_semaphore, #tpu.memory_space<semaphore_mem>>) src(%arg7 : memref<16xi32, #tpu.memory_space<hbm>>) dst(%arg19 : memref<16xi32, #tpu.memory_space<vmem>>)
    %get3A = arith.constant 0 : index
    %get3A_29 = tpu.vector_load %arg19[%get3A] {strides = array<i32>} : memref<16xi32, #tpu.memory_space<vmem>>, vector<16xi32>,
    %broadcast_in_dim3A_30 = arith.constant 0 : i32
    %broadcast_in_dim3A_31 = vector.broadcast %broadcast_in_dim3A_30 : i32 to vector<16xi32>
    %scan3A_32 = arith.constant 0 : i32
    %scan3A_33 = arith.constant 625 : i32
    %scan3A_34 = arith.addi %scan3A_32, %scan3A_33 : i32
    %scan3A_35 = arith.constant 1 : i32
    %scan3A_36 = scf.for %scan3A_93 = %scan3A_32 to %scan3A_34 step %scan3A_35 iter_args(%scan3A_94 = %broadcast_in_dim3A_31) -> (vector<16xi32>)  : i32 {
      %mul3A_95 = arith.constant 16 : i32
      %mul3A_96 = arith.muli %scan3A_93, %mul3A_95 : i32
      %get3A_97 = arith.index_cast %mul3A_96 : i32 to index
      %get3A_98 = tpu.vector_load %arg14[%get3A_97] {strides = array<i32>} : memref<10000xf32, #tpu.memory_space<vmem>>, vector<16xf32>,
      %neg3A = arith.constant 0.000000e+00 : f32
      %neg3A_99 = vector.broadcast %neg3A : f32 to vector<16xf32>
      %neg3A_100 = arith.subf %neg3A_99, %get3A_98 : vector<16xf32>
      %exp3A = math.exp %neg3A_100 : vector<16xf32>
      %add3A_101 = arith.constant 1.000000e+00 : f32
      %add3A_102 = vector.broadcast %add3A_101 : f32 to vector<16xf32>
      %add3A_103 = arith.addf %add3A_102, %exp3A : vector<16xf32>
      %div3A_104 = arith.constant 1.000000e+00 : f32
      %div3A_105 = vector.broadcast %div3A_104 : f32 to vector<16xf32>
      %div3A_106 = arith.divf %div3A_105, %add3A_103 : vector<16xf32>
      %get3A_107 = arith.index_cast %mul3A_96 : i32 to index
      %get3A_108 = tpu.vector_load %arg15[%get3A_107] {strides = array<i32>} : memref<10000xf32, #tpu.memory_space<vmem>>, vector<16xf32>,
      %mul3A_109 = arith.mulf %get3A_108, %div3A_106 : vector<16xf32>
      %get3A_110 = arith.index_cast %mul3A_96 : i32 to index
      %get3A_111 = tpu.vector_load %arg16[%get3A_110] {strides = array<i32>} : memref<10000xf32, #tpu.memory_space<vmem>>, vector<16xf32>,
      %mul3A_112 = arith.mulf %get3A_111, %div3A_106 : vector<16xf32>
      %swap3A_113 = arith.index_cast %mul3A_96 : i32 to index
      %swap3A_114 = tpu.vector_load %arg20[%swap3A_113] {strides = array<i32>} : memref<10000xf32, #tpu.memory_space<vmem>>, vector<16xf32>,
      tpu.vector_store %arg20[%swap3A_113], %mul3A_109 {strides = array<i32>} : memref<10000xf32, #tpu.memory_space<vmem>>, vector<16xf32>,
      %swap3A_115 = arith.index_cast %mul3A_96 : i32 to index
      %swap3A_116 = tpu.vector_load %arg21[%swap3A_115] {strides = array<i32>} : memref<10000xf32, #tpu.memory_space<vmem>>, vector<16xf32>,
      tpu.vector_store %arg21[%swap3A_115], %mul3A_112 {strides = array<i32>} : memref<10000xf32, #tpu.memory_space<vmem>>, vector<16xf32>,
      %get3A_117 = arith.index_cast %mul3A_96 : i32 to index
      %get3A_118 = tpu.vector_load %arg17[%get3A_117] {strides = array<i32>} : memref<10000xi32, #tpu.memory_space<vmem>>, vector<16xi32>,
      %jit3A_119 = arith.constant 10000 : i32
      %eq3A_120 = arith.constant 0 : i32
      %eq3A_121 = arith.cmpi eq, %jit3A_119, %eq3A_120 : i32
      %jit3A_122 = arith.constant 1 : i32
      %select_n3A_123 = arith.select %eq3A_121, %jit3A_122, %jit3A_119 : i32
      %rem3A_124 = vector.broadcast %select_n3A_123 : i32 to vector<16xi32>
      %rem3A_125 = arith.remsi %get3A_118, %rem3A_124 : vector<16xi32>
      %ne3A_126 = arith.constant 0 : i32
      %ne3A_127 = vector.broadcast %ne3A_126 : i32 to vector<16xi32>
      %ne3A_128 = arith.cmpi ne, %rem3A_125, %ne3A_127 : vector<16xi32>
      %lt3A = arith.constant 0 : i32
      %lt3A_129 = vector.broadcast %lt3A : i32 to vector<16xi32>
      %lt3A_130 = arith.cmpi slt, %rem3A_125, %lt3A_129 : vector<16xi32>
      %lt3A_131 = arith.constant 0 : i32
      %lt3A_132 = arith.cmpi slt, %select_n3A_123, %lt3A_131 : i32
      %ne3A_133 = vector.broadcast %lt3A_132 : i1 to vector<16xi1>
      %ne3A_134 = vector.broadcast %ne3A_133 : vector<16xi1> to vector<16xi1>
      %ne3A_135 = arith.xori %lt3A_130, %ne3A_134 : vector<16xi1>
      %and3A_136 = arith.andi %ne3A_135, %ne3A_128 : vector<16xi1>
      %add3A_137 = vector.broadcast %select_n3A_123 : i32 to vector<16xi32>
      %add3A_138 = arith.addi %rem3A_125, %add3A_137 : vector<16xi32>
      %select_n3A_139 = arith.select %and3A_136, %add3A_138, %rem3A_125 : vector<16xi1>, vector<16xi32>
      %eq3A_140 = arith.cmpi eq, %select_n3A_139, %get3A_29 : vector<16xi32>
      %gt3A = arith.constant 5.000000e-01 : f32
      %gt3A_141 = vector.broadcast %gt3A : f32 to vector<16xf32>
      %gt3A_142 = arith.cmpf ogt, %mul3A_112, %gt3A_141 : vector<16xf32>
      %and3A_143 = arith.andi %eq3A_140, %gt3A_142 : vector<16xi1>
      %all_reduce_population_count3A = tpu.all_reduce %and3A_143 {dim = 0 : i64, kind = #tpu.reduction_kind<sum>} : vector<16xi1> -> vector<16xi32>
      %slice3A_144 = vector.extract_strided_slice %all_reduce_population_count3A {offsets = [0], sizes = [1], strides = [1]} : vector<16xi32> to vector<1xi32>
      %squeeze3A_145 = vector.extract %slice3A_144[0] : i32 from vector<1xi32>
      %ne3A_146 = arith.constant 0 : i32
      %ne3A_147 = arith.cmpi ne, %squeeze3A_145, %ne3A_146 : i32
      %convert_element_type3A_148 = arith.extui %ne3A_147 : i1 to i32
      %cond3A_149 = arith.constant 0 : i32
      %cond3A_150 = arith.cmpi ne, %convert_element_type3A_148, %cond3A_149 : i32
      scf.if %cond3A_150 {
        %jit3A_152 = arith.constant 1 : i32
        %jit3A_153 = arith.constant 0 : i32
        %broadcast_in_dim3A_154 = vector.broadcast %jit3A_152 : i32 to vector<16xi32>
        %broadcast_in_dim3A_155 = vector.broadcast %jit3A_153 : i32 to vector<16xi32>
        %select_n3A_156 = arith.select %and3A_143, %broadcast_in_dim3A_154, %broadcast_in_dim3A_155 : vector<16xi1>, vector<16xi32>
        %broadcast_in_dim3A_157 = arith.constant true
        %broadcast_in_dim3A_158 = vector.broadcast %broadcast_in_dim3A_157 : i1 to vector<16xi1>
        %masked_cumsum3A = tpu.scan <sum>, %select_n3A_156 masked %broadcast_in_dim3A_158 : vector<16xi32>, vector<16xi1> -> vector<16xi32>
        %add3A_159 = arith.addi %scan3A_94, %masked_cumsum3A : vector<16xi32>
        %sub3A_160 = arith.constant 1 : i32
        %sub3A_161 = vector.broadcast %sub3A_160 : i32 to vector<16xi32>
        %sub3A_162 = arith.subi %add3A_159, %sub3A_161 : vector<16xi32>
        %jit3A_163 = arith.constant 10000 : i32
        %div3A_164 = vector.broadcast %jit3A_163 : i32 to vector<16xi32>
        %div3A_165 = arith.divsi %get3A_118, %div3A_164 : vector<16xi32>
        %sign3A_166 = arith.constant 0 : i32
        %sign3A_167 = vector.broadcast %sign3A_166 : i32 to vector<16xi32>
        %sign3A_168 = arith.cmpi sgt, %get3A_118, %sign3A_167 : vector<16xi32>
        %sign3A_169 = arith.extui %sign3A_168 : vector<16xi1> to vector<16xi32>
        %sign3A_170 = arith.constant 0 : i32
        %sign3A_171 = vector.broadcast %sign3A_170 : i32 to vector<16xi32>
        %sign3A_172 = arith.cmpi slt, %get3A_118, %sign3A_171 : vector<16xi32>
        %sign3A_173 = arith.extui %sign3A_172 : vector<16xi1> to vector<16xi32>
        %sign3A_174 = arith.subi %sign3A_169, %sign3A_173 : vector<16xi32>
        %sign3A_175 = arith.constant 0 : i32
        %sign3A_176 = arith.cmpi sgt, %jit3A_163, %sign3A_175 : i32
        %sign3A_177 = arith.extui %sign3A_176 : i1 to i32
        %sign3A_178 = arith.constant 0 : i32
        %sign3A_179 = arith.cmpi slt, %jit3A_163, %sign3A_178 : i32
        %sign3A_180 = arith.extui %sign3A_179 : i1 to i32
        %sign3A_181 = arith.subi %sign3A_177, %sign3A_180 : i32
        %ne3A_182 = vector.broadcast %sign3A_181 : i32 to vector<16xi32>
        %ne3A_183 = arith.cmpi ne, %sign3A_174, %ne3A_182 : vector<16xi32>
        %rem3A_184 = vector.broadcast %jit3A_163 : i32 to vector<16xi32>
        %rem3A_185 = arith.remsi %get3A_118, %rem3A_184 : vector<16xi32>
        %ne3A_186 = arith.constant 0 : i32
        %ne3A_187 = vector.broadcast %ne3A_186 : i32 to vector<16xi32>
        %ne3A_188 = arith.cmpi ne, %rem3A_185, %ne3A_187 : vector<16xi32>
        %and3A_189 = arith.andi %ne3A_183, %ne3A_188 : vector<16xi1>
        %sub3A_190 = arith.constant 1 : i32
        %sub3A_191 = vector.broadcast %sub3A_190 : i32 to vector<16xi32>
        %sub3A_192 = arith.subi %div3A_165, %sub3A_191 : vector<16xi32>
        %select_n3A_193 = arith.select %and3A_189, %sub3A_192, %div3A_165 : vector<16xi1>, vector<16xi32>
        %mul3A_194 = arith.constant 10000 : i32
        %mul3A_195 = vector.broadcast %mul3A_194 : i32 to vector<16xi32>
        %mul3A_196 = arith.muli %select_n3A_193, %mul3A_195 : vector<16xi32>
        %get3A_197 = arith.index_cast %mul3A_96 : i32 to index
        %get3A_198 = tpu.vector_load %arg18[%get3A_197] {strides = array<i32>} : memref<10000xi32, #tpu.memory_space<vmem>>, vector<16xi32>,
        %add3A_199 = arith.addi %mul3A_196, %get3A_198 : vector<16xi32>
        tpu.vector_store_idx %arg22[%sub3A_162], %add3A_199 masked %and3A_143 : memref<10000xi32, #tpu.memory_space<vmem>>[vector<16xi32>], vector<16xi32>, vector<16xi1>
      } else {
      }
      %add3A_151 = arith.addi %scan3A_94, %all_reduce_population_count3A : vector<16xi32>
      scf.yield %add3A_151 : vector<16xi32>
    }
    %scan3A_37 = arith.constant 625 : i32
    %dma_start3A_38 = tpu.memref_slice %arg8[%mul3A_2] : memref<320000xf32, #tpu.memory_space<hbm>> -> memref<10000xf32, #tpu.memory_space<hbm>>
    %dma_start3A_39 = tpu.memref_slice %arg8[%mul3A_2] : memref<320000xf32, #tpu.memory_space<hbm>> -> memref<10000xf32, #tpu.memory_space<hbm>>
    tpu.enqueue_dma source(%arg20 : memref<10000xf32, #tpu.memory_space<vmem>>) target(%dma_start3A_39 : memref<10000xf32, #tpu.memory_space<hbm>>) target_semaphore(%arg27 : memref<!tpu.dma_semaphore, #tpu.memory_space<semaphore_mem>>)
    %dma_start3A_40 = tpu.memref_slice %arg9[%mul3A_2] : memref<320000xf32, #tpu.memory_space<hbm>> -> memref<10000xf32, #tpu.memory_space<hbm>>
    %dma_start3A_41 = tpu.memref_slice %arg9[%mul3A_2] : memref<320000xf32, #tpu.memory_space<hbm>> -> memref<10000xf32, #tpu.memory_space<hbm>>
    tpu.enqueue_dma source(%arg21 : memref<10000xf32, #tpu.memory_space<vmem>>) target(%dma_start3A_41 : memref<10000xf32, #tpu.memory_space<hbm>>) target_semaphore(%arg27 : memref<!tpu.dma_semaphore, #tpu.memory_space<semaphore_mem>>)
    %slice3A = vector.extract_strided_slice %scan3A_36 {offsets = [0], sizes = [1], strides = [1]} : vector<16xi32> to vector<1xi32>
    %squeeze3A = vector.extract %slice3A[0] : i32 from vector<1xi32>
    %add3A_42 = arith.constant 15 : i32
    %add3A_43 = arith.addi %squeeze3A, %add3A_42 : i32
    %jit3A = arith.constant 16 : i32
    %div3A = arith.divsi %add3A_43, %jit3A : i32
    %sign3A = arith.constant 0 : i32
    %sign3A_44 = arith.cmpi sgt, %add3A_43, %sign3A : i32
    %sign3A_45 = arith.extui %sign3A_44 : i1 to i32
    %sign3A_46 = arith.constant 0 : i32
    %sign3A_47 = arith.cmpi slt, %add3A_43, %sign3A_46 : i32
    %sign3A_48 = arith.extui %sign3A_47 : i1 to i32
    %sign3A_49 = arith.subi %sign3A_45, %sign3A_48 : i32
    %sign3A_50 = arith.constant 0 : i32
    %sign3A_51 = arith.cmpi sgt, %jit3A, %sign3A_50 : i32
    %sign3A_52 = arith.extui %sign3A_51 : i1 to i32
    %sign3A_53 = arith.constant 0 : i32
    %sign3A_54 = arith.cmpi slt, %jit3A, %sign3A_53 : i32
    %sign3A_55 = arith.extui %sign3A_54 : i1 to i32
    %sign3A_56 = arith.subi %sign3A_52, %sign3A_55 : i32
    %ne3A = arith.cmpi ne, %sign3A_49, %sign3A_56 : i32
    %rem3A = arith.remsi %add3A_43, %jit3A : i32
    %ne3A_57 = arith.constant 0 : i32
    %ne3A_58 = arith.cmpi ne, %rem3A, %ne3A_57 : i32
    %and3A = arith.andi %ne3A, %ne3A_58 : i1
    %sub3A = arith.constant 1 : i32
    %sub3A_59 = arith.subi %div3A, %sub3A : i32
    %select_n3A = arith.select %and3A, %sub3A_59, %div3A : i32
    %iota3A = tpu.iota {dimensions = array<i32: 0>} : vector<16xi32>
    %while3A = arith.constant 0 : i32
    %while3A_60 = arith.constant 0 : i32
    %while3A_61 = arith.subi %select_n3A, %while3A_60 : i32
    %while3A_62 = arith.addi %while3A_60, %while3A_61 : i32
    %while3A_63 = arith.constant 1 : i32
    %while3A_64 = arith.divsi %while3A_61, %while3A_63 : i32
    %while3A_65 = arith.muli %while3A_64, %while3A_63 : i32
    %while3A_66 = arith.addi %while3A_60, %while3A_65 : i32
    %while3A_67 = arith.constant 1 : i32
    scf.for %while3A_93 = %while3A_60 to %while3A_66 step %while3A_67  : i32 {
      %mul3A_94 = arith.constant 16 : i32
      %mul3A_95 = arith.muli %while3A_93, %mul3A_94 : i32
      %add3A_96 = vector.broadcast %mul3A_95 : i32 to vector<16xi32>
      %add3A_97 = arith.addi %add3A_96, %iota3A : vector<16xi32>
      %lt3A = arith.cmpi slt, %add3A_97, %scan3A_36 : vector<16xi32>
      %mul3A_98 = arith.constant 16 : i32
      %mul3A_99 = arith.muli %while3A_93, %mul3A_98 : i32
      %get3A_100 = arith.index_cast %mul3A_99 : i32 to index
      %get3A_101 = tpu.vector_load %arg22[%get3A_100] {strides = array<i32>} : memref<10000xi32, #tpu.memory_space<vmem>>, vector<16xi32>,
      %jit3A_102 = arith.constant 10000 : i32
      %eq3A_103 = arith.constant 0 : i32
      %eq3A_104 = arith.cmpi eq, %jit3A_102, %eq3A_103 : i32
      %jit3A_105 = arith.constant 1 : i32
      %select_n3A_106 = arith.select %eq3A_104, %jit3A_105, %jit3A_102 : i32
      %rem3A_107 = vector.broadcast %select_n3A_106 : i32 to vector<16xi32>
      %rem3A_108 = arith.remsi %get3A_101, %rem3A_107 : vector<16xi32>
      %ne3A_109 = arith.constant 0 : i32
      %ne3A_110 = vector.broadcast %ne3A_109 : i32 to vector<16xi32>
      %ne3A_111 = arith.cmpi ne, %rem3A_108, %ne3A_110 : vector<16xi32>
      %lt3A_112 = arith.constant 0 : i32
      %lt3A_113 = vector.broadcast %lt3A_112 : i32 to vector<16xi32>
      %lt3A_114 = arith.cmpi slt, %rem3A_108, %lt3A_113 : vector<16xi32>
      %lt3A_115 = arith.constant 0 : i32
      %lt3A_116 = arith.cmpi slt, %select_n3A_106, %lt3A_115 : i32
      %ne3A_117 = vector.broadcast %lt3A_116 : i1 to vector<16xi1>
      %ne3A_118 = vector.broadcast %ne3A_117 : vector<16xi1> to vector<16xi1>
      %ne3A_119 = arith.xori %lt3A_114, %ne3A_118 : vector<16xi1>
      %and3A_120 = arith.andi %ne3A_119, %ne3A_111 : vector<16xi1>
      %add3A_121 = vector.broadcast %select_n3A_106 : i32 to vector<16xi32>
      %add3A_122 = arith.addi %rem3A_108, %add3A_121 : vector<16xi32>
      %select_n3A_123 = arith.select %and3A_120, %add3A_122, %rem3A_108 : vector<16xi1>, vector<16xi32>
      %jit3A_124 = arith.constant 10000 : i32
      %broadcast_in_dim3A_125 = vector.broadcast %jit3A_124 : i32 to vector<16xi32>
      %select_n3A_126 = arith.select %lt3A, %select_n3A_123, %broadcast_in_dim3A_125 : vector<16xi1>, vector<16xi32>
      %swap3A_127 = arith.constant 0 : index
      %swap3A_128 = tpu.vector_load %arg24[%swap3A_127] {strides = array<i32>} : memref<16xi32, #tpu.memory_space<vmem>>, vector<16xi32>,
      tpu.vector_store %arg24[%swap3A_127], %select_n3A_126 {strides = array<i32>} : memref<16xi32, #tpu.memory_space<vmem>>, vector<16xi32>,
      "tpu.region"() ({
        %run_scoped3A = tpu.sem_alloc : memref<!tpu.dma_semaphore, #tpu.memory_space<semaphore_mem>>
        %dma_start3A_129 = arith.constant 0 : i32
        %dma_start3A_130 = tpu.memref_slice %arg26[%dma_start3A_129] : memref<10240xi32, #tpu.memory_space<vmem_shared>> -> memref<10240xi32, #tpu.memory_space<vmem_shared>>
        tpu.enqueue_indirect_dma source(%arg23 : memref<16xi32, #tpu.memory_space<vmem>>) target(%dma_start3A_130 : memref<10240xi32, #tpu.memory_space<vmem_shared>>) offsets(%arg24 : memref<16xi32, #tpu.memory_space<vmem>>) semaphore(%run_scoped3A : memref<!tpu.dma_semaphore, #tpu.memory_space<semaphore_mem>>)
        %dma_wait3A_131 = arith.constant 0 : i32
        %dma_wait3A_132 = tpu.memref_slice %arg26[%dma_wait3A_131] : memref<10240xi32, #tpu.memory_space<vmem_shared>> -> memref<10240xi32, #tpu.memory_space<vmem_shared>>
        tpu.wait_indirect_dma semaphore(%run_scoped3A : memref<!tpu.dma_semaphore, #tpu.memory_space<semaphore_mem>>) src(%arg23 : memref<16xi32, #tpu.memory_space<vmem>>) dst(%dma_wait3A_132 : memref<10240xi32, #tpu.memory_space<vmem_shared>>)
        tpu.yield
      }) : () -> ()
    }
    %while3A_68 = arith.constant 1 : i32
    scf.for %while3A_93 = %while3A_66 to %while3A_62 step %while3A_68  : i32 {
      %mul3A_94 = arith.constant 16 : i32
      %mul3A_95 = arith.muli %while3A_93, %mul3A_94 : i32
      %add3A_96 = vector.broadcast %mul3A_95 : i32 to vector<16xi32>
      %add3A_97 = arith.addi %add3A_96, %iota3A : vector<16xi32>
      %lt3A = arith.cmpi slt, %add3A_97, %scan3A_36 : vector<16xi32>
      %mul3A_98 = arith.constant 16 : i32
      %mul3A_99 = arith.muli %while3A_93, %mul3A_98 : i32
      %get3A_100 = arith.index_cast %mul3A_99 : i32 to index
      %get3A_101 = tpu.vector_load %arg22[%get3A_100] {strides = array<i32>} : memref<10000xi32, #tpu.memory_space<vmem>>, vector<16xi32>,
      %jit3A_102 = arith.constant 10000 : i32
      %eq3A_103 = arith.constant 0 : i32
      %eq3A_104 = arith.cmpi eq, %jit3A_102, %eq3A_103 : i32
      %jit3A_105 = arith.constant 1 : i32
      %select_n3A_106 = arith.select %eq3A_104, %jit3A_105, %jit3A_102 : i32
      %rem3A_107 = vector.broadcast %select_n3A_106 : i32 to vector<16xi32>
      %rem3A_108 = arith.remsi %get3A_101, %rem3A_107 : vector<16xi32>
      %ne3A_109 = arith.constant 0 : i32
      %ne3A_110 = vector.broadcast %ne3A_109 : i32 to vector<16xi32>
      %ne3A_111 = arith.cmpi ne, %rem3A_108, %ne3A_110 : vector<16xi32>
      %lt3A_112 = arith.constant 0 : i32
      %lt3A_113 = vector.broadcast %lt3A_112 : i32 to vector<16xi32>
      %lt3A_114 = arith.cmpi slt, %rem3A_108, %lt3A_113 : vector<16xi32>
      %lt3A_115 = arith.constant 0 : i32
      %lt3A_116 = arith.cmpi slt, %select_n3A_106, %lt3A_115 : i32
      %ne3A_117 = vector.broadcast %lt3A_116 : i1 to vector<16xi1>
      %ne3A_118 = vector.broadcast %ne3A_117 : vector<16xi1> to vector<16xi1>
      %ne3A_119 = arith.xori %lt3A_114, %ne3A_118 : vector<16xi1>
      %and3A_120 = arith.andi %ne3A_119, %ne3A_111 : vector<16xi1>
      %add3A_121 = vector.broadcast %select_n3A_106 : i32 to vector<16xi32>
      %add3A_122 = arith.addi %rem3A_108, %add3A_121 : vector<16xi32>
      %select_n3A_123 = arith.select %and3A_120, %add3A_122, %rem3A_108 : vector<16xi1>, vector<16xi32>
      %jit3A_124 = arith.constant 10000 : i32
      %broadcast_in_dim3A_125 = vector.broadcast %jit3A_124 : i32 to vector<16xi32>
      %select_n3A_126 = arith.select %lt3A, %select_n3A_123, %broadcast_in_dim3A_125 : vector<16xi1>, vector<16xi32>
      %swap3A_127 = arith.constant 0 : index
      %swap3A_128 = tpu.vector_load %arg24[%swap3A_127] {strides = array<i32>} : memref<16xi32, #tpu.memory_space<vmem>>, vector<16xi32>,
      tpu.vector_store %arg24[%swap3A_127], %select_n3A_126 {strides = array<i32>} : memref<16xi32, #tpu.memory_space<vmem>>, vector<16xi32>,
      "tpu.region"() ({
        %run_scoped3A = tpu.sem_alloc : memref<!tpu.dma_semaphore, #tpu.memory_space<semaphore_mem>>
        %dma_start3A_129 = arith.constant 0 : i32
        %dma_start3A_130 = tpu.memref_slice %arg26[%dma_start3A_129] : memref<10240xi32, #tpu.memory_space<vmem_shared>> -> memref<10240xi32, #tpu.memory_space<vmem_shared>>
        tpu.enqueue_indirect_dma source(%arg23 : memref<16xi32, #tpu.memory_space<vmem>>) target(%dma_start3A_130 : memref<10240xi32, #tpu.memory_space<vmem_shared>>) offsets(%arg24 : memref<16xi32, #tpu.memory_space<vmem>>) semaphore(%run_scoped3A : memref<!tpu.dma_semaphore, #tpu.memory_space<semaphore_mem>>)
        %dma_wait3A_131 = arith.constant 0 : i32
        %dma_wait3A_132 = tpu.memref_slice %arg26[%dma_wait3A_131] : memref<10240xi32, #tpu.memory_space<vmem_shared>> -> memref<10240xi32, #tpu.memory_space<vmem_shared>>
        tpu.wait_indirect_dma semaphore(%run_scoped3A : memref<!tpu.dma_semaphore, #tpu.memory_space<semaphore_mem>>) src(%arg23 : memref<16xi32, #tpu.memory_space<vmem>>) dst(%dma_wait3A_132 : memref<10240xi32, #tpu.memory_space<vmem_shared>>)
        tpu.yield
      }) : () -> ()
    }
    %swap3A_69 = arith.constant 0 : index
    %swap3A_70 = tpu.vector_load %arg25[%swap3A_69] {strides = array<i32>} : memref<16xi32, #tpu.memory_space<vmem>>, vector<16xi32>,
    tpu.vector_store %arg25[%swap3A_69], %scan3A_36 {strides = array<i32>} : memref<16xi32, #tpu.memory_space<vmem>>, vector<16xi32>,
    %dma_start3A_71 = tpu.memref_slice %arg12[%mul3A_2] : memref<320000xi32, #tpu.memory_space<hbm>> -> memref<10000xi32, #tpu.memory_space<hbm>>
    %dma_start3A_72 = tpu.memref_slice %arg12[%mul3A_2] : memref<320000xi32, #tpu.memory_space<hbm>> -> memref<10000xi32, #tpu.memory_space<hbm>>
    tpu.enqueue_dma source(%arg22 : memref<10000xi32, #tpu.memory_space<vmem>>) target(%dma_start3A_72 : memref<10000xi32, #tpu.memory_space<hbm>>) target_semaphore(%arg27 : memref<!tpu.dma_semaphore, #tpu.memory_space<semaphore_mem>>)
    %mul3A_73 = arith.constant 16 : i32
    %mul3A_74 = arith.muli %add3A, %mul3A_73 : i32
    %dma_start3A_75 = tpu.memref_slice %arg13[%mul3A_74] : memref<512xi32, #tpu.memory_space<hbm>> -> memref<16xi32, #tpu.memory_space<hbm>>
    %dma_start3A_76 = tpu.memref_slice %arg13[%mul3A_74] : memref<512xi32, #tpu.memory_space<hbm>> -> memref<16xi32, #tpu.memory_space<hbm>>
    tpu.enqueue_dma source(%arg25 : memref<16xi32, #tpu.memory_space<vmem>>) target(%dma_start3A_76 : memref<16xi32, #tpu.memory_space<hbm>>) target_semaphore(%arg27 : memref<!tpu.dma_semaphore, #tpu.memory_space<semaphore_mem>>)
    %barrier3A_77 = arith.constant 0 : index
    tpu.barrier barrier_id(%barrier3A_77)
    %eq3A = arith.constant 0 : i32
    %eq3A_78 = arith.cmpi eq, %arg0, %eq3A : i32
    %convert_element_type3A = arith.extui %eq3A_78 : i1 to i32
    %cond3A = arith.constant 0 : i32
    %cond3A_79 = arith.cmpi ne, %convert_element_type3A, %cond3A : i32
    scf.if %cond3A_79 {
      %mul3A_93 = arith.constant 640 : i32
      %mul3A_94 = arith.muli %arg1, %mul3A_93 : i32
      %mul3A_95 = arith.constant 640 : i32
      %mul3A_96 = arith.muli %arg1, %mul3A_95 : i32
      "tpu.region"() ({
        %run_scoped3A = tpu.sem_alloc : memref<!tpu.dma_semaphore, #tpu.memory_space<semaphore_mem>>
        %dma_start3A_97 = tpu.memref_slice %arg10[%mul3A_96] : memref<10240xi32, #tpu.memory_space<hbm>> -> memref<640xi32, #tpu.memory_space<hbm>>
        %dma_start3A_98 = tpu.memref_slice %arg26[%mul3A_94] : memref<10240xi32, #tpu.memory_space<vmem_shared>> -> memref<640xi32, #tpu.memory_space<vmem_shared>>
        tpu.enqueue_dma source(%dma_start3A_98 : memref<640xi32, #tpu.memory_space<vmem_shared>>) target(%dma_start3A_97 : memref<640xi32, #tpu.memory_space<hbm>>) target_semaphore(%run_scoped3A : memref<!tpu.dma_semaphore, #tpu.memory_space<semaphore_mem>>)
        %dma_wait3A_99 = tpu.memref_slice %arg10[%mul3A_96] : memref<10240xi32, #tpu.memory_space<hbm>> -> memref<640xi32, #tpu.memory_space<hbm>>
        %dma_wait3A_100 = tpu.memref_slice %arg26[%mul3A_94] : memref<10240xi32, #tpu.memory_space<vmem_shared>> -> memref<640xi32, #tpu.memory_space<vmem_shared>>
        tpu.wait_dma2 semaphore(%run_scoped3A : memref<!tpu.dma_semaphore, #tpu.memory_space<semaphore_mem>>) src(%dma_wait3A_100 : memref<640xi32, #tpu.memory_space<vmem_shared>>) dst(%dma_wait3A_99 : memref<640xi32, #tpu.memory_space<hbm>>)
        tpu.yield
      }) : () -> ()
    } else {
    }
    %eq3A_80 = arith.constant 1 : i32
    %eq3A_81 = arith.cmpi eq, %arg0, %eq3A_80 : i32
    %convert_element_type3A_82 = arith.extui %eq3A_81 : i1 to i32
    %cond3A_83 = arith.constant 0 : i32
    %cond3A_84 = arith.cmpi ne, %convert_element_type3A_82, %cond3A_83 : i32
    scf.if %cond3A_84 {
      %mul3A_93 = arith.constant 640 : i32
      %mul3A_94 = arith.muli %arg1, %mul3A_93 : i32
      %mul3A_95 = arith.constant 640 : i32
      %mul3A_96 = arith.muli %arg1, %mul3A_95 : i32
      "tpu.region"() ({
        %run_scoped3A = tpu.sem_alloc : memref<!tpu.dma_semaphore, #tpu.memory_space<semaphore_mem>>
        %dma_start3A_97 = tpu.memref_slice %arg11[%mul3A_96] : memref<10240xi32, #tpu.memory_space<hbm>> -> memref<640xi32, #tpu.memory_space<hbm>>
        %dma_start3A_98 = tpu.memref_slice %arg26[%mul3A_94] : memref<10240xi32, #tpu.memory_space<vmem_shared>> -> memref<640xi32, #tpu.memory_space<vmem_shared>>
        tpu.enqueue_dma source(%dma_start3A_98 : memref<640xi32, #tpu.memory_space<vmem_shared>>) target(%dma_start3A_97 : memref<640xi32, #tpu.memory_space<hbm>>) target_semaphore(%run_scoped3A : memref<!tpu.dma_semaphore, #tpu.memory_space<semaphore_mem>>)
        %dma_wait3A_99 = tpu.memref_slice %arg11[%mul3A_96] : memref<10240xi32, #tpu.memory_space<hbm>> -> memref<640xi32, #tpu.memory_space<hbm>>
        %dma_wait3A_100 = tpu.memref_slice %arg26[%mul3A_94] : memref<10240xi32, #tpu.memory_space<vmem_shared>> -> memref<640xi32, #tpu.memory_space<vmem_shared>>
        tpu.wait_dma2 semaphore(%run_scoped3A : memref<!tpu.dma_semaphore, #tpu.memory_space<semaphore_mem>>) src(%dma_wait3A_100 : memref<640xi32, #tpu.memory_space<vmem_shared>>) dst(%dma_wait3A_99 : memref<640xi32, #tpu.memory_space<hbm>>)
        tpu.yield
      }) : () -> ()
    } else {
    }
    %dma_wait3A_85 = tpu.memref_slice %arg8[%mul3A_2] : memref<320000xf32, #tpu.memory_space<hbm>> -> memref<10000xf32, #tpu.memory_space<hbm>>
    %dma_wait3A_86 = tpu.memref_slice %arg8[%mul3A_2] : memref<320000xf32, #tpu.memory_space<hbm>> -> memref<10000xf32, #tpu.memory_space<hbm>>
    tpu.wait_dma2 semaphore(%arg27 : memref<!tpu.dma_semaphore, #tpu.memory_space<semaphore_mem>>) src(%arg20 : memref<10000xf32, #tpu.memory_space<vmem>>) dst(%dma_wait3A_86 : memref<10000xf32, #tpu.memory_space<hbm>>)
    %dma_wait3A_87 = tpu.memref_slice %arg9[%mul3A_2] : memref<320000xf32, #tpu.memory_space<hbm>> -> memref<10000xf32, #tpu.memory_space<hbm>>
    %dma_wait3A_88 = tpu.memref_slice %arg9[%mul3A_2] : memref<320000xf32, #tpu.memory_space<hbm>> -> memref<10000xf32, #tpu.memory_space<hbm>>
    tpu.wait_dma2 semaphore(%arg27 : memref<!tpu.dma_semaphore, #tpu.memory_space<semaphore_mem>>) src(%arg21 : memref<10000xf32, #tpu.memory_space<vmem>>) dst(%dma_wait3A_88 : memref<10000xf32, #tpu.memory_space<hbm>>)
    %dma_wait3A_89 = tpu.memref_slice %arg12[%mul3A_2] : memref<320000xi32, #tpu.memory_space<hbm>> -> memref<10000xi32, #tpu.memory_space<hbm>>
    %dma_wait3A_90 = tpu.memref_slice %arg12[%mul3A_2] : memref<320000xi32, #tpu.memory_space<hbm>> -> memref<10000xi32, #tpu.memory_space<hbm>>
    tpu.wait_dma2 semaphore(%arg27 : memref<!tpu.dma_semaphore, #tpu.memory_space<semaphore_mem>>) src(%arg22 : memref<10000xi32, #tpu.memory_space<vmem>>) dst(%dma_wait3A_90 : memref<10000xi32, #tpu.memory_space<hbm>>)
    %dma_wait3A_91 = tpu.memref_slice %arg13[%mul3A_74] : memref<512xi32, #tpu.memory_space<hbm>> -> memref<16xi32, #tpu.memory_space<hbm>>
    %dma_wait3A_92 = tpu.memref_slice %arg13[%mul3A_74] : memref<512xi32, #tpu.memory_space<hbm>> -> memref<16xi32, #tpu.memory_space<hbm>>
    tpu.wait_dma2 semaphore(%arg27 : memref<!tpu.dma_semaphore, #tpu.memory_space<semaphore_mem>>) src(%arg25 : memref<16xi32, #tpu.memory_space<vmem>>) dst(%dma_wait3A_92 : memref<16xi32, #tpu.memory_space<hbm>>)
    return
  }
}

#map = affine_map<(d0, d1) -> (0)>
#map1 = affine_map<(d0, d1) -> (0, 0)>
module attributes {stable_mosaic.version = 14 : i64} {
  func.func @_k3_body(%arg0: i32, %arg1: i32, %arg2: memref<320000xi32, #tpu.memory_space<hbm>>, %arg3: memref<512xi32, #tpu.memory_space<hbm>>, %arg4: memref<10240x64xf32, #tpu.memory_space<hbm>>, %arg5: memref<10240x64xf32, #tpu.memory_space<hbm>>, %arg6: memref<640x64xf32, #tpu.memory_space<hbm>>, %arg7: memref<48x64xf32, #tpu.memory_space<hbm>>, %arg8: memref<48x64xf32, #tpu.memory_space<hbm>>, %arg9: memref<16xi32, #tpu.memory_space<vmem>>, %arg10: memref<16x64xf32, #tpu.memory_space<vmem>>, %arg11: memref<16x64xf32, #tpu.memory_space<vmem>>, %arg12: memref<16x64xf32, #tpu.memory_space<vmem>>, %arg13: memref<16xi32, #tpu.memory_space<vmem>>, %arg14: memref<16xi32, #tpu.memory_space<vmem>>, %arg15: memref<48x64xf32, #tpu.memory_space<vmem_shared>>, %arg16: memref<!tpu.dma_semaphore, #tpu.memory_space<semaphore_mem>>) attributes {dimension_semantics = [#tpu.dimension_semantics<core_parallel>, #tpu.dimension_semantics<subcore_parallel>], iteration_bounds = array<i64: 2, 16>, scalar_prefetch = 0 : i64, scratch_operands = 8 : i64, tpu.core_type = #tpu.core_type<sc_vector_subcore>, window_params = [{transform_indices = #map}, {transform_indices = #map}, {transform_indices = #map1}, {transform_indices = #map1}, {transform_indices = #map1}, {transform_indices = #map1}, {transform_indices = #map1}]} {
    %mul3A = arith.constant 16 : i32
    %mul3A_0 = arith.muli %arg0, %mul3A : i32
    %add3A = arith.addi %mul3A_0, %arg1 : i32
    %mul3A_1 = arith.constant 10000 : i32
    %mul3A_2 = arith.muli %add3A, %mul3A_1 : i32
    %iota3A = tpu.iota {dimensions = array<i32: 0>} : vector<16xi32>
    %mul3A_3 = arith.constant 16 : i32
    %mul3A_4 = arith.muli %add3A, %mul3A_3 : i32
    %dma_start3A = tpu.memref_slice %arg3[%mul3A_4] : memref<512xi32, #tpu.memory_space<hbm>> -> memref<16xi32, #tpu.memory_space<hbm>>
    %dma_start3A_5 = tpu.memref_slice %arg3[%mul3A_4] : memref<512xi32, #tpu.memory_space<hbm>> -> memref<16xi32, #tpu.memory_space<hbm>>
    tpu.enqueue_dma source(%dma_start3A_5 : memref<16xi32, #tpu.memory_space<hbm>>) target(%arg9 : memref<16xi32, #tpu.memory_space<vmem>>) target_semaphore(%arg16 : memref<!tpu.dma_semaphore, #tpu.memory_space<semaphore_mem>>)
    %eq3A = arith.constant 0 : i32
    %eq3A_6 = arith.cmpi eq, %arg1, %eq3A : i32
    %convert_element_type3A = arith.extui %eq3A_6 : i1 to i32
    %cond3A = arith.constant 0 : i32
    %cond3A_7 = arith.cmpi ne, %convert_element_type3A, %cond3A : i32
    scf.if %cond3A_7 {
      "tpu.region"() ({
        %run_scoped3A = tpu.sem_alloc : memref<!tpu.dma_semaphore, #tpu.memory_space<semaphore_mem>>
        %dma_start3A_54 = arith.constant 0 : i32
        %dma_start3A_55 = arith.constant 0 : i32
        %dma_start3A_56 = tpu.memref_slice %arg6[%dma_start3A_54, %dma_start3A_55] : memref<640x64xf32, #tpu.memory_space<hbm>> -> memref<48x64xf32, #tpu.memory_space<hbm>>
        tpu.enqueue_dma source(%dma_start3A_56 : memref<48x64xf32, #tpu.memory_space<hbm>>) target(%arg15 : memref<48x64xf32, #tpu.memory_space<vmem_shared>>) target_semaphore(%run_scoped3A : memref<!tpu.dma_semaphore, #tpu.memory_space<semaphore_mem>>)
        %dma_wait3A_57 = arith.constant 0 : i32
        %dma_wait3A_58 = arith.constant 0 : i32
        %dma_wait3A_59 = tpu.memref_slice %arg6[%dma_wait3A_57, %dma_wait3A_58] : memref<640x64xf32, #tpu.memory_space<hbm>> -> memref<48x64xf32, #tpu.memory_space<hbm>>
        tpu.wait_dma2 semaphore(%run_scoped3A : memref<!tpu.dma_semaphore, #tpu.memory_space<semaphore_mem>>) src(%dma_wait3A_59 : memref<48x64xf32, #tpu.memory_space<hbm>>) dst(%arg15 : memref<48x64xf32, #tpu.memory_space<vmem_shared>>)
        tpu.yield
      }) : () -> ()
    } else {
    }
    %dma_wait3A = tpu.memref_slice %arg3[%mul3A_4] : memref<512xi32, #tpu.memory_space<hbm>> -> memref<16xi32, #tpu.memory_space<hbm>>
    %dma_wait3A_8 = tpu.memref_slice %arg3[%mul3A_4] : memref<512xi32, #tpu.memory_space<hbm>> -> memref<16xi32, #tpu.memory_space<hbm>>
    tpu.wait_dma2 semaphore(%arg16 : memref<!tpu.dma_semaphore, #tpu.memory_space<semaphore_mem>>) src(%dma_wait3A_8 : memref<16xi32, #tpu.memory_space<hbm>>) dst(%arg9 : memref<16xi32, #tpu.memory_space<vmem>>)
    %get3A = arith.constant 0 : index
    %get3A_9 = tpu.vector_load %arg9[%get3A] {strides = array<i32>} : memref<16xi32, #tpu.memory_space<vmem>>, vector<16xi32>,
    %barrier3A = arith.constant 0 : index
    tpu.barrier barrier_id(%barrier3A)
    %slice3A = vector.extract_strided_slice %get3A_9 {offsets = [0], sizes = [1], strides = [1]} : vector<16xi32> to vector<1xi32>
    %squeeze3A = vector.extract %slice3A[0] : i32 from vector<1xi32>
    %add3A_10 = arith.constant 15 : i32
    %add3A_11 = arith.addi %squeeze3A, %add3A_10 : i32
    %jit3A = arith.constant 16 : i32
    %div3A = arith.divsi %add3A_11, %jit3A : i32
    %sign3A = arith.constant 0 : i32
    %sign3A_12 = arith.cmpi sgt, %add3A_11, %sign3A : i32
    %sign3A_13 = arith.extui %sign3A_12 : i1 to i32
    %sign3A_14 = arith.constant 0 : i32
    %sign3A_15 = arith.cmpi slt, %add3A_11, %sign3A_14 : i32
    %sign3A_16 = arith.extui %sign3A_15 : i1 to i32
    %sign3A_17 = arith.subi %sign3A_13, %sign3A_16 : i32
    %sign3A_18 = arith.constant 0 : i32
    %sign3A_19 = arith.cmpi sgt, %jit3A, %sign3A_18 : i32
    %sign3A_20 = arith.extui %sign3A_19 : i1 to i32
    %sign3A_21 = arith.constant 0 : i32
    %sign3A_22 = arith.cmpi slt, %jit3A, %sign3A_21 : i32
    %sign3A_23 = arith.extui %sign3A_22 : i1 to i32
    %sign3A_24 = arith.subi %sign3A_20, %sign3A_23 : i32
    %ne3A = arith.cmpi ne, %sign3A_17, %sign3A_24 : i32
    %rem3A = arith.remsi %add3A_11, %jit3A : i32
    %ne3A_25 = arith.constant 0 : i32
    %ne3A_26 = arith.cmpi ne, %rem3A, %ne3A_25 : i32
    %and3A = arith.andi %ne3A, %ne3A_26 : i1
    %sub3A = arith.constant 1 : i32
    %sub3A_27 = arith.subi %div3A, %sub3A : i32
    %select_n3A = arith.select %and3A, %sub3A_27, %div3A : i32
    %while3A = arith.constant 0 : i32
    %while3A_28 = arith.constant 0 : i32
    %while3A_29 = arith.subi %select_n3A, %while3A_28 : i32
    %while3A_30 = arith.addi %while3A_28, %while3A_29 : i32
    %while3A_31 = arith.constant 1 : i32
    %while3A_32 = arith.divsi %while3A_29, %while3A_31 : i32
    %while3A_33 = arith.muli %while3A_32, %while3A_31 : i32
    %while3A_34 = arith.addi %while3A_28, %while3A_33 : i32
    %while3A_35 = arith.constant 1 : i32
    scf.for %while3A_54 = %while3A_28 to %while3A_34 step %while3A_35  : i32 {
      %mul3A_55 = arith.constant 16 : i32
      %mul3A_56 = arith.muli %while3A_54, %mul3A_55 : i32
      %add3A_57 = arith.addi %mul3A_2, %mul3A_56 : i32
      "tpu.region"() ({
        %run_scoped3A = tpu.sem_alloc : memref<!tpu.dma_semaphore, #tpu.memory_space<semaphore_mem>>
        %dma_start3A_129 = tpu.memref_slice %arg2[%add3A_57] : memref<320000xi32, #tpu.memory_space<hbm>> -> memref<16xi32, #tpu.memory_space<hbm>>
        %dma_start3A_130 = tpu.memref_slice %arg2[%add3A_57] : memref<320000xi32, #tpu.memory_space<hbm>> -> memref<16xi32, #tpu.memory_space<hbm>>
        tpu.enqueue_dma source(%dma_start3A_130 : memref<16xi32, #tpu.memory_space<hbm>>) target(%arg13 : memref<16xi32, #tpu.memory_space<vmem>>) target_semaphore(%run_scoped3A : memref<!tpu.dma_semaphore, #tpu.memory_space<semaphore_mem>>)
        %dma_wait3A_131 = tpu.memref_slice %arg2[%add3A_57] : memref<320000xi32, #tpu.memory_space<hbm>> -> memref<16xi32, #tpu.memory_space<hbm>>
        %dma_wait3A_132 = tpu.memref_slice %arg2[%add3A_57] : memref<320000xi32, #tpu.memory_space<hbm>> -> memref<16xi32, #tpu.memory_space<hbm>>
        tpu.wait_dma2 semaphore(%run_scoped3A : memref<!tpu.dma_semaphore, #tpu.memory_space<semaphore_mem>>) src(%dma_wait3A_132 : memref<16xi32, #tpu.memory_space<hbm>>) dst(%arg13 : memref<16xi32, #tpu.memory_space<vmem>>)
        tpu.yield
      }) : () -> ()
      %mul3A_58 = arith.constant 16 : i32
      %mul3A_59 = arith.muli %while3A_54, %mul3A_58 : i32
      %add3A_60 = vector.broadcast %mul3A_59 : i32 to vector<16xi32>
      %add3A_61 = arith.addi %add3A_60, %iota3A : vector<16xi32>
      %lt3A = arith.cmpi slt, %add3A_61, %get3A_9 : vector<16xi32>
      %get3A_62 = arith.constant 0 : index
      %get3A_63 = tpu.vector_load %arg13[%get3A_62] {strides = array<i32>} : memref<16xi32, #tpu.memory_space<vmem>>, vector<16xi32>,
      %jit3A_64 = arith.constant 10000 : i32
      %eq3A_65 = arith.constant 0 : i32
      %eq3A_66 = arith.cmpi eq, %jit3A_64, %eq3A_65 : i32
      %jit3A_67 = arith.constant 1 : i32
      %select_n3A_68 = arith.select %eq3A_66, %jit3A_67, %jit3A_64 : i32
      %rem3A_69 = vector.broadcast %select_n3A_68 : i32 to vector<16xi32>
      %rem3A_70 = arith.remsi %get3A_63, %rem3A_69 : vector<16xi32>
      %ne3A_71 = arith.constant 0 : i32
      %ne3A_72 = vector.broadcast %ne3A_71 : i32 to vector<16xi32>
      %ne3A_73 = arith.cmpi ne, %rem3A_70, %ne3A_72 : vector<16xi32>
      %lt3A_74 = arith.constant 0 : i32
      %lt3A_75 = vector.broadcast %lt3A_74 : i32 to vector<16xi32>
      %lt3A_76 = arith.cmpi slt, %rem3A_70, %lt3A_75 : vector<16xi32>
      %lt3A_77 = arith.constant 0 : i32
      %lt3A_78 = arith.cmpi slt, %select_n3A_68, %lt3A_77 : i32
      %ne3A_79 = vector.broadcast %lt3A_78 : i1 to vector<16xi1>
      %ne3A_80 = vector.broadcast %ne3A_79 : vector<16xi1> to vector<16xi1>
      %ne3A_81 = arith.xori %lt3A_76, %ne3A_80 : vector<16xi1>
      %and3A_82 = arith.andi %ne3A_81, %ne3A_73 : vector<16xi1>
      %add3A_83 = vector.broadcast %select_n3A_68 : i32 to vector<16xi32>
      %add3A_84 = arith.addi %rem3A_70, %add3A_83 : vector<16xi32>
      %select_n3A_85 = arith.select %and3A_82, %add3A_84, %rem3A_70 : vector<16xi1>, vector<16xi32>
      %jit3A_86 = arith.constant 0 : i32
      %broadcast_in_dim3A = vector.broadcast %jit3A_86 : i32 to vector<16xi32>
      %select_n3A_87 = arith.select %lt3A, %select_n3A_85, %broadcast_in_dim3A : vector<16xi1>, vector<16xi32>
      %swap3A = arith.constant 0 : index
      %swap3A_88 = tpu.vector_load %arg13[%swap3A] {strides = array<i32>} : memref<16xi32, #tpu.memory_space<vmem>>, vector<16xi32>,
      tpu.vector_store %arg13[%swap3A], %select_n3A_87 {strides = array<i32>} : memref<16xi32, #tpu.memory_space<vmem>>, vector<16xi32>,
      %jit3A_89 = arith.constant 10000 : i32
      %div3A_90 = vector.broadcast %jit3A_89 : i32 to vector<16xi32>
      %div3A_91 = arith.divsi %get3A_63, %div3A_90 : vector<16xi32>
      %sign3A_92 = arith.constant 0 : i32
      %sign3A_93 = vector.broadcast %sign3A_92 : i32 to vector<16xi32>
      %sign3A_94 = arith.cmpi sgt, %get3A_63, %sign3A_93 : vector<16xi32>
      %sign3A_95 = arith.extui %sign3A_94 : vector<16xi1> to vector<16xi32>
      %sign3A_96 = arith.constant 0 : i32
      %sign3A_97 = vector.broadcast %sign3A_96 : i32 to vector<16xi32>
      %sign3A_98 = arith.cmpi slt, %get3A_63, %sign3A_97 : vector<16xi32>
      %sign3A_99 = arith.extui %sign3A_98 : vector<16xi1> to vector<16xi32>
      %sign3A_100 = arith.subi %sign3A_95, %sign3A_99 : vector<16xi32>
      %sign3A_101 = arith.constant 0 : i32
      %sign3A_102 = arith.cmpi sgt, %jit3A_89, %sign3A_101 : i32
      %sign3A_103 = arith.extui %sign3A_102 : i1 to i32
      %sign3A_104 = arith.constant 0 : i32
      %sign3A_105 = arith.cmpi slt, %jit3A_89, %sign3A_104 : i32
      %sign3A_106 = arith.extui %sign3A_105 : i1 to i32
      %sign3A_107 = arith.subi %sign3A_103, %sign3A_106 : i32
      %ne3A_108 = vector.broadcast %sign3A_107 : i32 to vector<16xi32>
      %ne3A_109 = arith.cmpi ne, %sign3A_100, %ne3A_108 : vector<16xi32>
      %rem3A_110 = vector.broadcast %jit3A_89 : i32 to vector<16xi32>
      %rem3A_111 = arith.remsi %get3A_63, %rem3A_110 : vector<16xi32>
      %ne3A_112 = arith.constant 0 : i32
      %ne3A_113 = vector.broadcast %ne3A_112 : i32 to vector<16xi32>
      %ne3A_114 = arith.cmpi ne, %rem3A_111, %ne3A_113 : vector<16xi32>
      %and3A_115 = arith.andi %ne3A_109, %ne3A_114 : vector<16xi1>
      %sub3A_116 = arith.constant 1 : i32
      %sub3A_117 = vector.broadcast %sub3A_116 : i32 to vector<16xi32>
      %sub3A_118 = arith.subi %div3A_91, %sub3A_117 : vector<16xi32>
      %select_n3A_119 = arith.select %and3A_115, %sub3A_118, %div3A_91 : vector<16xi1>, vector<16xi32>
      %jit3A_120 = arith.constant 40 : i32
      %broadcast_in_dim3A_121 = vector.broadcast %jit3A_120 : i32 to vector<16xi32>
      %select_n3A_122 = arith.select %lt3A, %select_n3A_119, %broadcast_in_dim3A_121 : vector<16xi1>, vector<16xi32>
      %swap3A_123 = arith.constant 0 : index
      %swap3A_124 = tpu.vector_load %arg14[%swap3A_123] {strides = array<i32>} : memref<16xi32, #tpu.memory_space<vmem>>, vector<16xi32>,
      tpu.vector_store %arg14[%swap3A_123], %select_n3A_122 {strides = array<i32>} : memref<16xi32, #tpu.memory_space<vmem>>, vector<16xi32>,
      "tpu.region"() ({
        %run_scoped3A = tpu.sem_alloc : memref<!tpu.dma_semaphore, #tpu.memory_space<semaphore_mem>>
        %dma_start3A_129 = arith.constant 0 : i32
        %dma_start3A_130 = arith.constant 0 : i32
        %dma_start3A_131 = tpu.memref_slice %arg4[%dma_start3A_129, %dma_start3A_130] : memref<10240x64xf32, #tpu.memory_space<hbm>> -> memref<10240x64xf32, #tpu.memory_space<hbm>>
        tpu.enqueue_indirect_dma source(%dma_start3A_131 : memref<10240x64xf32, #tpu.memory_space<hbm>>) target(%arg10 : memref<16x64xf32, #tpu.memory_space<vmem>>) offsets(%arg13 : memref<16xi32, #tpu.memory_space<vmem>>) semaphore(%run_scoped3A : memref<!tpu.dma_semaphore, #tpu.memory_space<semaphore_mem>>)
        %dma_wait3A_132 = arith.constant 0 : i32
        %dma_wait3A_133 = arith.constant 0 : i32
        %dma_wait3A_134 = tpu.memref_slice %arg4[%dma_wait3A_132, %dma_wait3A_133] : memref<10240x64xf32, #tpu.memory_space<hbm>> -> memref<10240x64xf32, #tpu.memory_space<hbm>>
        tpu.wait_indirect_dma semaphore(%run_scoped3A : memref<!tpu.dma_semaphore, #tpu.memory_space<semaphore_mem>>) src(%dma_wait3A_134 : memref<10240x64xf32, #tpu.memory_space<hbm>>) dst(%arg10 : memref<16x64xf32, #tpu.memory_space<vmem>>)
        tpu.yield
      }) : () -> ()
      "tpu.region"() ({
        %run_scoped3A = tpu.sem_alloc : memref<!tpu.dma_semaphore, #tpu.memory_space<semaphore_mem>>
        %dma_start3A_129 = arith.constant 0 : i32
        %dma_start3A_130 = arith.constant 0 : i32
        %dma_start3A_131 = tpu.memref_slice %arg5[%dma_start3A_129, %dma_start3A_130] : memref<10240x64xf32, #tpu.memory_space<hbm>> -> memref<10240x64xf32, #tpu.memory_space<hbm>>
        tpu.enqueue_indirect_dma source(%dma_start3A_131 : memref<10240x64xf32, #tpu.memory_space<hbm>>) target(%arg11 : memref<16x64xf32, #tpu.memory_space<vmem>>) offsets(%arg13 : memref<16xi32, #tpu.memory_space<vmem>>) semaphore(%run_scoped3A : memref<!tpu.dma_semaphore, #tpu.memory_space<semaphore_mem>>)
        %dma_wait3A_132 = arith.constant 0 : i32
        %dma_wait3A_133 = arith.constant 0 : i32
        %dma_wait3A_134 = tpu.memref_slice %arg5[%dma_wait3A_132, %dma_wait3A_133] : memref<10240x64xf32, #tpu.memory_space<hbm>> -> memref<10240x64xf32, #tpu.memory_space<hbm>>
        tpu.wait_indirect_dma semaphore(%run_scoped3A : memref<!tpu.dma_semaphore, #tpu.memory_space<semaphore_mem>>) src(%dma_wait3A_134 : memref<10240x64xf32, #tpu.memory_space<hbm>>) dst(%arg11 : memref<16x64xf32, #tpu.memory_space<vmem>>)
        tpu.yield
      }) : () -> ()
      %scan3A = arith.constant 0 : i32
      %scan3A_125 = arith.constant 16 : i32
      %scan3A_126 = arith.addi %scan3A, %scan3A_125 : i32
      %scan3A_127 = arith.constant 1 : i32
      scf.for %scan3A_129 = %scan3A to %scan3A_126 step %scan3A_127  : i32 {
        %mul3A_130 = arith.constant 1 : i32
        %mul3A_131 = arith.muli %scan3A_129, %mul3A_130 : i32
        %add3A_132 = arith.constant 0 : i32
        %add3A_133 = arith.addi %add3A_132, %mul3A_131 : i32
        %scan3A_134 = arith.constant 0 : i32
        %scan3A_135 = arith.constant 4 : i32
        %scan3A_136 = arith.addi %scan3A_134, %scan3A_135 : i32
        %scan3A_137 = arith.constant 1 : i32
        scf.for %scan3A_139 = %scan3A_134 to %scan3A_136 step %scan3A_137  : i32 {
          %mul3A_140 = arith.constant 16 : i32
          %mul3A_141 = arith.muli %scan3A_139, %mul3A_140 : i32
          %add3A_142 = arith.constant 0 : i32
          %add3A_143 = arith.addi %add3A_142, %mul3A_141 : i32
          %get3A_144 = arith.index_cast %add3A_133 : i32 to index
          %get3A_145 = arith.index_cast %add3A_143 : i32 to index
          %get3A_146 = tpu.vector_load %arg10[%get3A_144, %get3A_145] {strides = array<i32>} : memref<16x64xf32, #tpu.memory_space<vmem>>, vector<16xf32>,
          %get3A_147 = arith.index_cast %add3A_133 : i32 to index
          %get3A_148 = arith.index_cast %add3A_143 : i32 to index
          %get3A_149 = tpu.vector_load %arg11[%get3A_147, %get3A_148] {strides = array<i32>} : memref<16x64xf32, #tpu.memory_space<vmem>>, vector<16xf32>,
          %add3A_150 = arith.addf %get3A_146, %get3A_149 : vector<16xf32>
          %max3A = arith.constant 0.000000e+00 : f32
          %max3A_151 = vector.broadcast %max3A : f32 to vector<16xf32>
          %max3A_152 = arith.maximumf %add3A_150, %max3A_151 : vector<16xf32>
          %swap3A_153 = arith.index_cast %add3A_133 : i32 to index
          %swap3A_154 = arith.index_cast %add3A_143 : i32 to index
          %swap3A_155 = tpu.vector_load %arg12[%swap3A_153, %swap3A_154] {strides = array<i32>} : memref<16x64xf32, #tpu.memory_space<vmem>>, vector<16xf32>,
          tpu.vector_store %arg12[%swap3A_153, %swap3A_154], %max3A_152 {strides = array<i32>} : memref<16x64xf32, #tpu.memory_space<vmem>>, vector<16xf32>,
        }
        %scan3A_138 = arith.constant 4 : i32
      }
      %scan3A_128 = arith.constant 16 : i32
      "tpu.region"() ({
        %run_scoped3A = tpu.sem_alloc : memref<!tpu.dma_semaphore, #tpu.memory_space<semaphore_mem>>
        %dma_start3A_129 = arith.constant 0 : i32
        %dma_start3A_130 = arith.constant 0 : i32
        %dma_start3A_131 = tpu.memref_slice %arg15[%dma_start3A_129, %dma_start3A_130] : memref<48x64xf32, #tpu.memory_space<vmem_shared>> -> memref<48x64xf32, #tpu.memory_space<vmem_shared>>
        tpu.enqueue_indirect_dma source(%arg12 : memref<16x64xf32, #tpu.memory_space<vmem>>) target(%dma_start3A_131 : memref<48x64xf32, #tpu.memory_space<vmem_shared>>) offsets(%arg14 : memref<16xi32, #tpu.memory_space<vmem>>) semaphore(%run_scoped3A : memref<!tpu.dma_semaphore, #tpu.memory_space<semaphore_mem>>) {add = true}
        %dma_wait3A_132 = arith.constant 0 : i32
        %dma_wait3A_133 = arith.constant 0 : i32
        %dma_wait3A_134 = tpu.memref_slice %arg15[%dma_wait3A_132, %dma_wait3A_133] : memref<48x64xf32, #tpu.memory_space<vmem_shared>> -> memref<48x64xf32, #tpu.memory_space<vmem_shared>>
        tpu.wait_indirect_dma semaphore(%run_scoped3A : memref<!tpu.dma_semaphore, #tpu.memory_space<semaphore_mem>>) src(%arg12 : memref<16x64xf32, #tpu.memory_space<vmem>>) dst(%dma_wait3A_134 : memref<48x64xf32, #tpu.memory_space<vmem_shared>>)
        tpu.yield
      }) : () -> ()
    }
    %while3A_36 = arith.constant 1 : i32
    scf.for %while3A_54 = %while3A_34 to %while3A_30 step %while3A_36  : i32 {
      %mul3A_55 = arith.constant 16 : i32
      %mul3A_56 = arith.muli %while3A_54, %mul3A_55 : i32
      %add3A_57 = arith.addi %mul3A_2, %mul3A_56 : i32
      "tpu.region"() ({
        %run_scoped3A = tpu.sem_alloc : memref<!tpu.dma_semaphore, #tpu.memory_space<semaphore_mem>>
        %dma_start3A_129 = tpu.memref_slice %arg2[%add3A_57] : memref<320000xi32, #tpu.memory_space<hbm>> -> memref<16xi32, #tpu.memory_space<hbm>>
        %dma_start3A_130 = tpu.memref_slice %arg2[%add3A_57] : memref<320000xi32, #tpu.memory_space<hbm>> -> memref<16xi32, #tpu.memory_space<hbm>>
        tpu.enqueue_dma source(%dma_start3A_130 : memref<16xi32, #tpu.memory_space<hbm>>) target(%arg13 : memref<16xi32, #tpu.memory_space<vmem>>) target_semaphore(%run_scoped3A : memref<!tpu.dma_semaphore, #tpu.memory_space<semaphore_mem>>)
        %dma_wait3A_131 = tpu.memref_slice %arg2[%add3A_57] : memref<320000xi32, #tpu.memory_space<hbm>> -> memref<16xi32, #tpu.memory_space<hbm>>
        %dma_wait3A_132 = tpu.memref_slice %arg2[%add3A_57] : memref<320000xi32, #tpu.memory_space<hbm>> -> memref<16xi32, #tpu.memory_space<hbm>>
        tpu.wait_dma2 semaphore(%run_scoped3A : memref<!tpu.dma_semaphore, #tpu.memory_space<semaphore_mem>>) src(%dma_wait3A_132 : memref<16xi32, #tpu.memory_space<hbm>>) dst(%arg13 : memref<16xi32, #tpu.memory_space<vmem>>)
        tpu.yield
      }) : () -> ()
      %mul3A_58 = arith.constant 16 : i32
      %mul3A_59 = arith.muli %while3A_54, %mul3A_58 : i32
      %add3A_60 = vector.broadcast %mul3A_59 : i32 to vector<16xi32>
      %add3A_61 = arith.addi %add3A_60, %iota3A : vector<16xi32>
      %lt3A = arith.cmpi slt, %add3A_61, %get3A_9 : vector<16xi32>
      %get3A_62 = arith.constant 0 : index
      %get3A_63 = tpu.vector_load %arg13[%get3A_62] {strides = array<i32>} : memref<16xi32, #tpu.memory_space<vmem>>, vector<16xi32>,
      %jit3A_64 = arith.constant 10000 : i32
      %eq3A_65 = arith.constant 0 : i32
      %eq3A_66 = arith.cmpi eq, %jit3A_64, %eq3A_65 : i32
      %jit3A_67 = arith.constant 1 : i32
      %select_n3A_68 = arith.select %eq3A_66, %jit3A_67, %jit3A_64 : i32
      %rem3A_69 = vector.broadcast %select_n3A_68 : i32 to vector<16xi32>
      %rem3A_70 = arith.remsi %get3A_63, %rem3A_69 : vector<16xi32>
      %ne3A_71 = arith.constant 0 : i32
      %ne3A_72 = vector.broadcast %ne3A_71 : i32 to vector<16xi32>
      %ne3A_73 = arith.cmpi ne, %rem3A_70, %ne3A_72 : vector<16xi32>
      %lt3A_74 = arith.constant 0 : i32
      %lt3A_75 = vector.broadcast %lt3A_74 : i32 to vector<16xi32>
      %lt3A_76 = arith.cmpi slt, %rem3A_70, %lt3A_75 : vector<16xi32>
      %lt3A_77 = arith.constant 0 : i32
      %lt3A_78 = arith.cmpi slt, %select_n3A_68, %lt3A_77 : i32
      %ne3A_79 = vector.broadcast %lt3A_78 : i1 to vector<16xi1>
      %ne3A_80 = vector.broadcast %ne3A_79 : vector<16xi1> to vector<16xi1>
      %ne3A_81 = arith.xori %lt3A_76, %ne3A_80 : vector<16xi1>
      %and3A_82 = arith.andi %ne3A_81, %ne3A_73 : vector<16xi1>
      %add3A_83 = vector.broadcast %select_n3A_68 : i32 to vector<16xi32>
      %add3A_84 = arith.addi %rem3A_70, %add3A_83 : vector<16xi32>
      %select_n3A_85 = arith.select %and3A_82, %add3A_84, %rem3A_70 : vector<16xi1>, vector<16xi32>
      %jit3A_86 = arith.constant 0 : i32
      %broadcast_in_dim3A = vector.broadcast %jit3A_86 : i32 to vector<16xi32>
      %select_n3A_87 = arith.select %lt3A, %select_n3A_85, %broadcast_in_dim3A : vector<16xi1>, vector<16xi32>
      %swap3A = arith.constant 0 : index
      %swap3A_88 = tpu.vector_load %arg13[%swap3A] {strides = array<i32>} : memref<16xi32, #tpu.memory_space<vmem>>, vector<16xi32>,
      tpu.vector_store %arg13[%swap3A], %select_n3A_87 {strides = array<i32>} : memref<16xi32, #tpu.memory_space<vmem>>, vector<16xi32>,
      %jit3A_89 = arith.constant 10000 : i32
      %div3A_90 = vector.broadcast %jit3A_89 : i32 to vector<16xi32>
      %div3A_91 = arith.divsi %get3A_63, %div3A_90 : vector<16xi32>
      %sign3A_92 = arith.constant 0 : i32
      %sign3A_93 = vector.broadcast %sign3A_92 : i32 to vector<16xi32>
      %sign3A_94 = arith.cmpi sgt, %get3A_63, %sign3A_93 : vector<16xi32>
      %sign3A_95 = arith.extui %sign3A_94 : vector<16xi1> to vector<16xi32>
      %sign3A_96 = arith.constant 0 : i32
      %sign3A_97 = vector.broadcast %sign3A_96 : i32 to vector<16xi32>
      %sign3A_98 = arith.cmpi slt, %get3A_63, %sign3A_97 : vector<16xi32>
      %sign3A_99 = arith.extui %sign3A_98 : vector<16xi1> to vector<16xi32>
      %sign3A_100 = arith.subi %sign3A_95, %sign3A_99 : vector<16xi32>
      %sign3A_101 = arith.constant 0 : i32
      %sign3A_102 = arith.cmpi sgt, %jit3A_89, %sign3A_101 : i32
      %sign3A_103 = arith.extui %sign3A_102 : i1 to i32
      %sign3A_104 = arith.constant 0 : i32
      %sign3A_105 = arith.cmpi slt, %jit3A_89, %sign3A_104 : i32
      %sign3A_106 = arith.extui %sign3A_105 : i1 to i32
      %sign3A_107 = arith.subi %sign3A_103, %sign3A_106 : i32
      %ne3A_108 = vector.broadcast %sign3A_107 : i32 to vector<16xi32>
      %ne3A_109 = arith.cmpi ne, %sign3A_100, %ne3A_108 : vector<16xi32>
      %rem3A_110 = vector.broadcast %jit3A_89 : i32 to vector<16xi32>
      %rem3A_111 = arith.remsi %get3A_63, %rem3A_110 : vector<16xi32>
      %ne3A_112 = arith.constant 0 : i32
      %ne3A_113 = vector.broadcast %ne3A_112 : i32 to vector<16xi32>
      %ne3A_114 = arith.cmpi ne, %rem3A_111, %ne3A_113 : vector<16xi32>
      %and3A_115 = arith.andi %ne3A_109, %ne3A_114 : vector<16xi1>
      %sub3A_116 = arith.constant 1 : i32
      %sub3A_117 = vector.broadcast %sub3A_116 : i32 to vector<16xi32>
      %sub3A_118 = arith.subi %div3A_91, %sub3A_117 : vector<16xi32>
      %select_n3A_119 = arith.select %and3A_115, %sub3A_118, %div3A_91 : vector<16xi1>, vector<16xi32>
      %jit3A_120 = arith.constant 40 : i32
      %broadcast_in_dim3A_121 = vector.broadcast %jit3A_120 : i32 to vector<16xi32>
      %select_n3A_122 = arith.select %lt3A, %select_n3A_119, %broadcast_in_dim3A_121 : vector<16xi1>, vector<16xi32>
      %swap3A_123 = arith.constant 0 : index
      %swap3A_124 = tpu.vector_load %arg14[%swap3A_123] {strides = array<i32>} : memref<16xi32, #tpu.memory_space<vmem>>, vector<16xi32>,
      tpu.vector_store %arg14[%swap3A_123], %select_n3A_122 {strides = array<i32>} : memref<16xi32, #tpu.memory_space<vmem>>, vector<16xi32>,
      "tpu.region"() ({
        %run_scoped3A = tpu.sem_alloc : memref<!tpu.dma_semaphore, #tpu.memory_space<semaphore_mem>>
        %dma_start3A_129 = arith.constant 0 : i32
        %dma_start3A_130 = arith.constant 0 : i32
        %dma_start3A_131 = tpu.memref_slice %arg4[%dma_start3A_129, %dma_start3A_130] : memref<10240x64xf32, #tpu.memory_space<hbm>> -> memref<10240x64xf32, #tpu.memory_space<hbm>>
        tpu.enqueue_indirect_dma source(%dma_start3A_131 : memref<10240x64xf32, #tpu.memory_space<hbm>>) target(%arg10 : memref<16x64xf32, #tpu.memory_space<vmem>>) offsets(%arg13 : memref<16xi32, #tpu.memory_space<vmem>>) semaphore(%run_scoped3A : memref<!tpu.dma_semaphore, #tpu.memory_space<semaphore_mem>>)
        %dma_wait3A_132 = arith.constant 0 : i32
        %dma_wait3A_133 = arith.constant 0 : i32
        %dma_wait3A_134 = tpu.memref_slice %arg4[%dma_wait3A_132, %dma_wait3A_133] : memref<10240x64xf32, #tpu.memory_space<hbm>> -> memref<10240x64xf32, #tpu.memory_space<hbm>>
        tpu.wait_indirect_dma semaphore(%run_scoped3A : memref<!tpu.dma_semaphore, #tpu.memory_space<semaphore_mem>>) src(%dma_wait3A_134 : memref<10240x64xf32, #tpu.memory_space<hbm>>) dst(%arg10 : memref<16x64xf32, #tpu.memory_space<vmem>>)
        tpu.yield
      }) : () -> ()
      "tpu.region"() ({
        %run_scoped3A = tpu.sem_alloc : memref<!tpu.dma_semaphore, #tpu.memory_space<semaphore_mem>>
        %dma_start3A_129 = arith.constant 0 : i32
        %dma_start3A_130 = arith.constant 0 : i32
        %dma_start3A_131 = tpu.memref_slice %arg5[%dma_start3A_129, %dma_start3A_130] : memref<10240x64xf32, #tpu.memory_space<hbm>> -> memref<10240x64xf32, #tpu.memory_space<hbm>>
        tpu.enqueue_indirect_dma source(%dma_start3A_131 : memref<10240x64xf32, #tpu.memory_space<hbm>>) target(%arg11 : memref<16x64xf32, #tpu.memory_space<vmem>>) offsets(%arg13 : memref<16xi32, #tpu.memory_space<vmem>>) semaphore(%run_scoped3A : memref<!tpu.dma_semaphore, #tpu.memory_space<semaphore_mem>>)
        %dma_wait3A_132 = arith.constant 0 : i32
        %dma_wait3A_133 = arith.constant 0 : i32
        %dma_wait3A_134 = tpu.memref_slice %arg5[%dma_wait3A_132, %dma_wait3A_133] : memref<10240x64xf32, #tpu.memory_space<hbm>> -> memref<10240x64xf32, #tpu.memory_space<hbm>>
        tpu.wait_indirect_dma semaphore(%run_scoped3A : memref<!tpu.dma_semaphore, #tpu.memory_space<semaphore_mem>>) src(%dma_wait3A_134 : memref<10240x64xf32, #tpu.memory_space<hbm>>) dst(%arg11 : memref<16x64xf32, #tpu.memory_space<vmem>>)
        tpu.yield
      }) : () -> ()
      %scan3A = arith.constant 0 : i32
      %scan3A_125 = arith.constant 16 : i32
      %scan3A_126 = arith.addi %scan3A, %scan3A_125 : i32
      %scan3A_127 = arith.constant 1 : i32
      scf.for %scan3A_129 = %scan3A to %scan3A_126 step %scan3A_127  : i32 {
        %mul3A_130 = arith.constant 1 : i32
        %mul3A_131 = arith.muli %scan3A_129, %mul3A_130 : i32
        %add3A_132 = arith.constant 0 : i32
        %add3A_133 = arith.addi %add3A_132, %mul3A_131 : i32
        %scan3A_134 = arith.constant 0 : i32
        %scan3A_135 = arith.constant 4 : i32
        %scan3A_136 = arith.addi %scan3A_134, %scan3A_135 : i32
        %scan3A_137 = arith.constant 1 : i32
        scf.for %scan3A_139 = %scan3A_134 to %scan3A_136 step %scan3A_137  : i32 {
          %mul3A_140 = arith.constant 16 : i32
          %mul3A_141 = arith.muli %scan3A_139, %mul3A_140 : i32
          %add3A_142 = arith.constant 0 : i32
          %add3A_143 = arith.addi %add3A_142, %mul3A_141 : i32
          %get3A_144 = arith.index_cast %add3A_133 : i32 to index
          %get3A_145 = arith.index_cast %add3A_143 : i32 to index
          %get3A_146 = tpu.vector_load %arg10[%get3A_144, %get3A_145] {strides = array<i32>} : memref<16x64xf32, #tpu.memory_space<vmem>>, vector<16xf32>,
          %get3A_147 = arith.index_cast %add3A_133 : i32 to index
          %get3A_148 = arith.index_cast %add3A_143 : i32 to index
          %get3A_149 = tpu.vector_load %arg11[%get3A_147, %get3A_148] {strides = array<i32>} : memref<16x64xf32, #tpu.memory_space<vmem>>, vector<16xf32>,
          %add3A_150 = arith.addf %get3A_146, %get3A_149 : vector<16xf32>
          %max3A = arith.constant 0.000000e+00 : f32
          %max3A_151 = vector.broadcast %max3A : f32 to vector<16xf32>
          %max3A_152 = arith.maximumf %add3A_150, %max3A_151 : vector<16xf32>
          %swap3A_153 = arith.index_cast %add3A_133 : i32 to index
          %swap3A_154 = arith.index_cast %add3A_143 : i32 to index
          %swap3A_155 = tpu.vector_load %arg12[%swap3A_153, %swap3A_154] {strides = array<i32>} : memref<16x64xf32, #tpu.memory_space<vmem>>, vector<16xf32>,
          tpu.vector_store %arg12[%swap3A_153, %swap3A_154], %max3A_152 {strides = array<i32>} : memref<16x64xf32, #tpu.memory_space<vmem>>, vector<16xf32>,
        }
        %scan3A_138 = arith.constant 4 : i32
      }
      %scan3A_128 = arith.constant 16 : i32
      "tpu.region"() ({
        %run_scoped3A = tpu.sem_alloc : memref<!tpu.dma_semaphore, #tpu.memory_space<semaphore_mem>>
        %dma_start3A_129 = arith.constant 0 : i32
        %dma_start3A_130 = arith.constant 0 : i32
        %dma_start3A_131 = tpu.memref_slice %arg15[%dma_start3A_129, %dma_start3A_130] : memref<48x64xf32, #tpu.memory_space<vmem_shared>> -> memref<48x64xf32, #tpu.memory_space<vmem_shared>>
        tpu.enqueue_indirect_dma source(%arg12 : memref<16x64xf32, #tpu.memory_space<vmem>>) target(%dma_start3A_131 : memref<48x64xf32, #tpu.memory_space<vmem_shared>>) offsets(%arg14 : memref<16xi32, #tpu.memory_space<vmem>>) semaphore(%run_scoped3A : memref<!tpu.dma_semaphore, #tpu.memory_space<semaphore_mem>>) {add = true}
        %dma_wait3A_132 = arith.constant 0 : i32
        %dma_wait3A_133 = arith.constant 0 : i32
        %dma_wait3A_134 = tpu.memref_slice %arg15[%dma_wait3A_132, %dma_wait3A_133] : memref<48x64xf32, #tpu.memory_space<vmem_shared>> -> memref<48x64xf32, #tpu.memory_space<vmem_shared>>
        tpu.wait_indirect_dma semaphore(%run_scoped3A : memref<!tpu.dma_semaphore, #tpu.memory_space<semaphore_mem>>) src(%arg12 : memref<16x64xf32, #tpu.memory_space<vmem>>) dst(%dma_wait3A_134 : memref<48x64xf32, #tpu.memory_space<vmem_shared>>)
        tpu.yield
      }) : () -> ()
    }
    %barrier3A_37 = arith.constant 0 : index
    tpu.barrier barrier_id(%barrier3A_37)
    %eq3A_38 = arith.constant 0 : i32
    %eq3A_39 = arith.cmpi eq, %arg0, %eq3A_38 : i32
    %eq3A_40 = arith.constant 0 : i32
    %eq3A_41 = arith.cmpi eq, %arg1, %eq3A_40 : i32
    %and3A_42 = arith.andi %eq3A_39, %eq3A_41 : i1
    %convert_element_type3A_43 = arith.extui %and3A_42 : i1 to i32
    %cond3A_44 = arith.constant 0 : i32
    %cond3A_45 = arith.cmpi ne, %convert_element_type3A_43, %cond3A_44 : i32
    scf.if %cond3A_45 {
      "tpu.region"() ({
        %run_scoped3A = tpu.sem_alloc : memref<!tpu.dma_semaphore, #tpu.memory_space<semaphore_mem>>
        tpu.enqueue_dma source(%arg15 : memref<48x64xf32, #tpu.memory_space<vmem_shared>>) target(%arg7 : memref<48x64xf32, #tpu.memory_space<hbm>>) target_semaphore(%run_scoped3A : memref<!tpu.dma_semaphore, #tpu.memory_space<semaphore_mem>>)
        tpu.wait_dma2 semaphore(%run_scoped3A : memref<!tpu.dma_semaphore, #tpu.memory_space<semaphore_mem>>) src(%arg15 : memref<48x64xf32, #tpu.memory_space<vmem_shared>>) dst(%arg7 : memref<48x64xf32, #tpu.memory_space<hbm>>)
        tpu.yield
      }) : () -> ()
    } else {
    }
    %eq3A_46 = arith.constant 1 : i32
    %eq3A_47 = arith.cmpi eq, %arg0, %eq3A_46 : i32
    %eq3A_48 = arith.constant 0 : i32
    %eq3A_49 = arith.cmpi eq, %arg1, %eq3A_48 : i32
    %and3A_50 = arith.andi %eq3A_47, %eq3A_49 : i1
    %convert_element_type3A_51 = arith.extui %and3A_50 : i1 to i32
    %cond3A_52 = arith.constant 0 : i32
    %cond3A_53 = arith.cmpi ne, %convert_element_type3A_51, %cond3A_52 : i32
    scf.if %cond3A_53 {
      "tpu.region"() ({
        %run_scoped3A = tpu.sem_alloc : memref<!tpu.dma_semaphore, #tpu.memory_space<semaphore_mem>>
        tpu.enqueue_dma source(%arg15 : memref<48x64xf32, #tpu.memory_space<vmem_shared>>) target(%arg8 : memref<48x64xf32, #tpu.memory_space<hbm>>) target_semaphore(%run_scoped3A : memref<!tpu.dma_semaphore, #tpu.memory_space<semaphore_mem>>)
        tpu.wait_dma2 semaphore(%run_scoped3A : memref<!tpu.dma_semaphore, #tpu.memory_space<semaphore_mem>>) src(%arg15 : memref<48x64xf32, #tpu.memory_space<vmem_shared>>) dst(%arg8 : memref<48x64xf32, #tpu.memory_space<hbm>>)
        tpu.yield
      }) : () -> ()
    } else {
    }
    return
  }
}

module attributes {stable_mosaic.version = 14 : i64} {
  func.func @_k4_body(%arg0: memref<48x64xf32, #tpu.memory_space<vmem>>, %arg1: memref<48x64xf32, #tpu.memory_space<vmem>>, %arg2: memref<40x64x16xf32, #tpu.memory_space<vmem>>, %arg3: memref<1x16xf32, #tpu.memory_space<vmem>>, %arg4: memref<1x16xf32, #tpu.memory_space<vmem>>) attributes {dimension_semantics = [], scalar_prefetch = 0 : i64, scratch_operands = 0 : i64, tpu.core_type = #tpu.core_type<tc>} {
    %get3A = arith.constant 0 : index
    %get3A_0 = arith.constant 0 : index
    %get3A_1 = vector.load %arg0[%get3A, %get3A_0] : memref<48x64xf32, #tpu.memory_space<vmem>>, vector<48x64xf32>
    %slice3A = vector.extract_strided_slice %get3A_1 {offsets = [0, 0], sizes = [40, 64], strides = [1, 1]} : vector<48x64xf32> to vector<40x64xf32>
    %get3A_2 = arith.constant 0 : index
    %get3A_3 = arith.constant 0 : index
    %get3A_4 = vector.load %arg1[%get3A_2, %get3A_3] : memref<48x64xf32, #tpu.memory_space<vmem>>, vector<48x64xf32>
    %slice3A_5 = vector.extract_strided_slice %get3A_4 {offsets = [0, 0], sizes = [40, 64], strides = [1, 1]} : vector<48x64xf32> to vector<40x64xf32>
    %add3A = arith.addf %slice3A, %slice3A_5 : vector<40x64xf32>
    %broadcast_in_dim3A = vector.shape_cast %add3A : vector<40x64xf32> to vector<40x64x1xf32>
    %get3A_6 = arith.constant 0 : index
    %get3A_7 = arith.constant 0 : index
    %get3A_8 = arith.constant 0 : index
    %get3A_9 = vector.load %arg2[%get3A_6, %get3A_7, %get3A_8] : memref<40x64x16xf32, #tpu.memory_space<vmem>>, vector<40x64x16xf32>
    %mul3A = vector.broadcast %broadcast_in_dim3A : vector<40x64x1xf32> to vector<40x64x16xf32>
    %mul3A_10 = arith.mulf %mul3A, %get3A_9 : vector<40x64x16xf32>
    %reduce_sum3A = arith.constant dense<0.000000e+00> : vector<64x16xf32>
    %reduce_sum3A_11 = vector.multi_reduction <add>, %mul3A_10, %reduce_sum3A [0] : vector<40x64x16xf32> to vector<64x16xf32>
    %reduce_sum3A_12 = arith.constant dense<0.000000e+00> : vector<16xf32>
    %reduce_sum3A_13 = vector.multi_reduction <add>, %reduce_sum3A_11, %reduce_sum3A_12 [0] : vector<64x16xf32> to vector<16xf32>
    %broadcast_in_dim3A_14 = vector.shape_cast %reduce_sum3A_13 : vector<16xf32> to vector<1x16xf32>
    %get3A_15 = arith.constant 0 : index
    %get3A_16 = arith.constant 0 : index
    %get3A_17 = vector.load %arg3[%get3A_15, %get3A_16] : memref<1x16xf32, #tpu.memory_space<vmem>>, vector<1x16xf32>
    %add3A_18 = arith.addf %broadcast_in_dim3A_14, %get3A_17 : vector<1x16xf32>
    %reduce_max3A = arith.constant dense<0xFF800000> : vector<1xf32>
    %reduce_max3A_19 = vector.multi_reduction <maximumf>, %add3A_18, %reduce_max3A [1] : vector<1x16xf32> to vector<1xf32>
    %broadcast_in_dim3A_20 = vector.shape_cast %reduce_max3A_19 : vector<1xf32> to vector<1x1xf32>
    %sub3A = vector.broadcast %broadcast_in_dim3A_20 : vector<1x1xf32> to vector<1x16xf32>
    %sub3A_21 = arith.subf %add3A_18, %sub3A : vector<1x16xf32>
    %exp3A = math.exp %sub3A_21 : vector<1x16xf32>
    %reduce_sum3A_22 = arith.constant dense<0.000000e+00> : vector<1xf32>
    %reduce_sum3A_23 = vector.multi_reduction <add>, %exp3A, %reduce_sum3A_22 [1] : vector<1x16xf32> to vector<1xf32>
    %broadcast_in_dim3A_24 = vector.shape_cast %reduce_sum3A_23 : vector<1xf32> to vector<1x1xf32>
    %div3A = vector.broadcast %broadcast_in_dim3A_24 : vector<1x1xf32> to vector<1x16xf32>
    %div3A_25 = arith.divf %exp3A, %div3A : vector<1x16xf32>
    %swap3A = arith.constant 0 : index
    %swap3A_26 = arith.constant 0 : index
    %swap3A_27 = vector.load %arg4[%swap3A, %swap3A_26] : memref<1x16xf32, #tpu.memory_space<vmem>>, vector<1x16xf32>
    tpu.vector_store %arg4[%swap3A, %swap3A_26], %div3A_25 {strides = array<i32>} : memref<1x16xf32, #tpu.memory_space<vmem>>, vector<1x16xf32>,
    return
  }
}

</mosaic_0001>

<sc_bundles>
// kernel: kernel.12.cloned.1.call-start
scs
__scs_entry_jumppad:
0x0: {  	(pc) =	sbr.rel $0x88, $3  }
0x1: {  	(tag) =	ssettag $0x0;
	lr =	simm.s32 $0x1  }
0x2: {  	[smem:$0x3F96] =	sst lr;
	_ =	strace $0xD0000000  }
0x3: {  	_ = 	snop  }
0x4: {  	_ = 	snop  }
0x5: {  	_ = 	snop  }
0x6: {  	_ = 	snop  }
0x7: {  	_ = 	snop  }
__scs_overlays_trampoline_lowered:
0x8: {  	[smem:$0x3FA5] =	sst s0  }
0x9: {  	[smem:$0x3FA6] =	sst s1  }
0xa: {  	[smem:$0x3FA7] =	sst s2  }
0xb: {  	[smem:$0x3FA8] =	sst s3  }
0xc: {  	[smem:$0x3FA9] =	sst s4  }
0xd: {  	[smem:$0x3FAA] =	sst s5  }
0xe: {  	[smem:$0x3FAB] =	sst s6  }
0xf: {  	[smem:$0x3FAC] =	sst s7  }
0x10: {  	[smem:$0x3FAD] =	sst s8  }
0x11: {  	[smem:$0x3FAE] =	sst s9;
	s0 =	simm.s32 @!p0 $0x0  }
0x12: {  	s1 =	sld [smem:$0x3F94];
	s0 =	simm.s32 @p0 $0x1  }
0x13: {  	[smem:$0x3FAF] =	sst s0;
	s0 =	simm.s32 @!p1 $0x0  }
0x14: {  	s2 =	sld [smem:$0x3F93];
	s0 =	simm.s32 @p1 $0x1  }
0x15: {  	[smem:$0x3FB0] =	sst s0;
	s0 =	simm.s32 @!p2 $0x0  }
0x16: {  	s3 =	sld [smem:$0x3FDB];
	s0 =	simm.s32 @p2 $0x1  }
0x17: {  	s4 =	simm.s32 $0x1BF5;
	[smem:$0x3FB2] =	sst s0  }
0x18: {  	s0 =	sld [smem:$0x3F95];
	_ =	swait.ge [sflag:s4], $0x0  }
0x19: {  	s7 =	sld [smem:$0x3F96]  }
0x1a: {  	s8 =	sadd.s32 $0xFFFFE003, lr  }
0x1b: {  	s9 =	sadd.s32 $0xFFFFFEF7, lr;
	s5 =	simm.s32 $0xFFFFFFFF;
	p2 =	slt.u32 s8, $0xFFFFF086  }
0x1c: {  	p1 =	slt.u32 s9, $0xF7A;
	s5 =	simm.s32 @!p2 $0x0  }
0x1d: {  	s5 =	simm.s32 @p1 $0x1;
	p0 =	seq.s32 s7, s2  }
0x1e: {  	s7 =	smul.u32 @!p0 $0xF7A, s2;
	p2 =	seq.s32 @!p0 s5, $0x0  }
0x1f: {  	s9 =	smul.u32 $0xF7A, s1;
	s8 =	simm.s32 @!p0 $0x1BF5;
	p2 =	por !p2, p0  }
0x20: {  	[sflag:s8] =	ssyncset.s32 @!p0 $0xFFFFF086;
	s6 =	sadd.s32 @!p0 s3, s7;
	s7 =	simm.s32 @!p0 $0x108  }
0x21: {  	s3 =	sadd.s32 s3, s9;
	s6 =	sadd.s32 @!p0 $0x88, s6;
	s7 =	simm.s32 @p2 $0x1082  }
0x22: {  	[simem:s7], [sflag:s8] =	dma.local @!p0 [hbm:s6], $0xF7A  }
0x23: {  	s9 =	sor.u32 $0xD0000000, s2;
	s6 =	simm.s32 $0x108;
	_ =	swait.ge @!p0 [sflag:s8], $0x0  }
0x24: {  	s3 =	sadd.s32 $0x88, s3;
	s6 =	simm.s32 @!p1 $0x1082;
	[sflag:s4] =	ssyncset.s32 $0xFFFFF086  }
0x25: {  	[simem:s6], [sflag:s4] =	dma.local [hbm:s3], $0xF7A  }
0x26: {  	[smem:$0x3F96] =	sst s1;
	(tag) =	ssettag s2;
	_ =	strace s9  }
0x27: {  	s1 =	sld [smem:$0x3FA6]  }
0x28: {  	s2 =	sld [smem:$0x3FA7]  }
0x29: {  	s4 =	sld [smem:$0x3FA9]  }
0x2a: {  	p0 =	seq.s32 s5, $0x0;
	s5 =	sld [smem:$0x3FAA]  }
0x2b: {  	s6 =	sld [smem:$0x3FAB]  }
0x2c: {  	s7 =	sld [smem:$0x3FAC]  }
0x2d: {  	s3 =	simm.s32 $0x108;
	s8 =	sld [smem:$0x3FAD]  }
0x2e: {  	s3 =	simm.s32 @!p0 $0x1082;
	s9 =	sld [smem:$0x3FAE]  }
0x2f: {  	lr =	sadd.s32 s0, s3;
	s0 =	sld [smem:$0x3FA5]  }
0x30: {  	s3 =	sld [smem:$0x3FA8]  }
0x31: {  	[smem:$0x3FB1] =	sst s10  }
0x32: {  	s10 =	sld [smem:$0x3FAF];
	_ =	sdelay $0x3  }
0x33: {  	p0 =	seq.s32 s10, $0x1;
	s10 =	sld [smem:$0x3FB1];
	_ =	sdelay $0x3  }
0x34: {  	[smem:$0x3FB1] =	sst s10  }
0x35: {  	s10 =	sld [smem:$0x3FB0];
	_ =	sdelay $0x3  }
0x36: {  	p1 =	seq.s32 s10, $0x1;
	s10 =	sld [smem:$0x3FB1];
	_ =	sdelay $0x3  }
0x37: {  	[smem:$0x3FB1] =	sst s10  }
0x38: {  	s10 =	sld [smem:$0x3FB2]  }
0x39: {  	_ = 	snop;
	(pc) =	sbr.ind lr, $3  }
0x3a: {  	_ = 	snop  }
0x3b: {  	_ = 	snop  }
0x3c: {  	p2 =	seq.s32 s10, $0x1;
	s10 =	sld [smem:$0x3FB1]  }
0x3d: {  	_ =	shalt  }
0x3e: {  	_ =	shalt  }
0x3f: {  	_ =	shalt  }
0x40: {  	_ =	shalt  }
0x41: {  	_ =	shalt  }
0x42: {  	_ =	shalt  }
0x43: {  	_ =	shalt  }
0x44: {  	_ =	shalt  }
0x45: {  	_ =	shalt  }
0x46: {  	_ =	shalt  }
0x47: {  	_ =	shalt  }
0x48: {  	_ =	shalt  }
0x49: {  	_ =	shalt  }
0x4a: {  	_ =	shalt  }
0x4b: {  	_ =	shalt  }
0x4c: {  	_ =	shalt  }
0x4d: {  	_ =	shalt  }
0x4e: {  	_ =	shalt  }
0x4f: {  	_ =	shalt  }
0x50: {  	_ =	shalt  }
0x51: {  	_ =	shalt  }
0x52: {  	_ =	shalt  }
0x53: {  	_ =	shalt  }
0x54: {  	_ =	shalt  }
0x55: {  	_ =	shalt  }
0x56: {  	_ =	shalt  }
0x57: {  	_ =	shalt  }
0x58: {  	_ =	shalt  }
0x59: {  	_ =	shalt  }
0x5a: {  	_ =	shalt  }
0x5b: {  	_ =	shalt  }
0x5c: {  	_ =	shalt  }
0x5d: {  	_ =	shalt  }
0x5e: {  	_ =	shalt  }
0x5f: {  	_ =	shalt  }
0x60: {  	_ =	shalt  }
0x61: {  	_ =	shalt  }
0x62: {  	_ =	shalt  }
0x63: {  	_ =	shalt  }
0x64: {  	_ =	shalt  }
0x65: {  	_ =	shalt  }
0x66: {  	_ =	shalt  }
0x67: {  	_ =	shalt  }
0x68: {  	_ =	shalt  }
0x69: {  	_ =	shalt  }
0x6a: {  	_ =	shalt  }
0x6b: {  	_ =	shalt  }
0x6c: {  	_ =	shalt  }
0x6d: {  	_ =	shalt  }
0x6e: {  	_ =	shalt  }
0x6f: {  	_ =	shalt  }
0x70: {  	_ =	shalt  }
0x71: {  	_ =	shalt  }
0x72: {  	_ =	shalt  }
0x73: {  	_ =	shalt  }
0x74: {  	_ =	shalt  }
0x75: {  	_ =	shalt  }
0x76: {  	_ =	shalt  }
0x77: {  	_ =	shalt  }
0x78: {  	_ =	shalt  }
0x79: {  	_ =	shalt  }
0x7a: {  	_ =	shalt  }
0x7b: {  	_ =	shalt  }
0x7c: {  	_ =	shalt  }
0x7d: {  	_ =	shalt  }
0x7e: {  	_ =	shalt  }
0x7f: {  	_ =	shalt  }
0x80: {  	_ =	shalt  }
0x81: {  	_ =	shalt  }
0x82: {  	_ =	shalt  }
0x83: {  	_ =	shalt  }
0x84: {  	_ =	shalt  }
0x85: {  	_ =	shalt  }
0x86: {  	_ =	shalt  }
0x87: {  	_ =	shalt  }
.Lfunc_end0:
.L_simem_size_0:
called_computation.2_lowered:
.L_overlay_start_0:
0x88: {  	s2 =	sld [smem:$0x3FD9]  }
0x89: {  	s3 =	sld [smem:$0x3FFE];
	_ =	sdelay $0x1  }
0x8a: {  	s1 =	srdreg.scid  }
0x8b: {  	s0 =	sand.u32 $0x1, s1  }
0x8c: {  	s16 =	sshll.u32 s0, $0xA;
	s2 =	sadd.s32 s3, s2  }
0x8d: {  	s2 =	sadd.s32 s2, s16  }
0x8e: {  	[smem:$0x3FBD] =	sst s2  }
0x8f: {  	_ = 	snop  }
0x90: {  	(tm) =	ssettm $0x1  }
0x91: {  	s17 =	sld [smem:$0x3FFB];
	_ =	sdelay $0x3  }
0x92: {  	_ =	strace s17  }
0x93: {  	s2 =	sld [smem:$0x3FFC];
	_ =	sdelay $0x3  }
0x94: {  	_ =	strace s2  }
0x95: {  	s2 =	sld [smem:$0x3FFD];
	_ =	sdelay $0x3  }
0x96: {  	_ =	strace s2  }
0x97: {  	_ =	strace $0x8FFFFFFF  }
0x98: {  	s18 =	sld [smem:$0x3FDB];
	_ =	sdelay $0x1  }
0x99: {  	s19 =	simm.s32 $_scs_section_size  }
0x9a: {  	s4 =	simm.s32 $_size__tile_overlayer_lowered;
	s5 =	simm.s32 $_tile_overlayer_lowered  }
0x9b: {  	s22 =	simm.s32 $0x1BFF;
	s21 =	sshll.u32 s5, $0x1;
	s2 =	sadd.s32 s19, s18  }
0x9c: {  	s6 =	simm.s32 $0x0;
	s20 =	sshll.u32 s4, $0x1;
	s4 =	sadd.s32 s21, s2  }
0x9d: {  	[timem:s6], [sflag:s22] =	dma.local [hbm:s4], s20  }
0x9e: {  	_ =	swait.ge [sflag:s22], s20  }
0x9f: {  	s3 =	ssub.s32 $0x0, s20;
	[sflag:s22] =	ssyncset.done $0x0  }
0xa0: {  	[sflag:s22] =	ssyncadd.s32 s3;
	_ =	sdelay $0x1  }
0xa1: {  	s23 =	simm.s32 $0x1B8B  }
0xa2: {  	_ =	swait.ge [sflag:s23], $0x1  }
0xa3: {  	[sflag:s23] =	ssyncset.done $0x0  }
0xa4: {  	s25 =	simm.s32 $0x1B8E;
	s24 =	sld [smem:$0x3FFE];
	[sflag:s23] =	ssyncadd.s32 $0xFFFFFFFF  }
0xa5: {  	s26 =	simm.s32 $execute0_lowered;
	[smem:$0x3FD2] =	sst s25  }
0xa6: {  	s4 =	sshll.u32 s26, $0x1;
	_ =	strace $0x8000004C;
	[dreg:$0x1] =	wrdreg $0xFFFFFFFF  }
0xa7: {  	s28 =	simm.s32 $_size_execute0_lowered;
	s2 =	sadd.s32 s2, s4;
	[dreg:$0x0] =	wrdreg $0x0  }
0xa8: {  	s4 =	sshll.u32 s28, $0x1;
	[dreg:$0x2] =	wrdreg s2  }
0xa9: {  	[dreg:$0x3] =	wrdreg s4  }
0xaa: {  	[dreg:$0x4] =	wrdreg $0xC0  }
0xab: {  	_ =	task [dreg:s6], $0x5FFFF  }
0xac: {  	[dreg:$0x1] =	wrdreg $0xFFFFFFFF  }
0xad: {  	[dreg:$0x0] =	wrdreg $0x60  }
0xae: {  	[dreg:$0x2] =	wrdreg s24  }
0xaf: {  	[dreg:$0x3] =	wrdreg $0xC300  }
0xb0: {  	[dreg:$0x4] =	wrdreg $0x9  }
0xb1: {  	_ =	task.clear_ibuf [dreg:s6], $0x5FFFF;
	_ =	strace $0x9000004C  }
0xb2: {  	s29 =	simm.s32 $0x9;
	_ =	strace $0x8000004E  }
0xb3: {  	_ =	swait.ge [sflag:s29], $0x1  }
0xb4: {  	[sflag:s29] =	ssyncadd.s32 $0xFFFFFFFF  }
0xb5: {  	_ =	strace $0x9000004E  }
0xb6: {  	_ =	sfence  }
0xb7: {  	s30 =	sld [smem:$0x0];
	_ =	sdelay $0x2  }
0xb8: {  	s31 =	sshll.u32 s1, $0xD;
	s1 =	sshrl.u32 s1, $0x2  }
0xb9: {  	s3 =	sand.u32 $0x4000, s31;
	s1 =	sadd.s32 s1, s30  }
0xba: {  	s0 =	sor.u32 s3, s0;
	s1 =	sshll.u32 s1, $0x11  }
0xbb: {  	s0 =	sor.u32 s1, s0  }
0xbc: {  	s0 =	sadd.s32 $0x8F2B, s0  }
0xbd: {  	[sflag:s0] =	ssyncadd.remote.s32 $0x1  }
0xbe: {  	_ =	sfence.sel $0xFFFF  }
0xbf: {  	[dreg:$0x0] =	wrdreg $0xFFFFFFFF;
	(pc) =	sbr.abs _section_cstart, $3  }
0xc0: {  	[dreg:$0x1] =	wrdreg $0xFFFFFFFF  }
0xc1: {  	_ =	task.clear_ibuf [dreg:s6], $0x2FFFF;
	_ =	strace $0x9FFFFFFF  }
0xc2: {  	(tm) =	ssettm $0x7FFFFFFF  }
0xc3: {  	_ =	shalt  }
tec
execute0_lowered:
.L_overlay_start_1:
0x0: {  	(tag) =	ssettag $0x1  }
0x1: {  	s0 =	srdreg.scid;
	s2 =	rddreg [dreg:$0x0]  }
0x2: {  	s1 =	rddreg [dreg:$0x1];
	s4 =	stileid.u32;
	s5 =	simm.s32 $0x0  }
0x3: {  	s15 =	simm.s32 $0xC10;
	s16 =	simm.s32 $0x2;
	s17 =	simm.s32 $0x10  }
0x4: {  	s0 =	sand.u32 $0x1, s0;
	[smem:$0x7FF] =	sst s5;
	s6 =	sadd.s32 $0x2800, s2  }
0x5: {  	s25 =	sadd.s32 $0x31B000, s2;
	_ =	strace $0x8000004D;
	[dreg:$0x3] =	wrdreg s6  }
0x6: {  	s26 =	sadd.s32 $0x32F000, s2;
	s28 =	sadd.s32 $0x319C00, s2;
	[dreg:$0x4] =	wrdreg s25  }
0x7: {  	s29 =	sadd.s32 $0x1E00, s2;
	p0 =	seq.s32 s4, $0x0;
	[dreg:$0x5] =	wrdreg s26  }
0x8: {  	s3 =	sshll.u32 s0, $0x4;
	s10 =	ssub.s32 $0x2, s0;
	[dreg:$0x6] =	wrdreg s28  }
0x9: {  	[dreg:$0x7] =	wrdreg s29;
	p1 =	seq.s32 s0, $0x1;
	s3 =	sor.u32 s4, s3  }
0xa: {  	v0 =	vimm.s32 $0xECA86420;
	vm0 =	vcmask $0xB08;
	p1 =	por !p0, !p1;
	p0 =	sne.s32 s4, $0x0;
	s24 =	sshll.u32 s3, $0x1  }
0xb: {  	vm1 =	vcmask $0x1310;
	vm2 =	vcmask $0x1B18;
	vm3 =	vcmask $0x300;
	s3 =	smul.u32 $0x2710, s3;
	s1 =	sshrl.u32 @!p0 s1, $0x3;
	s7 =	sadd.s32 s24, s2  }
.Ltmp0:
0xc: {  	vm4 =	vcmask $0x2320;
	vm5 =	vcmask $0x2B28;
	vm6 =	vcmask $0x3330;
	s2 =	sadd.s32 $0x1C00, s2;
	[dreg:$0xc] =	wrdreg s1;
	(pc) =	sbr.rel .LBB2_1-.Ltmp0, $4  }
0xd: {  	vm7 =	vcmask $0x3B38;
	vm8 =	vmmov $0xff;
	vm11 =	vcmask $0x1714;
	s0 =	sor.u32 s4, s0;
	s11 =	sshrl.u32 s10, $0x1;
	[dreg:$0x8] =	wrdreg s2  }
0xe: {  	vm12 =	vcmask $0x1F1C;
	vm13 =	vcmask $0x2724;
	v1 =	vunpack.c.l.s4.s8 v0;
	s30 =	ssub.s32 s10, s11;
	[dreg:$0x9] =	wrdreg s3;
	s31 =	sadd.s32 $0xC600, s7  }
0xf: {  	vm14 =	vcmask $0x2F2C;
	vm15 =	vcmask $0x3734;
	v0 =	vlaneseq.u32;
	p2 =	sne.s32 s0, $0x0;
	s2 =	smax.u32 s30, $0x1;
	[dreg:$0xa] =	wrdreg s31  }
0x10: {  	v3 =	vimm.s32 $0x0;
	v2 =	vmul.u32 $0x2, v0;
	v1 =	vunpack.c.0.s8.s32 v1;
	p1 =	por !p1, !p1;
	[dreg:$0xb] =	wrdreg s2;
	s2 =	simm.s32 $0x0  }
.LBB2_6:
0x11: {  	s0 =	stileid.u32;
	[bflag:$0x0] =	sbarrier.arrive $0xFFFF  }
0x12: {  	s0 =	sshll.u32 @!p2 s0, $0x6;
	s2 =	rddreg [dreg:$0x1]  }
0x13: {  	s3 =	rddreg [dreg:$0x7];
	s0 =	sor.u32 @!p2 $0x1C02, s0;
	s1 =	sshrl.u32 @!p2 s2, $0x3  }
0x14: {  	[hbm:s3], [sflag:s0] =	dma.local @!p2 [spmem:s1], $0x180  }
0x15: {  	s0 =	simm.s32 @!p2 $0x2  }
0x16: {  	_ =	swait.ge @!p2 [sflag:s0], $0x180  }
0x17: {  	s1 =	simm.s32 @p1 $0x1C02;
	[sflag:s0] =	ssyncset.done @!p2 $0x0  }
0x18: {  	[sflag:s0] =	ssyncadd.s32 @!p2 $0xFFFFFE80;
	s0 =	sshrl.u32 @p1 s2, $0x3;
	s2 =	rddreg [dreg:$0x8]  }
0x19: {  	[hbm:s2], [sflag:s1] =	dma.local @p1 [spmem:s0], $0x180  }
0x1a: {  	s0 =	simm.s32 @p1 $0x2  }
0x1b: {  	_ =	swait.ge @p1 [sflag:s0], $0x180  }
0x1c: {  	s30 =	rddreg [dreg:$0xd]  }
0x1d: {  	s31 =	rddreg [dreg:$0xb];
	s2 =	sadd.s32 $0x1, s30  }
0x1e: {  	p3 =	sne.s32 s2, s31  }
.Ltmp1:
0x1f: {  	_ = 	snop;
	(pc) =	sbr.rel @!p3 .LBB2_7-.Ltmp1, $3  }
0x20: {  	_ =	sdelay $0x1  }
0x21: {  	[sflag:s0] =	ssyncset.done @p1 $0x0  }
0x22: {  	[sflag:s0] =	ssyncadd.s32 @p1 $0xFFFFFE80  }
.LBB2_1:
0x23: {  	[dreg:$0xd] =	wrdreg s2  }
0x24: {  	s1 =	rddreg [dreg:$0xa]  }
0x25: {  	s0 =	simm.s32 $0x0;
	s2 =	rddreg [dreg:$0xc]  }
0x26: {  	[tilespmem:s0], [sflag:$0x1] =	stream.linear.gather [hbm4b:s1+s0], $0x10, $0x38;
	[tilespmem:$0xCF0] =	vst v63  }
0x27: {  	s0 =	simm.s32 @!p0 $0x1C02;
	s1 =	rddreg [dreg:$0x6]  }
0x28: {  	[spmem:s2], [sflag:s0] =	dma.local @!p0 [hbm:s1], $0x180  }
0x29: {  	s0 =	simm.s32 @!p0 $0x2  }
0x2a: {  	_ =	swait.ge @!p0 [sflag:s0], $0x180  }
0x2b: {  	[sflag:s0] =	ssyncset.done @!p0 $0x0  }
0x2c: {  	s28 =	simm.s32 $0x1;
	[sflag:s0] =	ssyncadd.s32 @!p0 $0xFFFFFE80  }
0x2d: {  	_ =	swait.ge [sflag:s28], $0x10  }
0x2e: {  	[sflag:s28] =	ssyncset.done $0x0  }
0x2f: {  	[sflag:s28] =	ssyncadd.s32 $0xFFFFFFF0  }
0x30: {  	v4 =	vld [tilespmem:$0x0];
	_ =	sdelay $0x3  }
0x31: {  	[bflag:$0x0] =	sbarrier.arrive $0xFFFF  }
0x32: {  	(v2sf) =	vpush v4, $0x0;
	_ =	sdelay $0xe  }
0x33: {  	s29 =	spop (v2sf)  }
0x34: {  	s0 =	sadd.s32 $0xF, s29  }
0x35: {  	s30 =	sand.u32 $0xF, s0  }
0x36: {  	s31 =	sshra.s32 s0, $0x1F;
	p4 =	slt.s32 s0, $0x1;
	p3 =	sne.s32 s30, $0x0  }
0x37: {  	s2 =	sshrl.u32 s31, $0x1C;
	p3 =	por !p4, !p3  }
0x38: {  	s0 =	sadd.s32 s2, s0;
	s2 =	simm.s32 $0x1;
	p3 =	por !p3, !p3  }
0x39: {  	s0 =	sshra.s32 s0, $0x4;
	s2 =	simm.s32 @!p3 $0x0  }
0x3a: {  	s0 =	ssub.s32 s0, s2  }
0x3b: {  	p3 =	slt.s32 s0, $0x1  }
.Ltmp2:
0x3c: {  	_ = 	snop;
	(pc) =	sbr.rel @p3 .LBB2_6-.Ltmp2, $2  }
0x3d: {  	_ =	sdelay $0x2  }
0x3e: {  	[dreg:$0xe] =	wrdreg s0  }
0x3f: {  	s24 =	simm.s32 $0x0  }
.LBB2_3:
0x40: {  	s25 =	sshll.u32 s24, $0x4;
	s0 =	rddreg [dreg:$0x9]  }
0x41: {  	s0 =	sadd.s32 s0, s25  }
0x42: {  	s1 =	rddreg [dreg:$0x3];
	s0 =	sshrl.u32 s0, $0x3  }
0x43: {  	s2 =	simm.s32 $0x0;
	s0 =	sadd.s32 s1, s0  }
0x44: {  	[tilespmem:s15], [sflag:$0x2] =	stream.linear.gather [hbm4b:s0+s2], $0x10, $0x38;
	[tilespmem:$0xCF0] =	vst v63  }
0x45: {  	_ =	swait.ge [sflag:s16], $0x10  }
0x46: {  	[sflag:s16] =	ssyncset.done $0x0  }
0x47: {  	[sflag:s16] =	ssyncadd.s32 $0xFFFFFFF0  }
0x48: {  	v5 =	vld [tilespmem:$0xC10];
	_ =	sdelay $0x4  }
0x49: {  	(v2sf) =	vpush v5, $0xD;
	_ =	sdelay $0x1  }
0x4a: {  	(v2sf) =	vpush v5, $0xC;
	_ =	sdelay $0x1  }
0x4b: {  	(v2sf) =	vpush v5, $0xE;
	_ =	sdelay $0x1  }
0x4c: {  	(v2sf) =	vpush v5, $0xF;
	_ =	sdelay $0x1  }
0x4d: {  	(v2sf) =	vpush v5, $0x9;
	_ =	sdelay $0x1  }
0x4e: {  	(v2sf) =	vpush v5, $0x8;
	_ =	sdelay $0x1  }
0x4f: {  	(v2sf) =	vpush v5, $0xA;
	_ =	sdelay $0x1  }
0x50: {  	(v2sf) =	vpush v5, $0xB  }
0x51: {  	s3 =	spop (v2sf)  }
0x52: {  	(v2sf) =	vpush v5, $0x0;
	s2 =	smulhi.u32 $0x68DB8BAD, s3;
	s0 =	sshra.s32 s3, $0x1F  }
0x53: {  	s3 =	spop (v2sf);
	s0 =	smul.u32 $0x68DB8BAD, s0  }
0x54: {  	s7 =	smulhi.u32 $0x68DB8BAD, s3;
	s3 =	sshra.s32 s3, $0x1F  }
0x55: {  	(v2sf) =	vpush v5, $0x1;
	s26 =	spop (v2sf);
	s3 =	smul.u32 $0x68DB8BAD, s3  }
0x56: {  	s29 =	smulhi.u32 $0x68DB8BAD, s26;
	s26 =	sshra.s32 s26, $0x1F  }
0x57: {  	(v2sf) =	vpush v5, $0x2;
	s28 =	spop (v2sf);
	s26 =	smul.u32 $0x68DB8BAD, s26  }
0x58: {  	(v2sf) =	vpush v5, $0x3;
	s30 =	smulhi.u32 $0x68DB8BAD, s28;
	s28 =	sshra.s32 s28, $0x1F  }
0x59: {  	(v2sf) =	vpush v5, $0x4;
	s31 =	spop (v2sf);
	s8 =	smul.u32 $0x68DB8BAD, s28  }
0x5a: {  	(v2sf) =	vpush v5, $0x5;
	s9 =	smulhi.u32 $0x68DB8BAD, s31;
	s4 =	sshra.s32 s31, $0x1F  }
0x5b: {  	(v2sf) =	vpush v5, $0x6;
	s5 =	spop (v2sf);
	s31 =	smul.u32 $0x68DB8BAD, s4  }
0x5c: {  	s11 =	smulhi.u32 $0x68DB8BAD, s5;
	s28 =	sshra.s32 s5, $0x1F;
	(v2sf) =	vpush v5, $0x7  }
0x5d: {  	s12 =	spop (v2sf);
	s13 =	smul.u32 $0x68DB8BAD, s28  }
0x5e: {  	s14 =	smulhi.u32 $0x68DB8BAD, s12;
	s12 =	sshra.s32 s12, $0x1F  }
0x5f: {  	s6 =	spop (v2sf);
	s12 =	smul.u32 $0x68DB8BAD, s12  }
0x60: {  	s18 =	smulhi.u32 $0x68DB8BAD, s6;
	s28 =	sshra.s32 s6, $0x1F  }
0x61: {  	s29 =	sadd.s32 s26, s29;
	s21 =	spop (v2sf);
	s20 =	smul.u32 $0x68DB8BAD, s28  }
0x62: {  	s26 =	sadd.s32 s8, s30;
	s4 =	smulhi.u32 $0x68DB8BAD, s21;
	s21 =	sshra.s32 s21, $0x1F  }
0x63: {  	s28 =	sadd.s32 s0, s2;
	s2 =	sadd.s32 s3, s7;
	s0 =	sadd.s32 s31, s9  }
0x64: {  	s21 =	smul.u32 $0x68DB8BAD, s21;
	s31 =	sadd.s32 s12, s14;
	s10 =	spop (v2sf)  }
0x65: {  	s30 =	sadd.s32 s20, s18;
	s6 =	smulhi.u32 $0x68DB8BAD, s10;
	s22 =	sshra.s32 s10, $0x1F  }
0x66: {  	s18 =	sshrl.u32 s2, $0x1F;
	s19 =	spop (v2sf);
	s3 =	smul.u32 $0x68DB8BAD, s22  }
0x67: {  	s23 =	spop (v2sf);
	s10 =	smulhi.u32 $0x68DB8BAD, s19;
	s7 =	sshra.s32 s19, $0x1F  }
0x68: {  	s2 =	sshra.s32 s2, $0xC;
	s5 =	spop (v2sf);
	s8 =	smul.u32 $0x68DB8BAD, s7  }
0x69: {  	s9 =	smulhi.u32 $0x68DB8BAD, s23;
	s23 =	sshra.s32 s23, $0x1F;
	s1 =	spop (v2sf)  }
0x6a: {  	s7 =	sadd.s32 s13, s11;
	s11 =	smul.u32 $0x68DB8BAD, s23;
	s19 =	spop (v2sf)  }
0x6b: {  	s4 =	sadd.s32 s21, s4;
	s14 =	smulhi.u32 $0x68DB8BAD, s5;
	s20 =	spop (v2sf)  }
0x6c: {  	s22 =	sshrl.u32 s28, $0x1F;
	s21 =	smulhi.u32 $0x68DB8BAD, s20;
	s13 =	sshra.s32 s20, $0x1F  }
0x6d: {  	s5 =	sshra.s32 s5, $0x1F;
	s6 =	sadd.s32 s3, s6;
	s23 =	smul.u32 $0x68DB8BAD, s13  }
0x6e: {  	v7 =	vmov s18;
	s18 =	sshrl.u32 s7, $0x1F;
	s5 =	smul.u32 $0x68DB8BAD, s5;
	s8 =	sadd.s32 s8, s10  }
0x6f: {  	s10 =	sshrl.u32 s26, $0x1F;
	v9 =	vmov s18;
	s18 =	sshrl.u32 s31, $0x1F;
	s3 =	sadd.s32 s23, s21  }
0x70: {  	s9 =	sadd.s32 s11, s9;
	s11 =	smulhi.u32 $0x68DB8BAD, s1;
	s20 =	sshra.s32 s3, $0x1F  }
0x71: {  	v7 =	vsel vm0, s22, v7;
	s1 =	sshra.s32 s1, $0x1F;
	s22 =	smulhi.u32 $0x68DB8BAD, s19;
	s21 =	sshra.s32 s4, $0xC;
	v6 =	vmov s20  }
0x72: {  	vm9 =	vcmask $0x704;
	s5 =	sadd.s32 s5, s14;
	s23 =	sshrl.u32 s4, $0x1F;
	s4 =	sshra.s32 s4, $0x1F;
	v6 =	vsel vm3, s21, v6  }
0x73: {  	v10 =	vmov s2;
	s1 =	smul.u32 $0x68DB8BAD, s1;
	s13 =	sshrl.u32 s29, $0x1F;
	s21 =	sshra.s32 s6, $0xC;
	v6 =	vsel vm9, s4, v6  }
0x74: {  	v8 =	vmov s23;
	s23 =	sshra.s32 s19, $0x1F;
	s20 =	sshrl.u32 s6, $0x1F;
	s6 =	sshra.s32 s6, $0x1F;
	vm9 =	vcmask $0xF0C;
	v6 =	vsel vm0, s21, v6  }
0x75: {  	s14 =	sshrl.u32 s0, $0x1F;
	v7 =	vsel vm1, s13, v7;
	s13 =	sshra.s32 s8, $0xC;
	v8 =	vnsel vm3, $0x0, v8;
	s12 =	smul.u32 $0x68DB8BAD, s23;
	v6 =	vsel vm9, s6, v6  }
0x76: {  	v9 =	vsel vm0, s14, v9;
	s1 =	sadd.s32 s1, s11;
	s11 =	sshrl.u32 s8, $0x1F;
	s8 =	sshra.s32 s8, $0x1F;
	v8 =	vsel vm0, s20, v8;
	v6 =	vsel vm1, s13, v6  }
0x77: {  	v9 =	vsel vm1, s18, v9;
	s19 =	sshrl.u32 s9, $0x1F;
	v8 =	vsel vm1, s11, v8;
	s4 =	sadd.s32 s12, s22;
	s21 =	sshra.s32 s9, $0xC;
	v6 =	vsel vm11, s8, v6  }
0x78: {  	v7 =	vsel vm2, s10, v7;
	s22 =	sshrl.u32 s30, $0x1F;
	s12 =	sshra.s32 s28, $0xC;
	v8 =	vsel vm2, s19, v8;
	s9 =	sshra.s32 s9, $0x1F;
	v6 =	vsel vm2, s21, v6  }
0x79: {  	s14 =	sshra.s32 s29, $0xC;
	s20 =	sshrl.u32 s5, $0x1F;
	s11 =	sshra.s32 s5, $0xC;
	v9 =	vsel vm2, s22, v9;
	v10 =	vsel vm0, s12, v10;
	v6 =	vsel vm12, s9, v6  }
0x7a: {  	s5 =	sshra.s32 s5, $0x1F;
	v8 =	vsel vm4, s20, v8;
	v10 =	vsel vm1, s14, v10;
	s13 =	sshra.s32 s7, $0xC;
	v6 =	vsel vm4, s11, v6  }
0x7b: {  	s0 =	sshra.s32 s0, $0xC;
	s18 =	sshra.s32 s1, $0xC;
	s23 =	sshrl.u32 s1, $0x1F;
	v7 =	vcombine.low v9, v7;
	v11 =	vmov s13;
	v6 =	vsel vm13, s5, v6  }
0x7c: {  	s1 =	sshra.s32 s1, $0x1F;
	s19 =	sshra.s32 s26, $0xC;
	s20 =	sshra.s32 s31, $0xC;
	v8 =	vsel vm5, s23, v8;
	v11 =	vsel vm0, s0, v11;
	v6 =	vsel vm5, s18, v6  }
0x7d: {  	s10 =	sshrl.u32 s4, $0x1F;
	s22 =	sshra.s32 s4, $0xC;
	v10 =	vsel vm2, s19, v10;
	s21 =	sshra.s32 s30, $0xC;
	v11 =	vsel vm1, s20, v11;
	v6 =	vsel vm14, s1, v6  }
0x7e: {  	s26 =	sshra.s32 s4, $0x1F;
	s23 =	sshrl.u32 s3, $0x1F;
	v8 =	vsel vm6, s10, v8;
	v11 =	vsel vm2, s21, v11;
	v6 =	vsel vm6, s22, v6  }
0x7f: {  	s28 =	sshra.s32 s3, $0xC;
	v8 =	vsel vm7, s23, v8;
	v9 =	vcombine.low v11, v10;
	v6 =	vsel vm15, s26, v6  }
0x80: {  	v7 =	vperm.xlane v7, v1;
	v8 =	vperm.xlane v8, v2;
	v6 =	vsel vm7, s28, v6  }
0x81: {  	v9 =	vperm.xlane v9, v1;
	v6 =	vperm.xlane v6, v2;
	_ =	sdelay $0x1  }
0x82: {  	v7 =	vsel vm8, v8, v7;
	v6 =	vsel vm8, v6, v9  }
0x83: {  	v6 =	vadd.s32 v7, v6  }
0x84: {  	v7 =	vmul.u32 $0xFFFFD8F0, v6;
	_ =	sdelay $0x1  }
0x85: {  	v7 =	vadd.s32 v5, v7  }
0x86: {  	vm10 =	vlt.s32 v5, $0x1;
	v8 =	vor.u32 s25, v0;
	vm9 =	vne.s32 v7, $0x0  }
0x87: {  	v5 =	vadd.s32 $0x2710, v7;
	vm9 =	vmand vm10, vm9;
	vm10 =	vlt.s32 v7, $0x0  }
0x88: {  	v5 =	vsel vm10, v5, v7;
	v7 =	vsel vm9, $0xFFFFFFFF, v3;
	vm9 =	vlt.s32 v8, v4  }
0x89: {  	v5 =	vnsel vm9, $0x0, v5;
	v6 =	vadd.s32 v7, v6  }
0x8a: {  	v6 =	vnsel vm9, $0x28, v6;
	[tilespmem:$0xC10] =	vst v5  }
0x8b: {  	s29 =	rddreg [dreg:$0x4];
	[tilespmem:$0xC20] =	vst v6  }
0x8c: {  	[tilespmem:s17], [sflag:$0x2] =	stream.indirect.gather [hbm4b:s29+s17], $0x40, s15, s17, $0xb8;
	[tilespmem:$0xCF0] =	vst v63  }
0x8d: {  	_ =	swait.ge [sflag:s16], $0x400  }
0x8e: {  	[sflag:s16] =	ssyncset.done $0x0  }
0x8f: {  	s31 =	simm.s32 $0x410;
	s30 =	rddreg [dreg:$0x5];
	[sflag:s16] =	ssyncadd.s32 $0xFFFFFC00  }
0x90: {  	[tilespmem:s31], [sflag:$0x2] =	stream.indirect.gather [hbm4b:s30+s17], $0x40, s15, s17, $0xb8;
	[tilespmem:$0xCF0] =	vst v63  }
0x91: {  	_ =	swait.ge [sflag:s16], $0x400  }
0x92: {  	[sflag:s16] =	ssyncset.done $0x0  }
0x93: {  	s2 =	simm.s32 $0x0;
	[sflag:s16] =	ssyncadd.s32 $0xFFFFFC00  }
0x94: {  	v7 =	vld [tilespmem:s2+$0x40]  }
0x95: {  	v8 =	vld [tilespmem:s2+$0x440]  }
0x96: {  	v10 =	vld [tilespmem:s2+$0x10]  }
0x97: {  	v11 =	vld [tilespmem:s2+$0x410]  }
0x98: {  	v6 =	vld [tilespmem:s2+$0x20]  }
0x99: {  	v9 =	vld [tilespmem:s2+$0x420]  }
0x9a: {  	v5 =	vld [tilespmem:s2+$0x30];
	v12 =	vadd.f32 v8, v7  }
0x9b: {  	s0 =	simm.s32 $0x40;
	v8 =	vld [tilespmem:s2+$0x430]  }
0x9c: {  	s3 =	simm.s32 $0x200;
	v7 =	vld [tilespmem:s0+$0x40];
	v10 =	vadd.f32 v11, v10;
	v11 =	vmax.f32 v12, $0.0e+00  }
.LBB2_4:
0x9d: {  	p3 =	sne.s32 s3, $0xF00;
	v12 =	vld [tilespmem:s0+$0x440];
	[tilespmem:s2+$0x840] =	vst v11  }
0x9e: {  	v11 =	vld [tilespmem:s0+$0x10];
	v10 =	vmax.f32 v10, $0.0e+00;
	v9 =	vadd.f32 v9, v6  }
0x9f: {  	v13 =	vld [tilespmem:s0+$0x410];
	[tilespmem:s2+$0x810] =	vst v10  }
.Ltmp3:
0xa0: {  	v6 =	vld [tilespmem:s0+$0x20];
	v10 =	vmax.f32 v9, $0.0e+00;
	v8 =	vadd.f32 v8, v5;
	(pc) =	sbr.rel @p3 .LBB2_4-.Ltmp3, $4  }
0xa1: {  	v9 =	vld [tilespmem:s0+$0x420];
	[tilespmem:s2+$0x820] =	vst v10  }
0xa2: {  	v5 =	vld [tilespmem:s0+$0x30];
	v12 =	vadd.f32 v12, v7;
	v7 =	vmax.f32 v8, $0.0e+00  }
0xa3: {  	v8 =	vld [tilespmem:s0+$0x430];
	[tilespmem:s2+$0x830] =	vst v7;
	s2 =	smov.u32 s0;
	s0 =	sshra.s32 s3, $0x2  }
0xa4: {  	s3 =	sadd.s32 $0x100, s3;
	v7 =	vld [tilespmem:s0+$0x40];
	v10 =	vadd.f32 v13, v11;
	v11 =	vmax.f32 v12, $0.0e+00  }
0xa5: {  	v12 =	vld [tilespmem:s0+$0x440];
	[tilespmem:s2+$0x840] =	vst v11  }
0xa6: {  	v11 =	vld [tilespmem:s0+$0x10];
	v10 =	vmax.f32 v10, $0.0e+00;
	v6 =	vadd.f32 v9, v6  }
0xa7: {  	v13 =	vld [tilespmem:s0+$0x410];
	[tilespmem:s2+$0x810] =	vst v10  }
0xa8: {  	v62 =	vld [tilespmem:s0+$0x20];
	v6 =	vmax.f32 v6, $0.0e+00  }
0xa9: {  	v10 =	vld [tilespmem:s0+$0x420];
	[tilespmem:s2+$0x820] =	vst v6  }
0xaa: {  	v6 =	vld [tilespmem:s0+$0x30]  }
0xab: {  	v14 =	vld [tilespmem:s0+$0x430]  }
0xac: {  	v5 =	vadd.f32 v8, v5  }
0xad: {  	v7 =	vadd.f32 v12, v7  }
0xae: {  	v5 =	vmax.f32 v5, $0.0e+00;
	v63 =	vadd.f32 v13, v11  }
0xaf: {  	[tilespmem:s2+$0x830] =	vst v5;
	v5 =	vmax.f32 v7, $0.0e+00;
	v7 =	vadd.f32 v10, v62  }
0xb0: {  	[tilespmem:s0+$0x840] =	vst v5;
	v5 =	vmax.f32 v63, $0.0e+00;
	v6 =	vadd.f32 v14, v6  }
0xb1: {  	[tilespmem:s0+$0x810] =	vst v5;
	v5 =	vmax.f32 v7, $0.0e+00  }
0xb2: {  	[tilespmem:s0+$0x820] =	vst v5;
	v5 =	vmax.f32 v6, $0.0e+00  }
0xb3: {  	s29 =	rddreg [dreg:$0x1];
	s1 =	simm.s32 $0xC20;
	s30 =	simm.s32 $0x810;
	[tilespmem:s0+$0x830] =	vst v5  }
0xb4: {  	[spmem:s29] =	stream.indirect.scatter.add.f32 [tilespmem:s30], [sflag:$0x2], $0x40, s1, s17, $0xb8;
	[tilespmem:$0xCF0] =	vst v63  }
0xb5: {  	_ =	swait.ge [sflag:s16], $0x400  }
0xb6: {  	s24 =	sadd.s32 $0x1, s24;
	s31 =	rddreg [dreg:$0xe]  }
0xb7: {  	p3 =	sne.s32 s24, s31  }
.Ltmp4:
0xb8: {  	_ = 	snop;
	(pc) =	sbr.rel @p3 .LBB2_3-.Ltmp4, $4  }
.Ltmp5:
0xb9: {  	_ = 	snop;
	(pc) =	sbr.rel @!p3 .LBB2_6-.Ltmp5, $4  }
0xba: {  	_ = 	snop  }
0xbb: {  	[sflag:s16] =	ssyncset.done $0x0  }
0xbc: {  	[sflag:s16] =	ssyncadd.s32 $0xFFFFFC00  }
0xbd: {  	_ = 	snop  }
.LBB2_7:
0xbe: {  	_ =	sfence.sel $0x180000  }
0xbf: {  	[bflag:$0x0] =	sbarrier.arrive $0xFFFF  }
0xc0: {  	_ =	strace $0x9000004D  }
0xc1: {  	[bflag:$0x2] =	sbarrier.arrive $0xFFFF  }
0xc2: {  	s0 =	rddreg [dreg:$0x2]  }
0xc3: {  	s0 =	sadd.s32 @!p0 $0x100000, s0  }
0xc4: {  	[sflag:s0] =	ssyncadd.tile.s32 @!p0 $0x1;
	_ =	shalt  }
.Lfunc_end2:
_tile_overlayer_lowered:
.L_overlay_start_2:
0xc5: {  	(tag) =	ssettag $0x2  }
0xc6: {  	s0 =	rddreg [dreg:$0x0];
	s2 =	stileid.u32  }
0xc7: {  	s1 =	rddreg [dreg:$0x1];
	p0 =	sne.s32 s2, $0x0  }
0xc8: {  	s3 =	rddreg [dreg:$0x2];
	[bflag:$0x3] =	sbarrier.arrive $0xFFFF;
	s2 =	simm.s32 @!p0 $0x1C02  }
0xc9: {  	[timem:s3], [sflag:s2] =	dma.local @!p0 [hbm:s0], s1  }
0xca: {  	s0 =	simm.s32 @!p0 $0x2  }
0xcb: {  	_ =	swait.ge @!p0 [sflag:s0], s1  }
0xcc: {  	s1 =	ssub.s32 @!p0 $0x0, s1;
	[sflag:s0] =	ssyncset.done @!p0 $0x0  }
0xcd: {  	[sflag:s0] =	ssyncadd.s32 @!p0 s1  }
0xce: {  	[bflag:$0x3] =	sbarrier.arrive $0xFFFF  }
0xcf: {  	_ =	shalt  }

// kernel: kernel.6.cloned.1.call-start
scs
__scs_entry_jumppad:
0x0: {  	(pc) =	sbr.rel $0x88, $3  }
0x1: {  	(tag) =	ssettag $0x0;
	lr =	simm.s32 $0x1  }
0x2: {  	[smem:$0x3F96] =	sst lr;
	_ =	strace $0xD0000000  }
0x3: {  	_ = 	snop  }
0x4: {  	_ = 	snop  }
0x5: {  	_ = 	snop  }
0x6: {  	_ = 	snop  }
0x7: {  	_ = 	snop  }
__scs_overlays_trampoline_lowered:
0x8: {  	[smem:$0x3FA5] =	sst s0  }
0x9: {  	[smem:$0x3FA6] =	sst s1  }
0xa: {  	[smem:$0x3FA7] =	sst s2  }
0xb: {  	[smem:$0x3FA8] =	sst s3  }
0xc: {  	[smem:$0x3FA9] =	sst s4  }
0xd: {  	[smem:$0x3FAA] =	sst s5  }
0xe: {  	[smem:$0x3FAB] =	sst s6  }
0xf: {  	[smem:$0x3FAC] =	sst s7  }
0x10: {  	[smem:$0x3FAD] =	sst s8  }
0x11: {  	[smem:$0x3FAE] =	sst s9;
	s0 =	simm.s32 @!p0 $0x0  }
0x12: {  	s1 =	sld [smem:$0x3F94];
	s0 =	simm.s32 @p0 $0x1  }
0x13: {  	[smem:$0x3FAF] =	sst s0;
	s0 =	simm.s32 @!p1 $0x0  }
0x14: {  	s2 =	sld [smem:$0x3F93];
	s0 =	simm.s32 @p1 $0x1  }
0x15: {  	[smem:$0x3FB0] =	sst s0;
	s0 =	simm.s32 @!p2 $0x0  }
0x16: {  	s3 =	sld [smem:$0x3FDB];
	s0 =	simm.s32 @p2 $0x1  }
0x17: {  	s4 =	simm.s32 $0x1BF5;
	[smem:$0x3FB2] =	sst s0  }
0x18: {  	s0 =	sld [smem:$0x3F95];
	_ =	swait.ge [sflag:s4], $0x0  }
0x19: {  	s7 =	sld [smem:$0x3F96]  }
0x1a: {  	s8 =	sadd.s32 $0xFFFFE003, lr  }
0x1b: {  	s9 =	sadd.s32 $0xFFFFFEF7, lr;
	s5 =	simm.s32 $0xFFFFFFFF;
	p2 =	slt.u32 s8, $0xFFFFF086  }
0x1c: {  	p1 =	slt.u32 s9, $0xF7A;
	s5 =	simm.s32 @!p2 $0x0  }
0x1d: {  	s5 =	simm.s32 @p1 $0x1;
	p0 =	seq.s32 s7, s2  }
0x1e: {  	s7 =	smul.u32 @!p0 $0xF7A, s2;
	p2 =	seq.s32 @!p0 s5, $0x0  }
0x1f: {  	s9 =	smul.u32 $0xF7A, s1;
	s8 =	simm.s32 @!p0 $0x1BF5;
	p2 =	por !p2, p0  }
0x20: {  	[sflag:s8] =	ssyncset.s32 @!p0 $0xFFFFF086;
	s6 =	sadd.s32 @!p0 s3, s7;
	s7 =	simm.s32 @!p0 $0x108  }
0x21: {  	s3 =	sadd.s32 s3, s9;
	s6 =	sadd.s32 @!p0 $0x88, s6;
	s7 =	simm.s32 @p2 $0x1082  }
0x22: {  	[simem:s7], [sflag:s8] =	dma.local @!p0 [hbm:s6], $0xF7A  }
0x23: {  	s9 =	sor.u32 $0xD0000000, s2;
	s6 =	simm.s32 $0x108;
	_ =	swait.ge @!p0 [sflag:s8], $0x0  }
0x24: {  	s3 =	sadd.s32 $0x88, s3;
	s6 =	simm.s32 @!p1 $0x1082;
	[sflag:s4] =	ssyncset.s32 $0xFFFFF086  }
0x25: {  	[simem:s6], [sflag:s4] =	dma.local [hbm:s3], $0xF7A  }
0x26: {  	[smem:$0x3F96] =	sst s1;
	(tag) =	ssettag s2;
	_ =	strace s9  }
0x27: {  	s1 =	sld [smem:$0x3FA6]  }
0x28: {  	s2 =	sld [smem:$0x3FA7]  }
0x29: {  	s4 =	sld [smem:$0x3FA9]  }
0x2a: {  	p0 =	seq.s32 s5, $0x0;
	s5 =	sld [smem:$0x3FAA]  }
0x2b: {  	s6 =	sld [smem:$0x3FAB]  }
0x2c: {  	s7 =	sld [smem:$0x3FAC]  }
0x2d: {  	s3 =	simm.s32 $0x108;
	s8 =	sld [smem:$0x3FAD]  }
0x2e: {  	s3 =	simm.s32 @!p0 $0x1082;
	s9 =	sld [smem:$0x3FAE]  }
0x2f: {  	lr =	sadd.s32 s0, s3;
	s0 =	sld [smem:$0x3FA5]  }
0x30: {  	s3 =	sld [smem:$0x3FA8]  }
0x31: {  	[smem:$0x3FB1] =	sst s10  }
0x32: {  	s10 =	sld [smem:$0x3FAF];
	_ =	sdelay $0x3  }
0x33: {  	p0 =	seq.s32 s10, $0x1;
	s10 =	sld [smem:$0x3FB1];
	_ =	sdelay $0x3  }
0x34: {  	[smem:$0x3FB1] =	sst s10  }
0x35: {  	s10 =	sld [smem:$0x3FB0];
	_ =	sdelay $0x3  }
0x36: {  	p1 =	seq.s32 s10, $0x1;
	s10 =	sld [smem:$0x3FB1];
	_ =	sdelay $0x3  }
0x37: {  	[smem:$0x3FB1] =	sst s10  }
0x38: {  	s10 =	sld [smem:$0x3FB2]  }
0x39: {  	_ = 	snop;
	(pc) =	sbr.ind lr, $3  }
0x3a: {  	_ = 	snop  }
0x3b: {  	_ = 	snop  }
0x3c: {  	p2 =	seq.s32 s10, $0x1;
	s10 =	sld [smem:$0x3FB1]  }
0x3d: {  	_ =	shalt  }
0x3e: {  	_ =	shalt  }
0x3f: {  	_ =	shalt  }
0x40: {  	_ =	shalt  }
0x41: {  	_ =	shalt  }
0x42: {  	_ =	shalt  }
0x43: {  	_ =	shalt  }
0x44: {  	_ =	shalt  }
0x45: {  	_ =	shalt  }
0x46: {  	_ =	shalt  }
0x47: {  	_ =	shalt  }
0x48: {  	_ =	shalt  }
0x49: {  	_ =	shalt  }
0x4a: {  	_ =	shalt  }
0x4b: {  	_ =	shalt  }
0x4c: {  	_ =	shalt  }
0x4d: {  	_ =	shalt  }
0x4e: {  	_ =	shalt  }
0x4f: {  	_ =	shalt  }
0x50: {  	_ =	shalt  }
0x51: {  	_ =	shalt  }
0x52: {  	_ =	shalt  }
0x53: {  	_ =	shalt  }
0x54: {  	_ =	shalt  }
0x55: {  	_ =	shalt  }
0x56: {  	_ =	shalt  }
0x57: {  	_ =	shalt  }
0x58: {  	_ =	shalt  }
0x59: {  	_ =	shalt  }
0x5a: {  	_ =	shalt  }
0x5b: {  	_ =	shalt  }
0x5c: {  	_ =	shalt  }
0x5d: {  	_ =	shalt  }
0x5e: {  	_ =	shalt  }
0x5f: {  	_ =	shalt  }
0x60: {  	_ =	shalt  }
0x61: {  	_ =	shalt  }
0x62: {  	_ =	shalt  }
0x63: {  	_ =	shalt  }
0x64: {  	_ =	shalt  }
0x65: {  	_ =	shalt  }
0x66: {  	_ =	shalt  }
0x67: {  	_ =	shalt  }
0x68: {  	_ =	shalt  }
0x69: {  	_ =	shalt  }
0x6a: {  	_ =	shalt  }
0x6b: {  	_ =	shalt  }
0x6c: {  	_ =	shalt  }
0x6d: {  	_ =	shalt  }
0x6e: {  	_ =	shalt  }
0x6f: {  	_ =	shalt  }
0x70: {  	_ =	shalt  }
0x71: {  	_ =	shalt  }
0x72: {  	_ =	shalt  }
0x73: {  	_ =	shalt  }
0x74: {  	_ =	shalt  }
0x75: {  	_ =	shalt  }
0x76: {  	_ =	shalt  }
0x77: {  	_ =	shalt  }
0x78: {  	_ =	shalt  }
0x79: {  	_ =	shalt  }
0x7a: {  	_ =	shalt  }
0x7b: {  	_ =	shalt  }
0x7c: {  	_ =	shalt  }
0x7d: {  	_ =	shalt  }
0x7e: {  	_ =	shalt  }
0x7f: {  	_ =	shalt  }
0x80: {  	_ =	shalt  }
0x81: {  	_ =	shalt  }
0x82: {  	_ =	shalt  }
0x83: {  	_ =	shalt  }
0x84: {  	_ =	shalt  }
0x85: {  	_ =	shalt  }
0x86: {  	_ =	shalt  }
0x87: {  	_ =	shalt  }
.Lfunc_end0:
.L_simem_size_0:
called_computation_lowered:
.L_overlay_start_0:
0x88: {  	s2 =	sld [smem:$0x3FD9]  }
0x89: {  	s3 =	sld [smem:$0x3FFE];
	_ =	sdelay $0x1  }
0x8a: {  	s1 =	srdreg.scid  }
0x8b: {  	s0 =	sand.u32 $0x1, s1  }
0x8c: {  	s14 =	sshll.u32 s0, $0xA;
	s2 =	sadd.s32 s3, s2  }
0x8d: {  	s2 =	sadd.s32 s2, s14  }
0x8e: {  	[smem:$0x3FBD] =	sst s2  }
0x8f: {  	_ = 	snop  }
0x90: {  	s2 =	sld [smem:$0x3FC9]  }
0x91: {  	s15 =	sld [smem:$0x3FC6]  }
0x92: {  	s4 =	sld [smem:$0x3FD0]  }
0x93: {  	s5 =	sld [smem:$0x3FC5]  }
0x94: {  	s6 =	sld [smem:$0x3FC4]  }
0x95: {  	s8 =	simm.s32 $0xA;
	s9 =	simm.s32 $0x10;
	s7 =	sld [smem:$0x3FC3]  }
0x96: {  	[smem:s9], [sflag:s8] =	dma.local [hbm:s4], $0x1  }
0x97: {  	_ =	swait.eq [sflag:s8], $0x1  }
0x98: {  	s16 =	sld [smem:$0x10];
	[sflag:s8] =	ssyncset.done $0x0  }
0x99: {  	s17 =	sld [smem:$0x11];
	[sflag:s8] =	ssyncadd.s32 $0xFFFFFFFF  }
0x9a: {  	s18 =	sld [smem:$0x12];
	(tm) =	ssettm $0x1  }
0x9b: {  	s10 =	sld [smem:$0x3FFB];
	_ =	sdelay $0x3  }
0x9c: {  	_ =	strace s10  }
0x9d: {  	s10 =	sld [smem:$0x3FFC];
	_ =	sdelay $0x3  }
0x9e: {  	_ =	strace s10  }
0x9f: {  	s10 =	sld [smem:$0x3FFD];
	_ =	sdelay $0x3  }
0xa0: {  	_ =	strace s10  }
0xa1: {  	_ =	strace $0x8FFFFFFF  }
0xa2: {  	s19 =	sld [smem:$0x3FDB];
	_ =	sdelay $0x1  }
0xa3: {  	s11 =	simm.s32 $_scs_section_size  }
0xa4: {  	s12 =	simm.s32 $_size__tile_overlayer_lowered;
	s13 =	simm.s32 $_tile_overlayer_lowered  }
0xa5: {  	s22 =	simm.s32 $0x1BFF;
	s21 =	sshll.u32 s13, $0x1;
	s10 =	sadd.s32 s11, s19  }
0xa6: {  	s20 =	sshll.u32 s12, $0x1;
	s14 =	simm.s32 $0x0;
	s12 =	sadd.s32 s21, s10  }
0xa7: {  	[timem:s14], [sflag:s22] =	dma.local [hbm:s12], s20  }
0xa8: {  	_ =	swait.ge [sflag:s22], s20  }
0xa9: {  	s11 =	ssub.s32 $0x0, s20;
	[sflag:s22] =	ssyncset.done $0x0  }
0xaa: {  	[sflag:s22] =	ssyncadd.s32 s11;
	_ =	sdelay $0x1  }
0xab: {  	s23 =	simm.s32 $0x1B8B  }
0xac: {  	_ =	swait.ge [sflag:s23], $0x1  }
0xad: {  	[sflag:s23] =	ssyncset.done $0x0  }
0xae: {  	s25 =	simm.s32 $0x1B8E;
	s24 =	sld [smem:$0x3FFE];
	[sflag:s23] =	ssyncadd.s32 $0xFFFFFFFF  }
0xaf: {  	s26 =	simm.s32 $execute0_lowered;
	[smem:$0x3FD2] =	sst s25  }
0xb0: {  	s12 =	sshll.u32 s26, $0x1;
	_ =	strace $0x80000046;
	[dreg:$0x1] =	wrdreg $0xFFFFFFFF  }
0xb1: {  	s28 =	simm.s32 $_size_execute0_lowered;
	s10 =	sadd.s32 s10, s12;
	[dreg:$0x0] =	wrdreg $0x0  }
0xb2: {  	s12 =	sshll.u32 s28, $0x1;
	[dreg:$0x2] =	wrdreg s10  }
0xb3: {  	[dreg:$0x3] =	wrdreg s12  }
0xb4: {  	[dreg:$0x4] =	wrdreg $0xC0  }
0xb5: {  	_ =	task [dreg:s14], $0x5FFFF  }
0xb6: {  	[dreg:$0x1] =	wrdreg $0xFFFFFFFF  }
0xb7: {  	[dreg:$0x0] =	wrdreg $0x60  }
0xb8: {  	[dreg:$0x2] =	wrdreg s2  }
0xb9: {  	[dreg:$0x3] =	wrdreg s15  }
0xba: {  	[dreg:$0x4] =	wrdreg s7  }
0xbb: {  	[dreg:$0x5] =	wrdreg s5  }
0xbc: {  	[dreg:$0x6] =	wrdreg s6  }
0xbd: {  	[dreg:$0x7] =	wrdreg s16  }
0xbe: {  	[dreg:$0x8] =	wrdreg s17  }
0xbf: {  	[dreg:$0x9] =	wrdreg s18  }
0xc0: {  	[dreg:$0xa] =	wrdreg s24  }
0xc1: {  	[dreg:$0xb] =	wrdreg $0x138C00  }
0xc2: {  	[dreg:$0xc] =	wrdreg $0x9  }
0xc3: {  	_ =	task.clear_ibuf [dreg:s14], $0xDFFFF;
	_ =	strace $0x90000046  }
0xc4: {  	s29 =	simm.s32 $0x9;
	_ =	strace $0x80000048  }
0xc5: {  	_ =	swait.ge [sflag:s29], $0x1  }
0xc6: {  	[sflag:s29] =	ssyncadd.s32 $0xFFFFFFFF  }
0xc7: {  	_ =	strace $0x90000048  }
0xc8: {  	_ =	sfence  }
0xc9: {  	s30 =	sld [smem:$0x0];
	_ =	sdelay $0x2  }
0xca: {  	s31 =	sshll.u32 s1, $0xD;
	s1 =	sshrl.u32 s1, $0x2  }
0xcb: {  	s3 =	sand.u32 $0x4000, s31;
	s1 =	sadd.s32 s1, s30  }
0xcc: {  	s0 =	sor.u32 s3, s0;
	s1 =	sshll.u32 s1, $0x11  }
0xcd: {  	s0 =	sor.u32 s1, s0  }
0xce: {  	s0 =	sadd.s32 $0x8F2B, s0  }
0xcf: {  	[sflag:s0] =	ssyncadd.remote.s32 $0x1  }
0xd0: {  	_ =	sfence.sel $0xFFFF  }
0xd1: {  	[dreg:$0x0] =	wrdreg $0xFFFFFFFF;
	(pc) =	sbr.abs _section_cstart, $3  }
0xd2: {  	[dreg:$0x1] =	wrdreg $0xFFFFFFFF  }
0xd3: {  	_ =	task.clear_ibuf [dreg:s14], $0x2FFFF;
	_ =	strace $0x9FFFFFFF  }
0xd4: {  	(tm) =	ssettm $0x7FFFFFFF  }
0xd5: {  	_ =	shalt  }
tec
execute0_lowered:
.L_overlay_start_1:
0x0: {  	(tag) =	ssettag $0x1  }
0x1: {  	s0 =	rddreg [dreg:$0x0]  }
0x2: {  	s1 =	rddreg [dreg:$0x1]  }
0x3: {  	s2 =	rddreg [dreg:$0x2]  }
0x4: {  	s3 =	rddreg [dreg:$0x3]  }
0x5: {  	s4 =	rddreg [dreg:$0x4]  }
0x6: {  	s5 =	rddreg [dreg:$0x6]  }
0x7: {  	s6 =	rddreg [dreg:$0x7]  }
0x8: {  	s7 =	srdreg.scid;
	s8 =	rddreg [dreg:$0x8]  }
0x9: {  	s16 =	rddreg [dreg:$0x9];
	s14 =	stileid.u32  }
0xa: {  	s15 =	simm.s32 $0x0;
	s29 =	simm.s32 $0x10;
	s30 =	simm.s32 $0x138A0  }
0xb: {  	s31 =	simm.s32 $0x13890;
	s7 =	sand.u32 $0x1, s7;
	[smem:$0x7FF] =	sst s15  }
0xc: {  	s9 =	sshll.u32 s7, $0x4;
	s11 =	ssub.s32 $0x2, s7;
	_ =	strace $0x80000047  }
0xd: {  	[dreg:$0xd] =	wrdreg s29;
	s9 =	sor.u32 s14, s9;
	s12 =	sshrl.u32 s11, $0x1  }
0xe: {  	[dreg:$0xc] =	wrdreg s30;
	s10 =	smul.u32 $0x4E2, s9;
	s11 =	ssub.s32 s11, s12  }
0xf: {  	s19 =	smul.u32 $0x280, s14;
	[dreg:$0xb] =	wrdreg s31;
	s28 =	smax.u32 s11, $0x1  }
0x10: {  	p0 =	seq.s32 s7, $0x1;
	s0 =	sadd.s32 s0, s10;
	[smem:$0x7FC] =	sst s28  }
0x11: {  	s9 =	sshll.u32 s9, $0x1;
	s18 =	sadd.s32 s1, s10;
	[dreg:$0x17] =	wrdreg s0  }
0x12: {  	s9 =	sadd.s32 s9, s8;
	s20 =	sadd.s32 s2, s10;
	[dreg:$0x18] =	wrdreg s18  }
0x13: {  	s13 =	sadd.s32 s10, s8;
	s21 =	sadd.s32 s3, s10;
	[dreg:$0x19] =	wrdreg s20  }
0x14: {  	v0 =	vimm.s32 $0xECA86420;
	vm0 =	vcmask $0xB08;
	vm1 =	vcmask $0x1310;
	s22 =	sadd.s32 s4, s10;
	s2 =	sadd.s32 s19, s16;
	[dreg:$0x1a] =	wrdreg s21  }
0x15: {  	vm2 =	vcmask $0x1B18;
	vm3 =	vcmask $0x300;
	vm4 =	vcmask $0x2320;
	s1 =	simm.s32 $0x2200;
	s23 =	sadd.s32 s5, s10;
	[dreg:$0x1b] =	wrdreg s22  }
0x16: {  	vm5 =	vcmask $0x2B28;
	vm6 =	vcmask $0x3330;
	vm7 =	vcmask $0x3B38;
	s24 =	sadd.s32 s6, s10;
	s26 =	sadd.s32 $0xC600, s9;
	[dreg:$0x1d] =	wrdreg s23  }
.Ltmp0:
0x17: {  	v2 =	vlaneseq.u32;
	vm8 =	vmmov $0xff;
	vm11 =	vcmask $0x704;
	s4 =	simm.s32 $0x11180;
	[dreg:$0x1e] =	wrdreg s24;
	(pc) =	sbr.rel .LBB2_1-.Ltmp0, $4  }
0x18: {  	vm12 =	vcmask $0xF0C;
	vm13 =	vcmask $0x1714;
	vm14 =	vcmask $0x1F1C;
	s1 =	simm.s32 @!p0 $0x1C00;
	s25 =	sadd.s32 $0x2800, s13;
	[smem:$0x7FB] =	sst s26  }
0x19: {  	vm15 =	vcmask $0x2724;
	v4 =	vimm.s32 $0x0;
	v1 =	vunpack.c.l.s4.s8 v0;
	s0 =	sshrl.u32 s19, $0x3;
	[dreg:$0x1c] =	wrdreg s2;
	s1 =	sadd.s32 s1, s8  }
0x1a: {  	vm10 =	vcmask $0x2F2C;
	vm9 =	vcmask $0x3734;
	v4 =	vsel vm8, $0xFFFFFFFF, v4;
	s3 =	simm.s32 $0x2;
	[dreg:$0x1f] =	wrdreg s25;
	s0 =	sadd.s32 s1, s0  }
0x1b: {  	v0 =	vimm.s32 $0x1;
	v3 =	vmul.u32 $0x2, v2;
	[tilespmem:$0x1FFF0] =	vst v4;
	v1 =	vunpack.c.0.s8.s32 v1;
	s5 =	simm.s32 $0x1;
	s6 =	simm.s32 $0x0;
	[smem:$0x7FD] =	sst s0  }
.LBB2_6:
0x1c: {  	s1 =	smul.u32 $0x68DB8BAD, s24  }
0x1d: {  	s17 =	sadd.s32 s17, s18;
	s20 =	smulhi.u32 $0x68DB8BAD, s26  }
0x1e: {  	s0 =	sadd.s32 s31, s4;
	s5 =	sadd.s32 s5, s11;
	s24 =	smulhi.u32 $0x68DB8BAD, s25  }
0x1f: {  	s13 =	sshra.s32 s13, $0x1F;
	s1 =	sadd.s32 s1, s22;
	s22 =	smul.u32 $0x68DB8BAD, s14  }
0x20: {  	s26 =	rddreg [dreg:$0x13];
	s19 =	sshra.s32 s30, $0xC;
	s14 =	smul.u32 $0x68DB8BAD, s15  }
0x21: {  	s31 =	sshra.s32 s2, $0xC;
	s25 =	sshra.s32 s0, $0x1F;
	s15 =	smul.u32 $0x68DB8BAD, s26  }
0x22: {  	s7 =	sshrl.u32 s7, $0x1F;
	s4 =	sadd.s32 s9, s20;
	v7 =	vmov s25;
	s20 =	smulhi.u32 $0x68DB8BAD, s28  }
0x23: {  	s28 =	rddreg [dreg:$0x14];
	v7 =	vsel vm3, s3, v7;
	s3 =	sshrl.u32 s17, $0x1F;
	s26 =	sshrl.u32 s4, $0x1F  }
0x24: {  	s11 =	sadd.s32 s22, s29;
	s29 =	sshra.s32 s30, $0x1F;
	s22 =	sshra.s32 s1, $0xC  }
0x25: {  	v6 =	vsel vm0, s7, v6;
	v7 =	vsel vm11, s23, v7;
	s9 =	sadd.s32 s15, s24;
	s30 =	sshra.s32 s5, $0xC;
	s15 =	smulhi.u32 $0x68DB8BAD, s21  }
0x26: {  	v6 =	vsel vm1, s12, v6;
	s21 =	rddreg [dreg:$0x15];
	s1 =	sshrl.u32 s1, $0x1F;
	s23 =	smul.u32 $0x68DB8BAD, s13;
	v10 =	vmov s3;
	v7 =	vsel vm0, s10, v7  }
0x27: {  	s24 =	sshrl.u32 s8, $0x1F;
	s5 =	sshrl.u32 s5, $0x1F;
	v8 =	vmov s22;
	s22 =	sshra.s32 s17, $0xC;
	v11 =	vmov s1;
	v7 =	vsel vm12, s16, v7  }
0x28: {  	s25 =	sshrl.u32 s11, $0x1F;
	v10 =	vsel vm0, s24, v10;
	v8 =	vsel vm0, s30, v8;
	s16 =	smov.u32 s2;
	s2 =	smul.u32 $0x68DB8BAD, s21;
	v7 =	vsel vm1, s19, v7  }
0x29: {  	v9 =	vmov s22;
	v6 =	vsel vm2, s25, v6;
	s3 =	sadd.s32 s23, s28;
	s30 =	sshra.s32 s8, $0xC;
	v7 =	vsel vm13, s29, v7;
	s29 =	sshra.s32 s11, $0xC  }
0x2a: {  	v11 =	vsel vm0, s5, v11;
	s8 =	sshra.s32 s4, $0xC;
	s12 =	sadd.s32 s14, s15;
	v8 =	vsel vm1, s31, v8;
	s31 =	sshra.s32 s11, $0x1F;
	v7 =	vsel vm2, s29, v7  }
0x2b: {  	s4 =	sshra.s32 s4, $0x1F;
	s14 =	rddreg [dreg:$0x12];
	v6 =	vsel vm4, s26, v6;
	v9 =	vsel vm0, s30, v9;
	s10 =	sshra.s32 s3, $0xC;
	v7 =	vsel vm14, s31, v7  }
0x2c: {  	s15 =	sshra.s32 s6, $0xC;
	s18 =	sshrl.u32 s16, $0x1F;
	s11 =	sshra.s32 s9, $0xC;
	v8 =	vsel vm2, s10, v8;
	v6 =	vsel vm5, s14, v6;
	v7 =	vsel vm4, s8, v7  }
0x2d: {  	s17 =	sshrl.u32 s12, $0x1F;
	s2 =	sadd.s32 s2, s20;
	v11 =	vsel vm1, s18, v11;
	s20 =	sshrl.u32 s9, $0x1F;
	v9 =	vsel vm1, s11, v9;
	v7 =	vsel vm15, s4, v7  }
0x2e: {  	s19 =	sshra.s32 s6, $0x1F;
	s3 =	sshrl.u32 s3, $0x1F;
	s13 =	sshra.s32 s2, $0xC;
	v6 =	vsel vm6, s17, v6;
	v10 =	vsel vm1, s20, v10;
	v7 =	vsel vm5, s15, v7  }
0x2f: {  	s22 =	sshra.s32 s12, $0xC;
	s21 =	sshrl.u32 s2, $0x1F;
	v11 =	vsel vm2, s3, v11;
	v9 =	vsel vm2, s13, v9;
	v7 =	vsel vm10, s19, v7  }
0x30: {  	s23 =	sshrl.u32 s0, $0x1F;
	s24 =	sshra.s32 s12, $0x1F;
	v10 =	vsel vm2, s21, v10;
	v8 =	vcombine.low v9, v8;
	v7 =	vsel vm6, s22, v7  }
0x31: {  	s0 =	sshra.s32 s0, $0xC;
	v6 =	vsel vm7, s23, v6;
	v63 =	vcombine.low v10, v11;
	v7 =	vsel vm9, s24, v7  }
0x32: {  	v6 =	vperm.xlane v6, v3;
	v8 =	vperm.xlane v8, v1;
	v7 =	vsel vm7, s0, v7  }
0x33: {  	v9 =	vperm.xlane v63, v1;
	v7 =	vperm.xlane v7, v3;
	_ =	sdelay $0x1  }
0x34: {  	v6 =	vsel vm8, v6, v9;
	v7 =	vsel vm8, v7, v8  }
0x35: {  	v6 =	vadd.s32 v6, v7  }
0x36: {  	v6 =	vmul.u32 $0x2710, v6;
	_ =	sdelay $0x1  }
0x37: {  	s26 =	rddreg [dreg:$0xe];
	v5 =	vsub.s32 v5, v6  }
0x38: {  	s25 =	rddreg [dreg:$0xd];
	v6 =	vor.u32 s26, v2;
	vm9 =	vlt.s32 v5, $0x0;
	v7 =	vadd.s32 $0x2710, v5  }
0x39: {  	s28 =	rddreg [dreg:$0xc];
	v5 =	vsel vm9, v7, v5;
	vm9 =	vlt.s32 v6, v4  }
0x3a: {  	s30 =	rddreg [dreg:$0x9];
	v5 =	vnsel vm9, $0x2710, v5  }
0x3b: {  	s29 =	rddreg [dreg:$0xb];
	s31 =	simm.s32 $0x2;
	[tilespmem:$0x138A0] =	vst v5  }
0x3c: {  	[spmem:s30] =	stream.indirect.scatter [tilespmem:s29], [sflag:$0x2], $0x1, s28, s25, $0xb8;
	[tilespmem:$0x13B40] =	vst v63  }
0x3d: {  	_ =	swait.ge [sflag:s31], $0x10  }
0x3e: {  	[sflag:s31] =	ssyncset.done $0x0  }
0x3f: {  	vm9 =	vcmask $0x3734;
	s6 =	sld [smem:$0x7FA];
	[sflag:s31] =	ssyncadd.s32 $0xFFFFFFF0  }
.LBB2_7:
0x40: {  	s0 =	rddreg [dreg:$0x1f]  }
0x41: {  	[tilespmem:$0x138B0] =	vst v4;
	s15 =	simm.s32 $0x0;
	s4 =	simm.s32 $0x11180;
	s28 =	sld [smem:$0x7FB]  }
0x42: {  	[hbm4b:s0+s15] =	stream.linear.scatter [tilespmem:s4], [sflag:$0x1], $0x2710, $0x38;
	[tilespmem:$0x13B40] =	vst v63  }
0x43: {  	s1 =	simm.s32 $0x138B0  }
0x44: {  	[hbm4b:s28+s15] =	stream.linear.scatter [tilespmem:s1], [sflag:$0x1], $0x10, $0x38;
	[tilespmem:$0x13B40] =	vst v63  }
0x45: {  	[bflag:$0x0] =	sbarrier.arrive $0xFFFF  }
0x46: {  	s29 =	stileid.u32;
	s3 =	sld [smem:$0x7FD]  }
0x47: {  	s0 =	sshll.u32 s29, $0x6;
	s2 =	rddreg [dreg:$0x1c]  }
0x48: {  	s0 =	sor.u32 $0x1C02, s0;
	s30 =	sshrl.u32 s2, $0x3  }
0x49: {  	[hbm:s3], [sflag:s0] =	dma.local [spmem:s30], $0x50  }
0x4a: {  	s3 =	simm.s32 $0x2  }
0x4b: {  	_ =	swait.ge [sflag:s3], $0x50  }
0x4c: {  	[sflag:s3] =	ssyncset.done $0x0  }
0x4d: {  	s5 =	simm.s32 $0x1;
	[sflag:s3] =	ssyncadd.s32 $0xFFFFFFB0  }
0x4e: {  	_ =	swait.ge [sflag:s5], $0x2710  }
0x4f: {  	[sflag:s5] =	ssyncset.done $0x0  }
0x50: {  	[sflag:s5] =	ssyncadd.s32 $0xFFFFD8F0  }
0x51: {  	_ =	swait.ge [sflag:s5], $0x2710  }
0x52: {  	[sflag:s5] =	ssyncset.done $0x0  }
0x53: {  	[sflag:s5] =	ssyncadd.s32 $0xFFFFD8F0  }
0x54: {  	_ =	swait.ge [sflag:s5], $0x2710  }
0x55: {  	[sflag:s5] =	ssyncset.done $0x0  }
0x56: {  	[sflag:s5] =	ssyncadd.s32 $0xFFFFD8F0  }
0x57: {  	_ =	swait.ge [sflag:s5], $0x10  }
0x58: {  	s31 =	sld [smem:$0x7FC];
	_ =	sdelay $0x1  }
0x59: {  	s6 =	sadd.s32 $0x1, s6  }
0x5a: {  	p0 =	sne.s32 s6, s31  }
.Ltmp1:
0x5b: {  	_ = 	snop;
	(pc) =	sbr.rel @!p0 .LBB2_8-.Ltmp1, $3  }
0x5c: {  	_ =	sdelay $0x1  }
0x5d: {  	[sflag:s5] =	ssyncset.done $0x0  }
0x5e: {  	[sflag:s5] =	ssyncadd.s32 $0xFFFFFFF0  }
.LBB2_1:
0x5f: {  	s0 =	rddreg [dreg:$0x17]  }
0x60: {  	[tilespmem:s15], [sflag:$0x1] =	stream.linear.gather [hbm4b:s0+s15], $0x2710, $0x38;
	[tilespmem:$0x13B40] =	vst v63  }
0x61: {  	s22 =	rddreg [dreg:$0x18];
	s1 =	simm.s32 $0x2710  }
0x62: {  	[tilespmem:s1], [sflag:$0x1] =	stream.linear.gather [hbm4b:s22+s15], $0x2710, $0x38;
	[tilespmem:$0x13B40] =	vst v63  }
0x63: {  	s23 =	rddreg [dreg:$0x19];
	s24 =	simm.s32 $0x4E20  }
0x64: {  	[tilespmem:s24], [sflag:$0x1] =	stream.linear.gather [hbm4b:s23+s15], $0x2710, $0x38;
	[tilespmem:$0x13B40] =	vst v63  }
0x65: {  	s25 =	rddreg [dreg:$0x1a];
	s26 =	simm.s32 $0x7530  }
0x66: {  	[tilespmem:s26], [sflag:$0x1] =	stream.linear.gather [hbm4b:s25+s15], $0x2710, $0x38;
	[tilespmem:$0x13B40] =	vst v63  }
0x67: {  	s28 =	rddreg [dreg:$0x1b];
	s29 =	simm.s32 $0x9C40  }
0x68: {  	[tilespmem:s29], [sflag:$0x1] =	stream.linear.gather [hbm4b:s28+s15], $0x2710, $0x38;
	[tilespmem:$0x13B40] =	vst v63  }
0x69: {  	s30 =	rddreg [dreg:$0x5];
	s31 =	simm.s32 $0xC350  }
0x6a: {  	v4 =	vimm.s32 $0x0;
	[tilespmem:s31], [sflag:$0x1] =	stream.linear.gather [hbm4b:s30+s15], $0x10, $0x38;
	[tilespmem:$0x13B40] =	vst v63  }
0x6b: {  	[tilespmem:$0x11180] =	vst v4  }
0x6c: {  	[tilespmem:$0x11190] =	vst v4  }
0x6d: {  	[tilespmem:$0x111A0] =	vst v4  }
0x6e: {  	[tilespmem:$0x111B0] =	vst v4  }
0x6f: {  	[tilespmem:$0x111C0] =	vst v4  }
0x70: {  	[tilespmem:$0x111D0] =	vst v4  }
0x71: {  	[tilespmem:$0x111E0] =	vst v4  }
0x72: {  	[tilespmem:$0x111F0] =	vst v4  }
0x73: {  	[tilespmem:$0x11200] =	vst v4  }
0x74: {  	[tilespmem:$0x11210] =	vst v4  }
0x75: {  	[tilespmem:$0x11220] =	vst v4  }
0x76: {  	[tilespmem:$0x11230] =	vst v4  }
0x77: {  	[tilespmem:$0x11240] =	vst v4  }
0x78: {  	[tilespmem:$0x11250] =	vst v4  }
0x79: {  	[tilespmem:$0x11260] =	vst v4  }
0x7a: {  	[tilespmem:$0x11270] =	vst v4  }
0x7b: {  	[tilespmem:$0x11280] =	vst v4  }
0x7c: {  	[tilespmem:$0x11290] =	vst v4  }
0x7d: {  	[tilespmem:$0x112A0] =	vst v4  }
0x7e: {  	[tilespmem:$0x112B0] =	vst v4  }
0x7f: {  	[tilespmem:$0x112C0] =	vst v4  }
0x80: {  	[tilespmem:$0x112D0] =	vst v4  }
0x81: {  	[tilespmem:$0x112E0] =	vst v4  }
0x82: {  	[tilespmem:$0x112F0] =	vst v4  }
0x83: {  	[tilespmem:$0x11300] =	vst v4  }
0x84: {  	[tilespmem:$0x11310] =	vst v4  }
0x85: {  	[tilespmem:$0x11320] =	vst v4  }
0x86: {  	[tilespmem:$0x11330] =	vst v4  }
0x87: {  	[tilespmem:$0x11340] =	vst v4  }
0x88: {  	[tilespmem:$0x11350] =	vst v4  }
0x89: {  	[tilespmem:$0x11360] =	vst v4  }
0x8a: {  	[tilespmem:$0x11370] =	vst v4  }
0x8b: {  	[tilespmem:$0x11380] =	vst v4  }
0x8c: {  	[tilespmem:$0x11390] =	vst v4  }
0x8d: {  	[tilespmem:$0x113A0] =	vst v4  }
0x8e: {  	[tilespmem:$0x113B0] =	vst v4  }
0x8f: {  	[tilespmem:$0x113C0] =	vst v4  }
0x90: {  	[tilespmem:$0x113D0] =	vst v4  }
0x91: {  	[tilespmem:$0x113E0] =	vst v4  }
0x92: {  	[tilespmem:$0x113F0] =	vst v4  }
0x93: {  	[smem:$0x7FA] =	sst s6;
	[tilespmem:$0x13890] =	vst v0  }
0x94: {  	[spmem:s2] =	stream.linear.scatter [tilespmem:s4], [sflag:$0x2], $0x280, $0x38;
	[tilespmem:$0x13B40] =	vst v63  }
0x95: {  	_ =	swait.ge [sflag:s3], $0x280  }
0x96: {  	[sflag:s3] =	ssyncset.done $0x0  }
0x97: {  	[sflag:s3] =	ssyncadd.s32 $0xFFFFFD80  }
0x98: {  	[bflag:$0x0] =	sbarrier.arrive $0xFFFF  }
0x99: {  	_ =	swait.ge [sflag:s5], $0x2710  }
0x9a: {  	[sflag:s5] =	ssyncset.done $0x0  }
0x9b: {  	[sflag:s5] =	ssyncadd.s32 $0xFFFFD8F0  }
0x9c: {  	_ =	swait.ge [sflag:s5], $0x2710  }
0x9d: {  	[sflag:s5] =	ssyncset.done $0x0  }
0x9e: {  	[sflag:s5] =	ssyncadd.s32 $0xFFFFD8F0  }
0x9f: {  	_ =	swait.ge [sflag:s5], $0x2710  }
0xa0: {  	[sflag:s5] =	ssyncset.done $0x0  }
0xa1: {  	[sflag:s5] =	ssyncadd.s32 $0xFFFFD8F0  }
0xa2: {  	_ =	swait.ge [sflag:s5], $0x2710  }
0xa3: {  	[sflag:s5] =	ssyncset.done $0x0  }
0xa4: {  	[sflag:s5] =	ssyncadd.s32 $0xFFFFD8F0  }
0xa5: {  	_ =	swait.ge [sflag:s5], $0x2710  }
0xa6: {  	[sflag:s5] =	ssyncset.done $0x0  }
0xa7: {  	[sflag:s5] =	ssyncadd.s32 $0xFFFFD8F0  }
0xa8: {  	_ =	swait.ge [sflag:s5], $0x10  }
0xa9: {  	[sflag:s5] =	ssyncset.done $0x0  }
0xaa: {  	[sflag:s5] =	ssyncadd.s32 $0xFFFFFFF0  }
0xab: {  	s0 =	simm.s32 $0x0;
	v5 =	vld [tilespmem:$0xC350]  }
.LBB2_2:
0xac: {  	s1 =	sshra.s32 s0, $0x2  }
0xad: {  	v6 =	vld [tilespmem:s1+$0x7530];
	_ =	sdelay $0x4  }
0xae: {  	(v2sf) =	vpush v6, $0xD;
	_ =	sdelay $0x1  }
0xaf: {  	(v2sf) =	vpush v6, $0xC;
	_ =	sdelay $0x1  }
0xb0: {  	(v2sf) =	vpush v6, $0xE;
	_ =	sdelay $0x1  }
0xb1: {  	(v2sf) =	vpush v6, $0xF;
	_ =	sdelay $0x1  }
0xb2: {  	(v2sf) =	vpush v6, $0x9;
	_ =	sdelay $0x1  }
0xb3: {  	(v2sf) =	vpush v6, $0x8;
	_ =	sdelay $0x1  }
0xb4: {  	(v2sf) =	vpush v6, $0xA;
	_ =	sdelay $0x1  }
0xb5: {  	(v2sf) =	vpush v6, $0xB  }
0xb6: {  	(v2sf) =	vpush v6, $0x0;
	s2 =	spop (v2sf)  }
0xb7: {  	(v2sf) =	vpush v6, $0x1;
	s4 =	smulhi.u32 $0x68DB8BAD, s2;
	s2 =	sshra.s32 s2, $0x1F  }
0xb8: {  	s3 =	spop (v2sf);
	s2 =	smul.u32 $0x68DB8BAD, s2  }
0xb9: {  	s6 =	smulhi.u32 $0x68DB8BAD, s3;
	s3 =	sshra.s32 s3, $0x1F  }
0xba: {  	(v2sf) =	vpush v6, $0x2;
	s5 =	spop (v2sf);
	s7 =	smul.u32 $0x68DB8BAD, s3  }
0xbb: {  	(v2sf) =	vpush v6, $0x3;
	s8 =	smulhi.u32 $0x68DB8BAD, s5;
	s5 =	sshra.s32 s5, $0x1F  }
0xbc: {  	(v2sf) =	vpush v6, $0x4;
	s24 =	spop (v2sf);
	s11 =	smul.u32 $0x68DB8BAD, s5  }
0xbd: {  	(v2sf) =	vpush v6, $0x5;
	s12 =	smulhi.u32 $0x68DB8BAD, s24;
	s3 =	sshra.s32 s24, $0x1F  }
0xbe: {  	(v2sf) =	vpush v6, $0x6;
	s9 =	spop (v2sf);
	s13 =	smul.u32 $0x68DB8BAD, s3  }
0xbf: {  	(v2sf) =	vpush v6, $0x7;
	s14 =	smulhi.u32 $0x68DB8BAD, s9;
	s26 =	sshra.s32 s9, $0x1F  }
0xc0: {  	s25 =	spop (v2sf);
	s16 =	smul.u32 $0x68DB8BAD, s26  }
0xc1: {  	v7 =	vld [tilespmem:s1+$0x0];
	s5 =	sadd.s32 s2, s4;
	s18 =	smulhi.u32 $0x68DB8BAD, s25;
	s29 =	sshra.s32 s25, $0x1F  }
0xc2: {  	s7 =	sadd.s32 s7, s6;
	s10 =	spop (v2sf);
	s20 =	smul.u32 $0x68DB8BAD, s29  }
0xc3: {  	s26 =	sshrl.u32 s7, $0x1F;
	s22 =	smulhi.u32 $0x68DB8BAD, s10;
	s30 =	sshra.s32 s10, $0x1F  }
0xc4: {  	s7 =	sshra.s32 s7, $0xC;
	s28 =	spop (v2sf);
	s24 =	smul.u32 $0x68DB8BAD, s30  }
0xc5: {  	s15 =	spop (v2sf);
	s25 =	smulhi.u32 $0x68DB8BAD, s28;
	s9 =	sshra.s32 s28, $0x1F  }
0xc6: {  	v7 =	vsub.f32 $0.0e+00, v7;
	s2 =	sadd.s32 s13, s12;
	s17 =	spop (v2sf);
	s31 =	smul.u32 $0x68DB8BAD, s9  }
0xc7: {  	s9 =	smulhi.u32 $0x68DB8BAD, s15;
	s6 =	sshra.s32 s15, $0x1F;
	s15 =	sshrl.u32 s5, $0x1F  }
0xc8: {  	v7 =	vmul.f32 $1.442695020e+00, v7;
	s13 =	sadd.s32 s20, s18;
	s5 =	sshra.s32 s5, $0xC;
	s28 =	smul.u32 $0x68DB8BAD, s6  }
0xc9: {  	s19 =	spop (v2sf);
	s6 =	sadd.s32 s11, s8;
	s29 =	smulhi.u32 $0x68DB8BAD, s17  }
0xca: {  	(erf) = vpow2.f32 v7;
	s11 =	sshra.s32 s17, $0x1F;
	s12 =	sadd.s32 s24, s22;
	s21 =	spop (v2sf)  }
0xcb: {  	s30 =	smul.u32 $0x68DB8BAD, s11;
	s11 =	sadd.s32 s16, s14;
	s23 =	spop (v2sf)  }
0xcc: {  	s14 =	smulhi.u32 $0x68DB8BAD, s19;
	s19 =	sshra.s32 s19, $0x1F;
	s3 =	spop (v2sf)  }
0xcd: {  	s8 =	sadd.s32 s31, s25;
	s18 =	smul.u32 $0x68DB8BAD, s19;
	s10 =	spop (v2sf)  }
0xce: {  	s19 =	smulhi.u32 $0x68DB8BAD, s21;
	s24 =	sshra.s32 s21, $0x1F;
	s25 =	spop (v2sf)  }
0xcf: {  	s21 =	sadd.s32 s28, s9;
	s28 =	smulhi.u32 $0x68DB8BAD, s25;
	s20 =	sshra.s32 s25, $0x1F  }
0xd0: {  	s17 =	sshrl.u32 s6, $0x1F;
	s16 =	sshrl.u32 s2, $0x1F;
	s20 =	smul.u32 $0x68DB8BAD, s20  }
0xd1: {  	s2 =	sshra.s32 s2, $0xC;
	s31 =	smul.u32 $0x68DB8BAD, s24;
	s22 =	sadd.s32 s30, s29  }
0xd2: {  	s24 =	sshrl.u32 s11, $0x1F;
	s30 =	smulhi.u32 $0x68DB8BAD, s23;
	s9 =	sadd.s32 s20, s28  }
0xd3: {  	v11 =	vpop (erf);
	s23 =	sshra.s32 s23, $0x1F;
	s4 =	sadd.s32 s31, s19;
	s31 =	sshra.s32 s9, $0x1F  }
0xd4: {  	v11 =	vadd.f32 $1.000000000e+00, v11;
	v7 =	vmov s26;
	s26 =	sshra.s32 s21, $0xC;
	s14 =	sadd.s32 s18, s14;
	s23 =	smul.u32 $0x68DB8BAD, s23;
	v8 =	vmov s31  }
0xd5: {  	v7 =	vsel vm0, s15, v7;
	s18 =	sshrl.u32 s8, $0x1F;
	s28 =	sshrl.u32 s21, $0x1F;
	s21 =	sshra.s32 s21, $0x1F;
	v8 =	vsel vm3, s26, v8  }
0xd6: {  	(erf) = vrcp.f32 v11;
	v7 =	vsel vm1, s17, v7;
	s15 =	sadd.s32 s23, s30;
	s30 =	smulhi.u32 $0x68DB8BAD, s3;
	s31 =	sshra.s32 s22, $0xC;
	v8 =	vsel vm11, s21, v8  }
0xd7: {  	v57 =	vmov s7;
	v7 =	vsel vm2, s16, v7;
	s3 =	sshra.s32 s3, $0x1F;
	s23 =	sshra.s32 s22, $0x1F;
	s20 =	sshrl.u32 s13, $0x1F;
	v8 =	vsel vm0, s31, v8  }
0xd8: {  	s3 =	smul.u32 $0x68DB8BAD, s3;
	s13 =	sshra.s32 s13, $0xC;
	v9 =	vmov s28;
	v10 =	vmov s20;
	s28 =	sshra.s32 s14, $0xC;
	v8 =	vsel vm12, s23, v8  }
0xd9: {  	s25 =	sshrl.u32 s12, $0x1F;
	v58 =	vmov s13;
	v10 =	vsel vm0, s24, v10;
	s21 =	sshrl.u32 s14, $0x1F;
	s14 =	sshra.s32 s14, $0x1F;
	v8 =	vsel vm1, s28, v8  }
0xda: {  	s29 =	sshrl.u32 s22, $0x1F;
	s19 =	sshra.s32 s15, $0xC;
	v9 =	vnsel vm3, $0x0, v9;
	v10 =	vsel vm1, s25, v10;
	s31 =	sshra.s32 s4, $0xC;
	v8 =	vsel vm13, s14, v8  }
0xdb: {  	s3 =	sadd.s32 s3, s30;
	v9 =	vsel vm0, s29, v9;
	s29 =	sshrl.u32 s4, $0x1F;
	v10 =	vsel vm2, s18, v10;
	s4 =	sshra.s32 s4, $0x1F;
	v8 =	vsel vm2, s31, v8  }
0xdc: {  	s30 =	sshrl.u32 s15, $0x1F;
	s26 =	smulhi.u32 $0x68DB8BAD, s10;
	s10 =	sshra.s32 s10, $0x1F;
	v9 =	vsel vm1, s21, v9;
	v7 =	vcombine.low v10, v7;
	v8 =	vsel vm14, s4, v8  }
0xdd: {  	s20 =	sshra.s32 s15, $0x1F;
	s10 =	smul.u32 $0x68DB8BAD, s10;
	s21 =	sshra.s32 s11, $0xC;
	v10 =	vsel vm0, s5, v57;
	v9 =	vsel vm2, s29, v9;
	v8 =	vsel vm4, s19, v8  }
0xde: {  	s22 =	sshra.s32 s3, $0xC;
	s24 =	sshra.s32 s12, $0xC;
	s23 =	sshra.s32 s6, $0xC;
	v11 =	vsel vm0, s21, v58;
	v9 =	vsel vm4, s30, v9;
	v8 =	vsel vm15, s20, v8  }
0xdf: {  	s17 =	sshrl.u32 s3, $0x1F;
	s3 =	sshra.s32 s3, $0x1F;
	s10 =	sadd.s32 s10, s26;
	v10 =	vsel vm1, s23, v10;
	v11 =	vsel vm1, s24, v11;
	v8 =	vsel vm5, s22, v8  }
0xe0: {  	s25 =	sshra.s32 s8, $0xC;
	s18 =	sshrl.u32 s10, $0x1F;
	s26 =	sshra.s32 s10, $0xC;
	v9 =	vsel vm5, s17, v9;
	v10 =	vsel vm2, s2, v10;
	v8 =	vsel vm10, s3, v8  }
0xe1: {  	s28 =	sshrl.u32 s9, $0x1F;
	s29 =	sshra.s32 s10, $0x1F;
	v11 =	vsel vm2, s25, v11;
	v9 =	vsel vm6, s18, v9;
	v8 =	vsel vm6, s26, v8  }
0xe2: {  	s30 =	sshra.s32 s9, $0xC;
	v10 =	vcombine.low v11, v10;
	v9 =	vsel vm7, s28, v9;
	v8 =	vsel vm9, s29, v8  }
0xe3: {  	v7 =	vperm.xlane v7, v1;
	v9 =	vperm.xlane v9, v3;
	v8 =	vsel vm7, s30, v8  }
0xe4: {  	v10 =	vperm.xlane v10, v1;
	v8 =	vperm.xlane v8, v3;
	_ =	sdelay $0x1  }
0xe5: {  	v59 =	vld [tilespmem:s1+$0x4E20];
	v7 =	vsel vm8, v9, v7;
	v8 =	vsel vm8, v8, v10  }
0xe6: {  	v7 =	vadd.s32 v7, v8  }
0xe7: {  	v8 =	vmul.u32 $0xFFFFD8F0, v7;
	_ =	sdelay $0x1  }
0xe8: {  	v60 =	vpop (erf);
	v8 =	vadd.s32 v6, v8  }
0xe9: {  	v61 =	vmul.f32 v60, v59;
	vm9 =	vlt.s32 v8, $0x0;
	v62 =	vadd.s32 $0x2710, v8  }
0xea: {  	v11 =	vsel vm9, v62, v8  }
0xeb: {  	vm10 =	vgt.f32 v61, $5.000000000e-01;
	vm9 =	veq.s32 v11, v5  }
0xec: {  	vm9 =	vmand vm10, vm9  }
0xed: {  	v63 =	vmpcnt.ones.xlane vm9;
	_ =	sdelay $0x1  }
0xee: {  	(v2sf) =	vpush v63, $0x0;
	_ =	sdelay $0xe  }
0xef: {  	s31 =	spop (v2sf)  }
0xf0: {  	p0 =	seq.s32 s31, $0x0  }
0xf1: {  	v12 =	vld [tilespmem:s1+$0x2710];
	vm8 =	vmmov vm7;
	v13 =	vimm.s32 @!p0 $0x0  }
0xf2: {  	vm7 =	vmmov vm6;
	vm6 =	vmmov vm5;
	v14 =	vsel @!p0 vm9, $0x1, v13  }
0xf3: {  	vm5 =	vmmov vm4;
	vm4 =	vmmov vm3;
	vm3 =	vmmov vm15;
	(xrf0) =	vadd.scan.msk.s32 @!p0 $0xffff, v14  }
0xf4: {  	vm15 =	vmmov vm14;
	vm14 =	vmmov vm13;
	vm13 =	vmmov vm12  }
0xf5: {  	vm12 =	vmmov vm11;
	vm10 =	vne.s32 @!p0 v8, $0x0;
	vm11 =	vlt.s32 @!p0 v6, $0x1;
	v6 =	vld [tilespmem:$0x1FFF0]  }
0xf6: {  	v9 =	vmul.f32 v60, v12;
	vm10 =	vmand @!p0 vm11, vm10  }
0xf7: {  	vm11 =	vmmov vm12;
	vm12 =	vmmov vm13;
	vm13 =	vmmov vm14  }
0xf8: {  	[tilespmem:s1+$0xEA70] =	vst v61;
	vm14 =	vmmov vm15;
	vm15 =	vmmov vm3;
	vm3 =	vmmov vm4  }
0xf9: {  	[tilespmem:s1+$0xC360] =	vst v9;
	s1 =	sshra.s32 @!p0 s0, $0x2;
	vm4 =	vmmov vm5;
	vm5 =	vmmov vm6;
	vm6 =	vmmov vm7;
	v8, _, _ =	vpop @!p0 (xrf0)  }
0xfa: {  	s0 =	sadd.s32 $0x40, s0;
	vm7 =	vmmov vm8;
	vm8 =	vnez.u8 v6;
	v6 =	vadd.s32 @!p0 v8, v4;
	v8 =	vld @!p0 [tilespmem:s1+$0x9C40]  }
0xfb: {  	p1 =	sne.s32 s0, $0x9C40;
	v9 =	vsel @!p0 vm10, $0xFFFFFFFF, v13;
	v6 =	vadd.s32 @!p0 $0xFFFFFFFF, v6  }
.Ltmp2:
0xfc: {  	v7 =	vadd.s32 @!p0 v9, v7;
	(pc) =	sbr.rel @p1 .LBB2_2-.Ltmp2, $3  }
0xfd: {  	v7 =	vmul.u32 @!p0 $0x2710, v7;
	_ =	sdelay $0x1  }
0xfe: {  	s1 =	simm.s32 @!p0 $0x11180;
	v7 =	vadd.s32 @!p0 v7, v8  }
0xff: {  	vm10 =	vcmask $0x2F2C;
	v4 =	vadd.s32 v4, v63;
	[tilespmem:v6+s1+$0x0] =	vst.idx.msk @!p0 vm9, v7;
	vm9 =	vcmask $0x3734  }
0x100: {  	(v2sf) =	vpush v4, $0x0;
	_ =	sdelay $0xc  }
0x101: {  	s2 =	simm.s32 $0x0;
	s0 =	rddreg [dreg:$0x1d];
	s1 =	simm.s32 $0xC360  }
0x102: {  	[hbm4b:s0+s2] =	stream.linear.scatter [tilespmem:s1], [sflag:$0x1], $0x2710, $0x38;
	[tilespmem:$0x13B40] =	vst v63  }
0x103: {  	s29 =	spop (v2sf)  }
0x104: {  	s0 =	sadd.s32 $0xF, s29  }
0x105: {  	s30 =	sand.u32 $0xF, s0  }
0x106: {  	s31 =	sshra.s32 s0, $0x1F;
	p1 =	slt.s32 s0, $0x1;
	p0 =	sne.s32 s30, $0x0  }
0x107: {  	s1 =	sshrl.u32 s31, $0x1C;
	p0 =	por !p1, !p0  }
0x108: {  	s0 =	sadd.s32 s1, s0;
	s1 =	simm.s32 $0x1;
	p0 =	por !p0, !p0  }
0x109: {  	s0 =	sshra.s32 s0, $0x4;
	s1 =	simm.s32 @!p0 $0x0  }
0x10a: {  	s0 =	ssub.s32 s0, s1  }
0x10b: {  	p0 =	slt.s32 s0, $0x1  }
.Ltmp3:
0x10c: {  	_ = 	snop;
	(pc) =	sbr.rel @p0 .LBB2_7-.Ltmp3, $4  }
0x10d: {  	_ = 	snop  }
0x10e: {  	s26 =	rddreg [dreg:$0x1e];
	s28 =	simm.s32 $0xEA70  }
0x10f: {  	[hbm4b:s26+s2] =	stream.linear.scatter [tilespmem:s28], [sflag:$0x1], $0x2710, $0x38;
	[tilespmem:$0x13B40] =	vst v63  }
0x110: {  	s6 =	sld [smem:$0x7FA];
	s1 =	simm.s32 $0x11180  }
0x111: {  	v5 =	vld [tilespmem:s1+$0x0];
	_ =	sdelay $0x4  }
0x112: {  	(v2sf) =	vpush v5, $0x9  }
0x113: {  	(v2sf) =	vpush v5, $0x1;
	_ =	sdelay $0x1  }
0x114: {  	(v2sf) =	vpush v5, $0x5  }
0x115: {  	(v2sf) =	vpush v5, $0xA  }
0x116: {  	(v2sf) =	vpush v5, $0x4  }
0x117: {  	(v2sf) =	vpush v5, $0xD;
	_ =	sdelay $0x1  }
0x118: {  	(v2sf) =	vpush v5, $0x2  }
0x119: {  	(v2sf) =	vpush v5, $0x0;
	_ =	sdelay $0x3  }
0x11a: {  	(v2sf) =	vpush v5, $0x7  }
0x11b: {  	(v2sf) =	vpush v5, $0xB  }
0x11c: {  	(v2sf) =	vpush v5, $0x6;
	s16 =	spop (v2sf)  }
0x11d: {  	s2 =	simm.s32 $0x0;
	(v2sf) =	vpush v5, $0x3;
	s17 =	spop (v2sf);
	s3 =	smulhi.u32 $0x68DB8BAD, s16  }
0x11e: {  	[dreg:$0xe] =	wrdreg s2;
	(v2sf) =	vpush v5, $0xF;
	s1 =	sshra.s32 s16, $0x1F;
	s6 =	smulhi.u32 $0x68DB8BAD, s17  }
0x11f: {  	(v2sf) =	vpush v5, $0xE;
	s4 =	spop (v2sf);
	s2 =	sshra.s32 s17, $0x1F;
	s1 =	smul.u32 $0x68DB8BAD, s1  }
0x120: {  	s25 =	spop (v2sf);
	s2 =	smul.u32 $0x68DB8BAD, s2  }
0x121: {  	s5 =	sshra.s32 s4, $0x1F;
	s10 =	smulhi.u32 $0x68DB8BAD, s4;
	s26 =	spop (v2sf)  }
0x122: {  	(v2sf) =	vpush v5, $0xC;
	s8 =	smul.u32 $0x68DB8BAD, s5;
	s7 =	spop (v2sf)  }
0x123: {  	s9 =	sshra.s32 s26, $0x1F;
	s11 =	smulhi.u32 $0x68DB8BAD, s7  }
0x124: {  	s4 =	spop (v2sf);
	s18 =	sshra.s32 s7, $0x1F;
	s9 =	smul.u32 $0x68DB8BAD, s9  }
0x125: {  	s20 =	sadd.s32 $0xFFFFFFFF, s0;
	(v2sf) =	vpush v5, $0x8;
	s12 =	spop (v2sf);
	s5 =	smul.u32 $0x68DB8BAD, s18  }
0x126: {  	[dreg:$0xf] =	wrdreg s20;
	s17 =	sshra.s32 s25, $0x1F;
	s15 =	smulhi.u32 $0x68DB8BAD, s12  }
0x127: {  	s20 =	sshra.s32 s4, $0x1F;
	s19 =	sshra.s32 s12, $0x1F;
	s12 =	smulhi.u32 $0x68DB8BAD, s4  }
0x128: {  	[dreg:$0x13] =	wrdreg s17;
	s20 =	smul.u32 $0x68DB8BAD, s20  }
0x129: {  	s14 =	spop (v2sf);
	s22 =	smul.u32 $0x68DB8BAD, s19  }
0x12a: {  	p0 =	sne.s32 s0, $0x1;
	s28 =	spop (v2sf);
	s4 =	smulhi.u32 $0x68DB8BAD, s14  }
0x12b: {  	s21 =	spop (v2sf);
	s30 =	sadd.s32 s20, s12;
	s20 =	sshra.s32 s28, $0x1F  }
0x12c: {  	s12 =	simm.s32 $0x10;
	s16 =	spop (v2sf);
	[dreg:$0x15] =	wrdreg s20  }
0x12d: {  	s0 =	sadd.s32 s22, s15;
	[dreg:$0x10] =	wrdreg s12;
	s13 =	spop (v2sf)  }
0x12e: {  	s20 =	simm.s32 $0x11190;
	s29 =	smulhi.u32 $0x68DB8BAD, s16;
	s23 =	spop (v2sf)  }
0x12f: {  	s12 =	sshrl.u32 s30, $0x1F;
	[dreg:$0x11] =	wrdreg s20;
	s24 =	smulhi.u32 $0x68DB8BAD, s23  }
0x130: {  	s7 =	sshra.s32 s23, $0x1F;
	s23 =	sshra.s32 s14, $0x1F;
	s14 =	sshra.s32 s16, $0x1F  }
0x131: {  	s18 =	smul.u32 $0x68DB8BAD, s7;
	s7 =	sadd.s32 s2, s6;
	s19 =	spop (v2sf)  }
0x132: {  	s6 =	sadd.s32 s8, s10;
	s31 =	smul.u32 $0x68DB8BAD, s23;
	s8 =	sadd.s32 s1, s3  }
0x133: {  	s1 =	sshrl.u32 s0, $0x1F;
	s3 =	sshra.s32 s0, $0xC;
	s10 =	smulhi.u32 $0x68DB8BAD, s13  }
.Ltmp4:
0x134: {  	s23 =	sshra.s32 s0, $0x1F;
	s15 =	spop (v2sf);
	(pc) =	sbr.rel @!p0 .LBB2_6-.Ltmp4, $4  }
0x135: {  	s22 =	smulhi.u32 $0x68DB8BAD, s19;
	s16 =	sshra.s32 s7, $0x1F;
	s2 =	sadd.s32 s18, s24  }
0x136: {  	s18 =	smulhi.u32 $0x68DB8BAD, s15;
	s24 =	sshra.s32 s19, $0x1F;
	s17 =	sshra.s32 s15, $0x1F  }
0x137: {  	v6 =	vmov s1;
	[dreg:$0x14] =	wrdreg s10;
	s19 =	sshrl.u32 s6, $0x1F;
	s17 =	smul.u32 $0x68DB8BAD, s17  }
0x138: {  	s15 =	sshra.s32 s21, $0x1F;
	v6 =	vnsel vm3, $0x0, v6;
	s10 =	sshra.s32 s7, $0xC;
	[dreg:$0x12] =	wrdreg s19  }
.LBB2_5:
0x139: {  	s17 =	sadd.s32 s17, s18;
	s18 =	smulhi.u32 $0x68DB8BAD, s25  }
0x13a: {  	s19 =	sshra.s32 s13, $0x1F;
	s1 =	smul.u32 $0x68DB8BAD, s24  }
0x13b: {  	s13 =	sadd.s32 s31, s4;
	s31 =	sshra.s32 s30, $0x1F;
	s26 =	smulhi.u32 $0x68DB8BAD, s26  }
0x13c: {  	s30 =	sshra.s32 s30, $0xC;
	s15 =	smul.u32 $0x68DB8BAD, s15;
	s5 =	sadd.s32 s5, s11  }
0x13d: {  	s11 =	smul.u32 $0x68DB8BAD, s14;
	s14 =	sshra.s32 s2, $0xC;
	s7 =	sshrl.u32 s7, $0x1F  }
0x13e: {  	s0 =	rddreg [dreg:$0x13];
	s25 =	sshrl.u32 s17, $0x1F;
	s24 =	sshra.s32 s17, $0xC  }
0x13f: {  	s20 =	sshra.s32 s13, $0x1F;
	s17 =	sshra.s32 s6, $0xC;
	s6 =	sshra.s32 s6, $0x1F  }
0x140: {  	s19 =	smul.u32 $0x68DB8BAD, s19;
	s22 =	sadd.s32 s1, s22;
	v7 =	vmov s20;
	s1 =	smov.u32 s2  }
0x141: {  	s20 =	smulhi.u32 $0x68DB8BAD, s28;
	s4 =	sadd.s32 s9, s26;
	s9 =	sshra.s32 s5, $0xC;
	v7 =	vsel vm3, s3, v7  }
0x142: {  	v6 =	vsel vm0, s7, v6;
	s2 =	smul.u32 $0x68DB8BAD, s0;
	s11 =	sadd.s32 s11, s29;
	s5 =	sshrl.u32 s5, $0x1F;
	v7 =	vsel vm11, s23, v7  }
0x143: {  	v9 =	vmov s24;
	v10 =	vmov s25;
	s25 =	rddreg [dreg:$0x12];
	s26 =	sshra.s32 s22, $0xC;
	s0 =	sshrl.u32 s11, $0x1F;
	v7 =	vsel vm0, s10, v7  }
0x144: {  	v6 =	vsel vm1, s12, v6;
	s1 =	sshrl.u32 s1, $0x1F;
	s23 =	smulhi.u32 $0x68DB8BAD, s21;
	v8 =	vmov s26;
	s21 =	sshrl.u32 s22, $0x1F;
	v7 =	vsel vm12, s16, v7  }
0x145: {  	s26 =	sshrl.u32 s8, $0x1F;
	v6 =	vsel vm2, s0, v6;
	v8 =	vsel vm0, s9, v8;
	s9 =	sshra.s32 s11, $0x1F;
	s10 =	sadd.s32 s2, s18;
	v7 =	vsel vm1, s30, v7  }
0x146: {  	v11 =	vmov s21;
	v10 =	vsel vm0, s26, v10;
	s11 =	sshra.s32 s11, $0xC;
	s16 =	sshra.s32 s4, $0xC;
	s3 =	sadd.s32 s15, s23;
	v7 =	vsel vm13, s31, v7  }
0x147: {  	s15 =	rddreg [dreg:$0x15];
	v8 =	vsel vm1, s14, v8;
	s23 =	sshra.s32 s8, $0xC;
	s14 =	sshrl.u32 s4, $0x1F;
	v11 =	vsel vm0, s5, v11;
	v7 =	vsel vm2, s11, v7  }
0x148: {  	s4 =	sshra.s32 s4, $0x1F;
	s22 =	smul.u32 $0x68DB8BAD, s15;
	s15 =	rddreg [dreg:$0x14];
	v6 =	vsel vm4, s14, v6;
	v9 =	vsel vm0, s23, v9;
	v7 =	vsel vm14, s9, v7  }
0x149: {  	s26 =	sshrl.u32 s3, $0x1F;
	v63 =	vsel vm1, s1, v11;
	s18 =	sadd.s32 s19, s15;
	s19 =	sshrl.u32 s10, $0x1F;
	v6 =	vsel vm5, s25, v6;
	v7 =	vsel vm4, s16, v7  }
0x14a: {  	s2 =	sadd.s32 s22, s20;
	s21 =	sshra.s32 s18, $0xC;
	s22 =	sshra.s32 s10, $0xC;
	v6 =	vsel vm6, s26, v6;
	v62 =	vsel vm1, s19, v10;
	v7 =	vsel vm15, s4, v7  }
0x14b: {  	s23 =	rddreg [dreg:$0xf];
	s20 =	sshrl.u32 s18, $0x1F;
	v8 =	vsel vm2, s21, v8;
	v9 =	vsel vm1, s22, v9;
	s24 =	sshra.s32 s2, $0xC;
	v7 =	vsel vm5, s17, v7  }
0x14c: {  	s0 =	sadd.s32 $0xFFFFFFFF, s23;
	s10 =	sshra.s32 s3, $0xC;
	s2 =	sshrl.u32 s2, $0x1F;
	v10 =	vsel vm2, s20, v63;
	v9 =	vsel vm2, s24, v9;
	v7 =	vsel vm10, s6, v7  }
0x14d: {  	[dreg:$0xf] =	wrdreg s0;
	s0 =	sshrl.u32 s13, $0x1F;
	s11 =	sshra.s32 s3, $0x1F;
	v8 =	vcombine.low v9, v8;
	v9 =	vsel vm2, s2, v62;
	v7 =	vsel vm6, s10, v7  }
0x14e: {  	v6 =	vsel vm7, s0, v6;
	s9 =	sshra.s32 s13, $0xC;
	v9 =	vcombine.low v9, v10;
	v7 =	vsel vm9, s11, v7  }
0x14f: {  	v6 =	vperm.xlane v6, v3;
	v8 =	vperm.xlane v8, v1;
	v7 =	vsel vm7, s9, v7  }
0x150: {  	v9 =	vperm.xlane v9, v1;
	v7 =	vperm.xlane v7, v3;
	_ =	sdelay $0x1  }
0x151: {  	v6 =	vsel vm8, v6, v9;
	v7 =	vsel vm8, v7, v8  }
0x152: {  	v6 =	vadd.s32 v6, v7  }
0x153: {  	s12 =	rddreg [dreg:$0xd];
	v6 =	vmul.u32 $0x2710, v6  }
0x154: {  	s31 =	rddreg [dreg:$0x10]  }
0x155: {  	s13 =	rddreg [dreg:$0xe];
	v5 =	vsub.s32 v5, v6  }
0x156: {  	s14 =	rddreg [dreg:$0xc];
	s15 =	smov.u32 s31;
	v6 =	vor.u32 s13, v2;
	vm9 =	vlt.s32 v5, $0x0;
	v7 =	vadd.s32 $0x2710, v5  }
0x157: {  	[dreg:$0xe] =	wrdreg s15;
	vm10 =	vlt.s32 v6, v4;
	v5 =	vsel vm9, v7, v5  }
0x158: {  	s16 =	rddreg [dreg:$0xb];
	v5 =	vnsel vm10, $0x2710, v5  }
0x159: {  	s18 =	simm.s32 $0x2;
	s17 =	rddreg [dreg:$0x9];
	[tilespmem:$0x138A0] =	vst v5  }
0x15a: {  	[spmem:s17] =	stream.indirect.scatter [tilespmem:s16], [sflag:$0x2], $0x1, s14, s12, $0xb8;
	[tilespmem:$0x13B40] =	vst v63  }
0x15b: {  	_ =	swait.ge [sflag:s18], $0x10  }
0x15c: {  	[sflag:s18] =	ssyncset.done $0x0  }
0x15d: {  	s8 =	rddreg [dreg:$0x11];
	[sflag:s18] =	ssyncadd.s32 $0xFFFFFFF0  }
0x15e: {  	v5 =	vld [tilespmem:s8+$0x0];
	_ =	sdelay $0x4  }
0x15f: {  	(v2sf) =	vpush v5, $0x9  }
0x160: {  	(v2sf) =	vpush v5, $0x1  }
0x161: {  	(v2sf) =	vpush v5, $0x5;
	_ =	sdelay $0x1  }
0x162: {  	(v2sf) =	vpush v5, $0xA  }
0x163: {  	(v2sf) =	vpush v5, $0x4  }
0x164: {  	(v2sf) =	vpush v5, $0xD;
	_ =	sdelay $0x2  }
0x165: {  	(v2sf) =	vpush v5, $0x2  }
0x166: {  	(v2sf) =	vpush v5, $0x0  }
0x167: {  	(v2sf) =	vpush v5, $0x7  }
0x168: {  	(v2sf) =	vpush v5, $0xB  }
0x169: {  	s31 =	sadd.s32 $0x10, s31  }
0x16a: {  	[dreg:$0x10] =	wrdreg s31;
	s8 =	sadd.s32 $0x10, s8;
	(v2sf) =	vpush v5, $0x6  }
0x16b: {  	[dreg:$0x11] =	wrdreg s8;
	(v2sf) =	vpush v5, $0x3;
	s19 =	spop (v2sf)  }
0x16c: {  	(v2sf) =	vpush v5, $0xF;
	s20 =	smulhi.u32 $0x68DB8BAD, s19;
	s21 =	spop (v2sf)  }
0x16d: {  	(v2sf) =	vpush v5, $0xE;
	s2 =	sshra.s32 s19, $0x1F;
	s4 =	smulhi.u32 $0x68DB8BAD, s21;
	s22 =	spop (v2sf)  }
0x16e: {  	(v2sf) =	vpush v5, $0xC;
	s3 =	sshra.s32 s21, $0x1F;
	s17 =	smul.u32 $0x68DB8BAD, s2;
	[dreg:$0x16] =	wrdreg s20  }
0x16f: {  	p0 =	sne.s32 s23, $0x1;
	s3 =	smul.u32 $0x68DB8BAD, s3;
	s25 =	spop (v2sf)  }
0x170: {  	(v2sf) =	vpush v5, $0x8;
	s23 =	sshra.s32 s22, $0x1F;
	s12 =	smulhi.u32 $0x68DB8BAD, s22;
	s26 =	spop (v2sf)  }
0x171: {  	s6 =	smul.u32 $0x68DB8BAD, s23;
	s24 =	sshra.s32 s25, $0x1F;
	s11 =	spop (v2sf)  }
0x172: {  	s1 =	sshra.s32 s26, $0x1F;
	s13 =	sshra.s32 s11, $0x1F;
	s11 =	smulhi.u32 $0x68DB8BAD, s11  }
0x173: {  	[dreg:$0x13] =	wrdreg s24;
	s9 =	smul.u32 $0x68DB8BAD, s1  }
0x174: {  	s14 =	spop (v2sf);
	s6 =	sadd.s32 s6, s12;
	s5 =	smul.u32 $0x68DB8BAD, s13  }
0x175: {  	s19 =	sshra.s32 s14, $0x1F;
	s15 =	spop (v2sf);
	s29 =	smulhi.u32 $0x68DB8BAD, s14  }
0x176: {  	s18 =	sshra.s32 s15, $0x1F;
	s16 =	spop (v2sf);
	s22 =	smulhi.u32 $0x68DB8BAD, s15  }
0x177: {  	s12 =	smul.u32 $0x68DB8BAD, s19;
	s19 =	sshrl.u32 s6, $0x1F;
	s28 =	spop (v2sf)  }
0x178: {  	s20 =	sshra.s32 s16, $0x1F;
	s10 =	smul.u32 $0x68DB8BAD, s18;
	[dreg:$0x12] =	wrdreg s19  }
0x179: {  	s7 =	sadd.s32 s3, s4;
	s21 =	spop (v2sf);
	s31 =	smul.u32 $0x68DB8BAD, s20  }
0x17a: {  	s24 =	sshra.s32 s28, $0x1F;
	s20 =	rddreg [dreg:$0x16];
	s23 =	spop (v2sf)  }
0x17b: {  	[dreg:$0x15] =	wrdreg s24;
	s15 =	sshra.s32 s21, $0x1F;
	s13 =	spop (v2sf)  }
0x17c: {  	s8 =	sadd.s32 s17, s20;
	s1 =	spop (v2sf);
	s4 =	smulhi.u32 $0x68DB8BAD, s13  }
0x17d: {  	s30 =	smulhi.u32 $0x68DB8BAD, s1;
	s3 =	sshra.s32 s1, $0x1F;
	s2 =	spop (v2sf)  }
0x17e: {  	s14 =	sshra.s32 s23, $0x1F;
	[dreg:$0x14] =	wrdreg s4;
	s3 =	smul.u32 $0x68DB8BAD, s3  }
0x17f: {  	s1 =	sadd.s32 s10, s22;
	s10 =	spop (v2sf);
	s4 =	smulhi.u32 $0x68DB8BAD, s16  }
.Ltmp5:
0x180: {  	s24 =	sshra.s32 s2, $0x1F;
	s18 =	sshrl.u32 s1, $0x1F;
	(pc) =	sbr.rel @p0 .LBB2_5-.Ltmp5, $4  }
0x181: {  	s22 =	smulhi.u32 $0x68DB8BAD, s2;
	s16 =	sshra.s32 s7, $0x1F;
	s0 =	sshra.s32 s10, $0x1F  }
0x182: {  	v6 =	vmov s18;
	s18 =	smulhi.u32 $0x68DB8BAD, s10;
	s10 =	sshra.s32 s7, $0xC;
	s2 =	sadd.s32 s3, s30  }
0x183: {  	s3 =	sshra.s32 s1, $0xC;
	s17 =	smul.u32 $0x68DB8BAD, s0;
	s30 =	sadd.s32 s12, s29  }
0x184: {  	vm9 =	vcmask $0x3734;
	vm10 =	vcmask $0x2F2C;
	v6 =	vnsel vm3, $0x0, v6;
	s29 =	smulhi.u32 $0x68DB8BAD, s23;
	s23 =	sshra.s32 s1, $0x1F;
	s12 =	sshrl.u32 s30, $0x1F  }
.Ltmp6:
0x185: {  	_ = 	snop;
	(pc) =	sbr.rel .LBB2_6-.Ltmp6, $1  }
0x186: {  	_ =	sdelay $0x3  }
.LBB2_8:
0x187: {  	_ =	sfence.sel $0x180000  }
0x188: {  	[bflag:$0x0] =	sbarrier.arrive $0xFFFF  }
0x189: {  	_ =	strace $0x90000047  }
0x18a: {  	s0 =	stileid.u32;
	[bflag:$0x2] =	sbarrier.arrive $0xFFFF  }
0x18b: {  	p0 =	sne.s32 s0, $0x0;
	s0 =	rddreg [dreg:$0xa]  }
0x18c: {  	s0 =	sadd.s32 @!p0 $0x100000, s0  }
0x18d: {  	[sflag:s0] =	ssyncadd.tile.s32 @!p0 $0x1;
	_ =	shalt  }
.Lfunc_end2:
_tile_overlayer_lowered:
.L_overlay_start_2:
0x18e: {  	(tag) =	ssettag $0x2  }
0x18f: {  	s0 =	rddreg [dreg:$0x0];
	s2 =	stileid.u32  }
0x190: {  	s1 =	rddreg [dreg:$0x1];
	p0 =	sne.s32 s2, $0x0  }
0x191: {  	s3 =	rddreg [dreg:$0x2];
	[bflag:$0x3] =	sbarrier.arrive $0xFFFF;
	s2 =	simm.s32 @!p0 $0x1C02  }
0x192: {  	[timem:s3], [sflag:s2] =	dma.local @!p0 [hbm:s0], s1  }
0x193: {  	s0 =	simm.s32 @!p0 $0x2  }
0x194: {  	_ =	swait.ge @!p0 [sflag:s0], s1  }
0x195: {  	s1 =	ssub.s32 @!p0 $0x0, s1;
	[sflag:s0] =	ssyncset.done @!p0 $0x0  }
0x196: {  	[sflag:s0] =	ssyncadd.s32 @!p0 s1  }
0x197: {  	[bflag:$0x3] =	sbarrier.arrive $0xFFFF  }
0x198: {  	_ =	shalt  }

// kernel: kernel.9.cloned.1.call-start
scs
__scs_entry_jumppad:
0x0: {  	(pc) =	sbr.rel $0x88, $3  }
0x1: {  	(tag) =	ssettag $0x0;
	lr =	simm.s32 $0x1  }
0x2: {  	[smem:$0x3F96] =	sst lr;
	_ =	strace $0xD0000000  }
0x3: {  	_ = 	snop  }
0x4: {  	_ = 	snop  }
0x5: {  	_ = 	snop  }
0x6: {  	_ = 	snop  }
0x7: {  	_ = 	snop  }
__scs_overlays_trampoline_lowered:
0x8: {  	[smem:$0x3FA5] =	sst s0  }
0x9: {  	[smem:$0x3FA6] =	sst s1  }
0xa: {  	[smem:$0x3FA7] =	sst s2  }
0xb: {  	[smem:$0x3FA8] =	sst s3  }
0xc: {  	[smem:$0x3FA9] =	sst s4  }
0xd: {  	[smem:$0x3FAA] =	sst s5  }
0xe: {  	[smem:$0x3FAB] =	sst s6  }
0xf: {  	[smem:$0x3FAC] =	sst s7  }
0x10: {  	[smem:$0x3FAD] =	sst s8  }
0x11: {  	[smem:$0x3FAE] =	sst s9;
	s0 =	simm.s32 @!p0 $0x0  }
0x12: {  	s1 =	sld [smem:$0x3F94];
	s0 =	simm.s32 @p0 $0x1  }
0x13: {  	[smem:$0x3FAF] =	sst s0;
	s0 =	simm.s32 @!p1 $0x0  }
0x14: {  	s2 =	sld [smem:$0x3F93];
	s0 =	simm.s32 @p1 $0x1  }
0x15: {  	[smem:$0x3FB0] =	sst s0;
	s0 =	simm.s32 @!p2 $0x0  }
0x16: {  	s3 =	sld [smem:$0x3FDB];
	s0 =	simm.s32 @p2 $0x1  }
0x17: {  	s4 =	simm.s32 $0x1BF5;
	[smem:$0x3FB2] =	sst s0  }
0x18: {  	s0 =	sld [smem:$0x3F95];
	_ =	swait.ge [sflag:s4], $0x0  }
0x19: {  	s7 =	sld [smem:$0x3F96]  }
0x1a: {  	s8 =	sadd.s32 $0xFFFFE003, lr  }
0x1b: {  	s9 =	sadd.s32 $0xFFFFFEF7, lr;
	s5 =	simm.s32 $0xFFFFFFFF;
	p2 =	slt.u32 s8, $0xFFFFF086  }
0x1c: {  	p1 =	slt.u32 s9, $0xF7A;
	s5 =	simm.s32 @!p2 $0x0  }
0x1d: {  	s5 =	simm.s32 @p1 $0x1;
	p0 =	seq.s32 s7, s2  }
0x1e: {  	s7 =	smul.u32 @!p0 $0xF7A, s2;
	p2 =	seq.s32 @!p0 s5, $0x0  }
0x1f: {  	s9 =	smul.u32 $0xF7A, s1;
	s8 =	simm.s32 @!p0 $0x1BF5;
	p2 =	por !p2, p0  }
0x20: {  	[sflag:s8] =	ssyncset.s32 @!p0 $0xFFFFF086;
	s6 =	sadd.s32 @!p0 s3, s7;
	s7 =	simm.s32 @!p0 $0x108  }
0x21: {  	s3 =	sadd.s32 s3, s9;
	s6 =	sadd.s32 @!p0 $0x88, s6;
	s7 =	simm.s32 @p2 $0x1082  }
0x22: {  	[simem:s7], [sflag:s8] =	dma.local @!p0 [hbm:s6], $0xF7A  }
0x23: {  	s9 =	sor.u32 $0xD0000000, s2;
	s6 =	simm.s32 $0x108;
	_ =	swait.ge @!p0 [sflag:s8], $0x0  }
0x24: {  	s3 =	sadd.s32 $0x88, s3;
	s6 =	simm.s32 @!p1 $0x1082;
	[sflag:s4] =	ssyncset.s32 $0xFFFFF086  }
0x25: {  	[simem:s6], [sflag:s4] =	dma.local [hbm:s3], $0xF7A  }
0x26: {  	[smem:$0x3F96] =	sst s1;
	(tag) =	ssettag s2;
	_ =	strace s9  }
0x27: {  	s1 =	sld [smem:$0x3FA6]  }
0x28: {  	s2 =	sld [smem:$0x3FA7]  }
0x29: {  	s4 =	sld [smem:$0x3FA9]  }
0x2a: {  	p0 =	seq.s32 s5, $0x0;
	s5 =	sld [smem:$0x3FAA]  }
0x2b: {  	s6 =	sld [smem:$0x3FAB]  }
0x2c: {  	s7 =	sld [smem:$0x3FAC]  }
0x2d: {  	s3 =	simm.s32 $0x108;
	s8 =	sld [smem:$0x3FAD]  }
0x2e: {  	s3 =	simm.s32 @!p0 $0x1082;
	s9 =	sld [smem:$0x3FAE]  }
0x2f: {  	lr =	sadd.s32 s0, s3;
	s0 =	sld [smem:$0x3FA5]  }
0x30: {  	s3 =	sld [smem:$0x3FA8]  }
0x31: {  	[smem:$0x3FB1] =	sst s10  }
0x32: {  	s10 =	sld [smem:$0x3FAF];
	_ =	sdelay $0x3  }
0x33: {  	p0 =	seq.s32 s10, $0x1;
	s10 =	sld [smem:$0x3FB1];
	_ =	sdelay $0x3  }
0x34: {  	[smem:$0x3FB1] =	sst s10  }
0x35: {  	s10 =	sld [smem:$0x3FB0];
	_ =	sdelay $0x3  }
0x36: {  	p1 =	seq.s32 s10, $0x1;
	s10 =	sld [smem:$0x3FB1];
	_ =	sdelay $0x3  }
0x37: {  	[smem:$0x3FB1] =	sst s10  }
0x38: {  	s10 =	sld [smem:$0x3FB2]  }
0x39: {  	_ = 	snop;
	(pc) =	sbr.ind lr, $3  }
0x3a: {  	_ = 	snop  }
0x3b: {  	_ = 	snop  }
0x3c: {  	p2 =	seq.s32 s10, $0x1;
	s10 =	sld [smem:$0x3FB1]  }
0x3d: {  	_ =	shalt  }
0x3e: {  	_ =	shalt  }
0x3f: {  	_ =	shalt  }
0x40: {  	_ =	shalt  }
0x41: {  	_ =	shalt  }
0x42: {  	_ =	shalt  }
0x43: {  	_ =	shalt  }
0x44: {  	_ =	shalt  }
0x45: {  	_ =	shalt  }
0x46: {  	_ =	shalt  }
0x47: {  	_ =	shalt  }
0x48: {  	_ =	shalt  }
0x49: {  	_ =	shalt  }
0x4a: {  	_ =	shalt  }
0x4b: {  	_ =	shalt  }
0x4c: {  	_ =	shalt  }
0x4d: {  	_ =	shalt  }
0x4e: {  	_ =	shalt  }
0x4f: {  	_ =	shalt  }
0x50: {  	_ =	shalt  }
0x51: {  	_ =	shalt  }
0x52: {  	_ =	shalt  }
0x53: {  	_ =	shalt  }
0x54: {  	_ =	shalt  }
0x55: {  	_ =	shalt  }
0x56: {  	_ =	shalt  }
0x57: {  	_ =	shalt  }
0x58: {  	_ =	shalt  }
0x59: {  	_ =	shalt  }
0x5a: {  	_ =	shalt  }
0x5b: {  	_ =	shalt  }
0x5c: {  	_ =	shalt  }
0x5d: {  	_ =	shalt  }
0x5e: {  	_ =	shalt  }
0x5f: {  	_ =	shalt  }
0x60: {  	_ =	shalt  }
0x61: {  	_ =	shalt  }
0x62: {  	_ =	shalt  }
0x63: {  	_ =	shalt  }
0x64: {  	_ =	shalt  }
0x65: {  	_ =	shalt  }
0x66: {  	_ =	shalt  }
0x67: {  	_ =	shalt  }
0x68: {  	_ =	shalt  }
0x69: {  	_ =	shalt  }
0x6a: {  	_ =	shalt  }
0x6b: {  	_ =	shalt  }
0x6c: {  	_ =	shalt  }
0x6d: {  	_ =	shalt  }
0x6e: {  	_ =	shalt  }
0x6f: {  	_ =	shalt  }
0x70: {  	_ =	shalt  }
0x71: {  	_ =	shalt  }
0x72: {  	_ =	shalt  }
0x73: {  	_ =	shalt  }
0x74: {  	_ =	shalt  }
0x75: {  	_ =	shalt  }
0x76: {  	_ =	shalt  }
0x77: {  	_ =	shalt  }
0x78: {  	_ =	shalt  }
0x79: {  	_ =	shalt  }
0x7a: {  	_ =	shalt  }
0x7b: {  	_ =	shalt  }
0x7c: {  	_ =	shalt  }
0x7d: {  	_ =	shalt  }
0x7e: {  	_ =	shalt  }
0x7f: {  	_ =	shalt  }
0x80: {  	_ =	shalt  }
0x81: {  	_ =	shalt  }
0x82: {  	_ =	shalt  }
0x83: {  	_ =	shalt  }
0x84: {  	_ =	shalt  }
0x85: {  	_ =	shalt  }
0x86: {  	_ =	shalt  }
0x87: {  	_ =	shalt  }
.Lfunc_end0:
.L_simem_size_0:
called_computation.1_lowered:
.L_overlay_start_0:
0x88: {  	s2 =	sld [smem:$0x3FD9]  }
0x89: {  	s3 =	sld [smem:$0x3FFE];
	_ =	sdelay $0x1  }
0x8a: {  	s1 =	srdreg.scid  }
0x8b: {  	s0 =	sand.u32 $0x1, s1  }
0x8c: {  	s14 =	sshll.u32 s0, $0xA;
	s2 =	sadd.s32 s3, s2  }
0x8d: {  	s2 =	sadd.s32 s2, s14  }
0x8e: {  	[smem:$0x3FBD] =	sst s2  }
0x8f: {  	_ = 	snop  }
0x90: {  	s2 =	sld [smem:$0x3FD0];
	_ =	sdelay $0x1  }
0x91: {  	s15 =	sld [smem:$0x3FC8]  }
0x92: {  	s5 =	simm.s32 $0xA;
	s6 =	simm.s32 $0x10;
	s4 =	sld [smem:$0x3FC7]  }
0x93: {  	[smem:s6], [sflag:s5] =	dma.local [hbm:s2], $0x1  }
0x94: {  	_ =	swait.eq [sflag:s5], $0x1  }
0x95: {  	[sflag:s5] =	ssyncset.done $0x0  }
0x96: {  	[sflag:s5] =	ssyncadd.s32 $0xFFFFFFFF  }
0x97: {  	s16 =	sld [smem:$0x11];
	(tm) =	ssettm $0x1  }
0x98: {  	s17 =	sld [smem:$0x3FFB];
	_ =	sdelay $0x3  }
0x99: {  	_ =	strace s17  }
0x9a: {  	s5 =	sld [smem:$0x3FFC];
	_ =	sdelay $0x3  }
0x9b: {  	_ =	strace s5  }
0x9c: {  	s5 =	sld [smem:$0x3FFD];
	_ =	sdelay $0x3  }
0x9d: {  	_ =	strace s5  }
0x9e: {  	_ =	strace $0x8FFFFFFF  }
0x9f: {  	s18 =	sld [smem:$0x3FDB];
	_ =	sdelay $0x1  }
0xa0: {  	s19 =	simm.s32 $_scs_section_size  }
0xa1: {  	s7 =	simm.s32 $_size__tile_overlayer_lowered;
	s8 =	simm.s32 $_tile_overlayer_lowered  }
0xa2: {  	s22 =	simm.s32 $0x1BFF;
	s21 =	sshll.u32 s8, $0x1;
	s5 =	sadd.s32 s19, s18  }
0xa3: {  	s9 =	simm.s32 $0x0;
	s20 =	sshll.u32 s7, $0x1;
	s7 =	sadd.s32 s21, s5  }
0xa4: {  	[timem:s9], [sflag:s22] =	dma.local [hbm:s7], s20  }
0xa5: {  	_ =	swait.ge [sflag:s22], s20  }
0xa6: {  	s6 =	ssub.s32 $0x0, s20;
	[sflag:s22] =	ssyncset.done $0x0  }
0xa7: {  	[sflag:s22] =	ssyncadd.s32 s6;
	_ =	sdelay $0x1  }
0xa8: {  	s23 =	simm.s32 $0x1B8B  }
0xa9: {  	_ =	swait.ge [sflag:s23], $0x1  }
0xaa: {  	[sflag:s23] =	ssyncset.done $0x0  }
0xab: {  	s25 =	simm.s32 $0x1B8E;
	s24 =	sld [smem:$0x3FFE];
	[sflag:s23] =	ssyncadd.s32 $0xFFFFFFFF  }
0xac: {  	s26 =	simm.s32 $execute0_lowered;
	[smem:$0x3FD2] =	sst s25  }
0xad: {  	s7 =	sshll.u32 s26, $0x1;
	_ =	strace $0x80000049;
	[dreg:$0x1] =	wrdreg $0xFFFFFFFF  }
0xae: {  	s28 =	simm.s32 $_size_execute0_lowered;
	s5 =	sadd.s32 s5, s7;
	[dreg:$0x0] =	wrdreg $0x0  }
0xaf: {  	s7 =	sshll.u32 s28, $0x1;
	[dreg:$0x2] =	wrdreg s5  }
0xb0: {  	[dreg:$0x3] =	wrdreg s7  }
0xb1: {  	[dreg:$0x4] =	wrdreg $0xC0  }
0xb2: {  	_ =	task [dreg:s9], $0x5FFFF  }
0xb3: {  	[dreg:$0x1] =	wrdreg $0xFFFFFFFF  }
0xb4: {  	[dreg:$0x0] =	wrdreg $0x60  }
0xb5: {  	[dreg:$0x2] =	wrdreg s15  }
0xb6: {  	[dreg:$0x3] =	wrdreg s4  }
0xb7: {  	[dreg:$0x4] =	wrdreg s16  }
0xb8: {  	[dreg:$0x5] =	wrdreg s24  }
0xb9: {  	[dreg:$0x6] =	wrdreg $0x137C00  }
0xba: {  	[dreg:$0x7] =	wrdreg $0x9  }
0xbb: {  	_ =	task.clear_ibuf [dreg:s9], $0x8FFFF;
	_ =	strace $0x90000049  }
0xbc: {  	s29 =	simm.s32 $0x9;
	_ =	strace $0x8000004B  }
0xbd: {  	_ =	swait.ge [sflag:s29], $0x1  }
0xbe: {  	[sflag:s29] =	ssyncadd.s32 $0xFFFFFFFF  }
0xbf: {  	_ =	strace $0x9000004B  }
0xc0: {  	_ =	sfence  }
0xc1: {  	s30 =	sld [smem:$0x0];
	_ =	sdelay $0x2  }
0xc2: {  	s31 =	sshll.u32 s1, $0xD;
	s1 =	sshrl.u32 s1, $0x2  }
0xc3: {  	s3 =	sand.u32 $0x4000, s31;
	s1 =	sadd.s32 s1, s30  }
0xc4: {  	s0 =	sor.u32 s3, s0;
	s1 =	sshll.u32 s1, $0x11  }
0xc5: {  	s0 =	sor.u32 s1, s0  }
0xc6: {  	s0 =	sadd.s32 $0x8F2B, s0  }
0xc7: {  	[sflag:s0] =	ssyncadd.remote.s32 $0x1  }
0xc8: {  	_ =	sfence.sel $0xFFFF  }
0xc9: {  	[dreg:$0x0] =	wrdreg $0xFFFFFFFF;
	(pc) =	sbr.abs _section_cstart, $3  }
0xca: {  	[dreg:$0x1] =	wrdreg $0xFFFFFFFF  }
0xcb: {  	_ =	task.clear_ibuf [dreg:s9], $0x2FFFF;
	_ =	strace $0x9FFFFFFF  }
0xcc: {  	(tm) =	ssettm $0x7FFFFFFF  }
0xcd: {  	_ =	shalt  }
tec
execute0_lowered:
.L_overlay_start_1:
0x0: {  	(tag) =	ssettag $0x1  }
0x1: {  	s0 =	rddreg [dreg:$0x0]  }
0x2: {  	s3 =	rddreg [dreg:$0x1]  }
0x3: {  	s4 =	rddreg [dreg:$0x2]  }
0x4: {  	s12 =	rddreg [dreg:$0x3]  }
0x5: {  	s1 =	rddreg [dreg:$0x4]  }
0x6: {  	s2 =	simm.s32 $0x0;
	s5 =	srdreg.scid;
	s14 =	stileid.u32  }
0x7: {  	s16 =	simm.s32 $0x7530;
	s19 =	simm.s32 $0x2;
	s20 =	simm.s32 $0x1  }
0x8: {  	s21 =	simm.s32 $0x11750;
	s22 =	simm.s32 $0x11760;
	s23 =	simm.s32 $0x40  }
0x9: {  	s28 =	simm.s32 $0x137B0;
	s29 =	simm.s32 $0x11350;
	s30 =	simm.s32 $0x0  }
0xa: {  	[smem:$0x7FF] =	sst s2;
	s11 =	sand.u32 $0x1, s5;
	s6 =	sadd.s32 $0x1C00, s12  }
0xb: {  	s7 =	sadd.s32 $0x319C00, s12;
	s25 =	smul.u32 $0xA000, s14;
	s31 =	sshll.u32 s14, $0x6  }
0xc: {  	_ =	strace $0x8000004A;
	s5 =	sshll.u32 s11, $0x4;
	[dreg:$0x6] =	wrdreg s6  }
0xd: {  	s8 =	ssub.s32 $0x2, s11;
	s6 =	sadd.s32 $0xC800, s12;
	p0 =	seq.s32 s11, $0x1  }
0xe: {  	s11 =	sor.u32 $0x1C02, s31;
	s24 =	sor.u32 s14, s5;
	s5 =	sadd.s32 $0x2200, s12  }
0xf: {  	s9 =	sshrl.u32 s8, $0x1;
	s26 =	sadd.s32 s25, s1;
	s10 =	smul.u32 $0x4E2, s24  }
.Ltmp0:
0x10: {  	v0 =	vlaneseq.u32;
	s13 =	ssub.s32 s8, s9;
	s18 =	sshrl.u32 s26, $0x3;
	(pc) =	sbr.rel .LBB2_1-.Ltmp0, $4  }
0x11: {  	v1 =	vmul.u32 $0xC35, v0;
	s24 =	simm.s32 $0x11770;
	s9 =	sadd.s32 s3, s10;
	s3 =	simm.s32 $0x32F000  }
0x12: {  	v2 =	vimm.s32 $0x0;
	v3 =	vmul.u32 $0x80, v0;
	s26 =	simm.s32 $0x10;
	s8 =	sadd.s32 s0, s10;
	s3 =	simm.s32 @!p0 $0x31B000  }
0x13: {  	v4 =	vadd.s32 $0xC350, v1;
	v5 =	vadd.s32 $0x186A0, v1;
	v6 =	vadd.s32 $0x249F0, v1;
	s10 =	sadd.s32 s4, s10;
	s0 =	sshrl.u32 s25, $0x3;
	s3 =	sadd.s32 s3, s12  }
0x14: {  	v7 =	vor.u32 $0x800, v3;
	v8 =	vor.u32 $0x1000, v3;
	v9 =	vor.u32 $0x1800, v3;
	s25 =	simm.s32 $0x117B0;
	s12 =	smax.u32 s13, $0x1;
	s13 =	sadd.s32 s3, s0  }
.LBB2_9:
0x15: {  	s30 =	sadd.s32 $0x1, s30  }
0x16: {  	p0 =	sne.s32 s30, s12  }
.Ltmp1:
0x17: {  	[bflag:$0x0] =	sbarrier.arrive $0xFFFF;
	(pc) =	sbr.rel @!p0 .LBB2_10-.Ltmp1, $4  }
0x18: {  	[hbm:s13], [sflag:s11] =	dma.local [spmem:s18], $0x1400  }
0x19: {  	_ =	swait.ge [sflag:s19], $0x1400  }
0x1a: {  	[sflag:s19] =	ssyncset.done $0x0  }
0x1b: {  	[sflag:s19] =	ssyncadd.s32 $0xFFFFEC00  }
.LBB2_1:
0x1c: {  	[tilespmem:s2], [sflag:$0x1] =	stream.linear.gather [hbm4b:s8+s2], $0x2710, $0x38;
	[tilespmem:$0x1D7C0] =	vst v63  }
0x1d: {  	s0 =	simm.s32 $0x2710  }
0x1e: {  	[tilespmem:s0], [sflag:$0x1] =	stream.linear.gather [hbm4b:s9+s2], $0x2710, $0x38;
	[tilespmem:$0x1D7C0] =	vst v63  }
0x1f: {  	s15 =	simm.s32 $0x4E20  }
0x20: {  	[tilespmem:s15], [sflag:$0x1] =	stream.linear.gather [hbm4b:s10+s2], $0x2710, $0x38;
	[tilespmem:$0x1D7C0] =	vst v63  }
0x21: {  	s17 =	rddreg [dreg:$0x6]  }
0x22: {  	[tilespmem:s16], [sflag:$0x1] =	stream.linear.gather [hbm4b:s17+s2], $0x2800, $0x38;
	[tilespmem:$0x1D7C0] =	vst v63  }
0x23: {  	s31 =	simm.s32 $0x9D30  }
0x24: {  	[tilespmem:s31], [sflag:$0x1] =	stream.linear.gather [hbm4b:s5+s2], $0x2800, $0x38;
	[tilespmem:$0x1D7C0] =	vst v63  }
0x25: {  	[spmem:s18], [sflag:s11] =	dma.local [hbm:s7], $0x1400  }
0x26: {  	_ =	swait.ge [sflag:s19], $0x1400  }
0x27: {  	[sflag:s19] =	ssyncset.done $0x0  }
0x28: {  	[sflag:s19] =	ssyncadd.s32 $0xFFFFEC00  }
0x29: {  	_ =	swait.ge [sflag:s20], $0x2710  }
0x2a: {  	[sflag:s20] =	ssyncset.done $0x0  }
0x2b: {  	[sflag:s20] =	ssyncadd.s32 $0xFFFFD8F0  }
0x2c: {  	_ =	swait.ge [sflag:s20], $0x2710  }
0x2d: {  	[sflag:s20] =	ssyncset.done $0x0  }
0x2e: {  	[sflag:s20] =	ssyncadd.s32 $0xFFFFD8F0  }
0x2f: {  	_ =	swait.ge [sflag:s20], $0x2710  }
0x30: {  	[sflag:s20] =	ssyncset.done $0x0  }
0x31: {  	[sflag:s20] =	ssyncadd.s32 $0xFFFFD8F0  }
0x32: {  	_ =	swait.ge [sflag:s20], $0x2800  }
0x33: {  	[sflag:s20] =	ssyncset.done $0x0  }
0x34: {  	[sflag:s20] =	ssyncadd.s32 $0xFFFFD800  }
0x35: {  	_ =	swait.ge [sflag:s20], $0x2800  }
0x36: {  	[sflag:s20] =	ssyncset.done $0x0  }
0x37: {  	s0 =	simm.s32 $0x0;
	[sflag:s20] =	ssyncadd.s32 $0xFFFFD800  }
0x38: {  	s3 =	simm.s32 $0x40;
	v10 =	vld [tilespmem:s0+$0x9D30]  }
.LBB2_2:
0x39: {  	p0 =	sne.s32 s3, $0x9FC0;
	v11 =	vld [tilespmem:s0+$0x7530];
	_ =	sdelay $0x1  }
.Ltmp2:
0x3a: {  	(pc) =	sbr.rel @p0 .LBB2_2-.Ltmp2, $3  }
0x3b: {  	_ =	sdelay $0x1  }
0x3c: {  	s4 =	sshra.s32 s3, $0x2;
	v11 =	vadd.s32 v11, v10  }
0x3d: {  	s3 =	sadd.s32 $0x40, s3;
	v10 =	vld [tilespmem:s4+$0x9D30];
	[tilespmem:s0+$0x7530] =	vst v11;
	s0 =	smov.u32 s4  }
0x3e: {  	v11 =	vld [tilespmem:s0+$0x7530];
	_ =	sdelay $0x4  }
0x3f: {  	v10 =	vadd.s32 v11, v10  }
0x40: {  	[tilespmem:s0+$0x7530] =	vst v10  }
0x41: {  	v10 =	vimm.s32 $0x0;
	s0 =	simm.s32 $0x0;
	[bflag:$0x0] =	sbarrier.arrive $0xFFFF  }
.LBB2_4:
0x42: {  	s3 =	sshra.s32 s0, $0x2  }
0x43: {  	v11 =	vld [tilespmem:s3+$0x0];
	_ =	sdelay $0x6  }
0x44: {  	v13 =	vld [tilespmem:s3+$0x4E20]  }
0x45: {  	v12 =	vld.idx.msk [tilespmem:v11+s16+$0x0], $0xffff;
	_ =	sdelay $0x4  }
0x46: {  	vm0 =	vgt.f32 v13, $5.000000000e-01;
	vm1 =	vgt.s32 v12, $0x0  }
0x47: {  	vm0 =	vmand vm1, vm0  }
0x48: {  	v63 =	vmpcnt.ones.xlane vm0;
	_ =	sdelay $0x1  }
0x49: {  	(v2sf) =	vpush v63, $0x0;
	_ =	sdelay $0xe  }
0x4a: {  	s31 =	spop (v2sf)  }
0x4b: {  	p0 =	seq.s32 s31, $0x0  }
0x4c: {  	v13 =	vimm.s32 @!p0 $0x0  }
0x4d: {  	v13 =	vsel @!p0 vm0, $0x1, v13  }
0x4e: {  	(xrf0) =	vadd.scan.msk.s32 @!p0 $0xffff, v13;
	_ =	sdelay $0x5  }
0x4f: {  	v13, _, _ =	vpop @!p0 (xrf0)  }
0x50: {  	s3 =	sshra.s32 @!p0 s0, $0x2;
	v13 =	vadd.s32 @!p0 v13, v10  }
0x51: {  	s0 =	sadd.s32 $0x40, s0;
	v14 =	vld @!p0 [tilespmem:s3+$0x2710];
	v13 =	vadd.s32 @!p0 $0xFFFFFFFF, v13  }
0x52: {  	p1 =	sne.s32 s0, $0x9C40  }
.Ltmp3:
0x53: {  	_ = 	snop;
	(pc) =	sbr.rel @p1 .LBB2_4-.Ltmp3, $4  }
0x54: {  	_ = 	snop  }
0x55: {  	s3 =	simm.s32 @!p0 $0xC530  }
0x56: {  	[tilespmem:v13+s3+$0x0] =	vst.idx.msk @!p0 vm0, v14;
	s3 =	simm.s32 @!p0 $0xEC40  }
0x57: {  	v10 =	vadd.s32 v10, v63;
	[tilespmem:v13+s3+$0x0] =	vst.idx.msk @!p0 vm0, v11  }
0x58: {  	(v2sf) =	vpush v10, $0x0;
	_ =	sdelay $0xe  }
0x59: {  	s0 =	spop (v2sf)  }
0x5a: {  	s0 =	sadd.s32 $0xF, s0  }
0x5b: {  	s3 =	sand.u32 $0xF, s0  }
0x5c: {  	s4 =	sshra.s32 s0, $0x1F;
	p0 =	slt.s32 s0, $0x1;
	p1 =	sne.s32 s3, $0x0  }
0x5d: {  	s17 =	sshrl.u32 s4, $0x1C;
	p0 =	por !p0, !p1  }
0x5e: {  	s3 =	simm.s32 $0x1;
	s0 =	sadd.s32 s17, s0;
	p0 =	por !p0, !p0  }
0x5f: {  	s0 =	sshra.s32 s0, $0x4;
	s3 =	simm.s32 @!p0 $0x0  }
0x60: {  	s31 =	ssub.s32 s0, s3  }
0x61: {  	p0 =	slt.s32 s31, $0x1  }
.Ltmp4:
0x62: {  	_ = 	snop;
	(pc) =	sbr.rel @p0 .LBB2_9-.Ltmp4, $2  }
0x63: {  	_ =	sdelay $0x2  }
0x64: {  	s0 =	simm.s32 $0x0;
	s3 =	simm.s32 $0x0  }
.LBB2_6:
0x65: {  	s4 =	sshll.u32 s3, $0x4  }
0x66: {  	v11 =	vld [tilespmem:s4+$0xC530];
	_ =	sdelay $0x2  }
0x67: {  	v12 =	vor.u32 s4, v0  }
0x68: {  	vm0 =	vlt.s32 v12, v10  }
0x69: {  	v11 =	vnsel vm0, $0x0, v11  }
0x6a: {  	v12 =	vshra.s32 v11, $0x1F  }
0x6b: {  	v12 =	vshrl.u32 v12, $0x19  }
0x6c: {  	v12 =	vadd.s32 v12, v11  }
0x6d: {  	v12 =	vshra.s32 v12, $0x7  }
0x6e: {  	v13 =	vshll.u32 v12, $0x7  }
0x6f: {  	vm1 =	vlt.s32 v11, $0x1;
	vm2 =	vne.s32 v11, v13  }
0x70: {  	vm1 =	vmand vm1, vm2  }
0x71: {  	v11 =	vand.u32 $0x7F, v11;
	v13 =	vsel vm1, $0xFFFFFFFF, v2  }
0x72: {  	[tilespmem:$0x11760] =	vst v11;
	v12 =	vadd.s32 v13, v12  }
0x73: {  	[tilespmem:$0x11750] =	vst v12  }
0x74: {  	v11 =	vld [tilespmem:s4+$0xEC40];
	_ =	sdelay $0x1  }
0x75: {  	v12 =	vmov s0;
	_ =	sdelay $0x2  }
0x76: {  	v11 =	vnsel vm0, $0x2710, v11  }
0x77: {  	[tilespmem:$0x137B0] =	vst v11  }
0x78: {  	v11 =	vld.idx.msk [tilespmem:v12+s21+$0x0], $0xffff;
	_ =	sdelay $0x3  }
0x79: {  	v12 =	vld.idx.msk [tilespmem:v12+s22+$0x0], $0xffff  }
0x7a: {  	v13 =	vadd.s32 v1, v11  }
0x7b: {  	v14 =	vadd.s32 v5, v11;
	[tilespmem:$0x11770] =	vst v13  }
0x7c: {  	v13 =	vadd.s32 v6, v11;
	[tilespmem:$0x11790] =	vst v14  }
0x7d: {  	v11 =	vadd.s32 v4, v11;
	[tilespmem:$0x117A0] =	vst v13  }
0x7e: {  	v13 =	vadd.s32 v3, v12;
	[tilespmem:$0x11780] =	vst v11  }
0x7f: {  	[tilespmem:s25], [sflag:$0x2] =	stream.indirect.gather [hbm4b:s6+s23], $0x80, s24, s23, $0xb8;
	[tilespmem:$0x1D7C0] =	vst v63  }
0x80: {  	_ =	swait.ge [sflag:s19], $0x2000  }
0x81: {  	[sflag:s19] =	ssyncset.done $0x0  }
0x82: {  	[sflag:s19] =	ssyncadd.s32 $0xFFFFE000  }
0x83: {  	v11 =	vld.idx.msk [tilespmem:v13+s25+$0x0], $0xffff  }
0x84: {  	v13 =	vadd.s32 v7, v12;
	_ =	sdelay $0x2  }
0x85: {  	s14 =	simm.s32 $0x11370  }
0x86: {  	[tilespmem:s14+$0xFFFFFFE0] =	vst v11  }
0x87: {  	v11 =	vld.idx.msk [tilespmem:v13+s25+$0x0], $0xffff  }
0x88: {  	v13 =	vadd.s32 v8, v12;
	_ =	sdelay $0x3  }
0x89: {  	[tilespmem:s14+$0xFFFFFFF0] =	vst v11  }
0x8a: {  	v11 =	vld.idx.msk [tilespmem:v13+s25+$0x0], $0xffff  }
0x8b: {  	v12 =	vadd.s32 v9, v12;
	_ =	sdelay $0x3  }
0x8c: {  	s17 =	simm.s32 $0x1;
	[tilespmem:s14+$0x0] =	vst v11  }
0x8d: {  	s15 =	simm.s32 $0x2;
	v11 =	vmov s17;
	s17 =	simm.s32 $0x11370;
	v12 =	vld.idx.msk [tilespmem:v12+s25+$0x0], $0xffff  }
.LBB2_7:
0x8e: {  	p0 =	sne.s32 s15, $0xF  }
0x8f: {  	s14 =	sadd.s32 $0x40, s14;
	s4 =	smov.u32 s15;
	s15 =	sadd.s32 $0x1, s15  }
0x90: {  	_ =	sdelay $0x1  }
0x91: {  	[tilespmem:s17+$0x10] =	vst v12;
	s17 =	smov.u32 s14  }
0x92: {  	v12 =	vld.idx.msk [tilespmem:v11+s21+$0x0], $0xffff  }
0x93: {  	v11 =	vld.idx.msk [tilespmem:v11+s22+$0x0], $0xffff;
	_ =	sdelay $0x4  }
0x94: {  	v13 =	vadd.s32 v1, v12;
	v14 =	vadd.s32 v4, v12;
	v15 =	vadd.s32 v5, v12  }
0x95: {  	v12 =	vadd.s32 v6, v12;
	[tilespmem:$0x11770] =	vst v13;
	v13 =	vadd.s32 v3, v11  }
0x96: {  	[tilespmem:$0x11790] =	vst v15  }
0x97: {  	[tilespmem:$0x117A0] =	vst v12  }
0x98: {  	[tilespmem:$0x11780] =	vst v14  }
0x99: {  	[tilespmem:s25], [sflag:$0x2] =	stream.indirect.gather [hbm4b:s6+s23], $0x80, s24, s23, $0xb8;
	[tilespmem:$0x1D7C0] =	vst v63  }
0x9a: {  	_ =	swait.ge [sflag:s19], $0x2000  }
0x9b: {  	[sflag:s19] =	ssyncset.done $0x0  }
0x9c: {  	[sflag:s19] =	ssyncadd.s32 $0xFFFFE000  }
0x9d: {  	v12 =	vld.idx.msk [tilespmem:v13+s25+$0x0], $0xffff  }
0x9e: {  	v13 =	vadd.s32 v7, v11;
	_ =	sdelay $0x4  }
0x9f: {  	[tilespmem:s14+$0xFFFFFFE0] =	vst v12  }
0xa0: {  	v12 =	vld.idx.msk [tilespmem:v13+s25+$0x0], $0xffff  }
0xa1: {  	v13 =	vadd.s32 v8, v11;
	_ =	sdelay $0x4  }
0xa2: {  	[tilespmem:s14+$0xFFFFFFF0] =	vst v12  }
0xa3: {  	v12 =	vld.idx.msk [tilespmem:v13+s25+$0x0], $0xffff  }
0xa4: {  	v11 =	vadd.s32 v9, v11;
	_ =	sdelay $0x3  }
.Ltmp5:
0xa5: {  	(pc) =	sbr.rel @p0 .LBB2_7-.Ltmp5, $3  }
0xa6: {  	[tilespmem:s14+$0x0] =	vst v12  }
0xa7: {  	v12 =	vld.idx.msk [tilespmem:v11+s25+$0x0], $0xffff;
	_ =	sdelay $0x1  }
0xa8: {  	v11 =	vmov s4  }
0xa9: {  	_ =	sdelay $0x2  }
0xaa: {  	[tilespmem:s17+$0x10] =	vst v12  }
0xab: {  	v12 =	vld.idx.msk [tilespmem:v11+s21+$0x0], $0xffff;
	_ =	sdelay $0x3  }
0xac: {  	v11 =	vld.idx.msk [tilespmem:v11+s22+$0x0], $0xffff  }
0xad: {  	v13 =	vadd.s32 v1, v12  }
0xae: {  	v14 =	vadd.s32 v5, v12;
	[tilespmem:$0x11770] =	vst v13  }
0xaf: {  	v59 =	vadd.s32 v6, v12;
	[tilespmem:$0x11790] =	vst v14  }
0xb0: {  	v12 =	vadd.s32 v4, v12;
	[tilespmem:$0x117A0] =	vst v59  }
0xb1: {  	v60 =	vadd.s32 v3, v11;
	[tilespmem:$0x11780] =	vst v12  }
0xb2: {  	[tilespmem:s25], [sflag:$0x2] =	stream.indirect.gather [hbm4b:s6+s23], $0x80, s24, s23, $0xb8;
	[tilespmem:$0x1D7C0] =	vst v63  }
0xb3: {  	_ =	swait.ge [sflag:s19], $0x2000  }
0xb4: {  	[sflag:s19] =	ssyncset.done $0x0  }
0xb5: {  	[sflag:s19] =	ssyncadd.s32 $0xFFFFE000  }
0xb6: {  	v61 =	vld.idx.msk [tilespmem:v60+s25+$0x0], $0xffff  }
0xb7: {  	v62 =	vadd.s32 v7, v11;
	_ =	sdelay $0x2  }
0xb8: {  	s4 =	sadd.s32 $0x40, s14  }
0xb9: {  	[tilespmem:s4+$0xFFFFFFE0] =	vst v61  }
0xba: {  	v12 =	vld.idx.msk [tilespmem:v62+s25+$0x0], $0xffff  }
0xbb: {  	v63 =	vadd.s32 v8, v11;
	_ =	sdelay $0x3  }
0xbc: {  	[tilespmem:s4+$0xFFFFFFF0] =	vst v12  }
0xbd: {  	v12 =	vld.idx.msk [tilespmem:v63+s25+$0x0], $0xffff  }
0xbe: {  	v11 =	vadd.s32 v9, v11;
	_ =	sdelay $0x3  }
0xbf: {  	[tilespmem:s4+$0x0] =	vst v12  }
0xc0: {  	v11 =	vld.idx.msk [tilespmem:v11+s25+$0x0], $0xffff;
	_ =	sdelay $0x3  }
0xc1: {  	s3 =	sadd.s32 $0x1, s3  }
0xc2: {  	p0 =	sne.s32 s3, s31;
	[tilespmem:s4+$0x10] =	vst v11  }
0xc3: {  	[spmem:s1] =	stream.indirect.scatter.add.f32 [tilespmem:s29], [sflag:$0x2], $0x40, s28, s26, $0xb8;
	[tilespmem:$0x1D7C0] =	vst v63  }
.Ltmp6:
0xc4: {  	_ = 	snop;
	(pc) =	sbr.rel @p0 .LBB2_6-.Ltmp6, $4  }
.Ltmp7:
0xc5: {  	_ = 	snop;
	(pc) =	sbr.rel @!p0 .LBB2_9-.Ltmp7, $4  }
0xc6: {  	_ =	swait.ge [sflag:s19], $0x400  }
0xc7: {  	[sflag:s19] =	ssyncset.done $0x0  }
0xc8: {  	[sflag:s19] =	ssyncadd.s32 $0xFFFFFC00  }
0xc9: {  	_ = 	snop  }
.LBB2_10:
0xca: {  	_ =	sfence.sel $0x180000  }
0xcb: {  	[bflag:$0x0] =	sbarrier.arrive $0xFFFF  }
0xcc: {  	_ =	strace $0x9000004A  }
0xcd: {  	s0 =	stileid.u32;
	[bflag:$0x2] =	sbarrier.arrive $0xFFFF  }
0xce: {  	p0 =	sne.s32 s0, $0x0;
	s0 =	rddreg [dreg:$0x5]  }
0xcf: {  	s0 =	sadd.s32 @!p0 $0x100000, s0  }
0xd0: {  	[sflag:s0] =	ssyncadd.tile.s32 @!p0 $0x1;
	_ =	shalt  }
.Lfunc_end2:
_tile_overlayer_lowered:
.L_overlay_start_2:
0xd1: {  	(tag) =	ssettag $0x2  }
0xd2: {  	s0 =	rddreg [dreg:$0x0];
	s2 =	stileid.u32  }
0xd3: {  	s1 =	rddreg [dreg:$0x1];
	p0 =	sne.s32 s2, $0x0  }
0xd4: {  	s3 =	rddreg [dreg:$0x2];
	[bflag:$0x3] =	sbarrier.arrive $0xFFFF;
	s2 =	simm.s32 @!p0 $0x1C02  }
0xd5: {  	[timem:s3], [sflag:s2] =	dma.local @!p0 [hbm:s0], s1  }
0xd6: {  	s0 =	simm.s32 @!p0 $0x2  }
0xd7: {  	_ =	swait.ge @!p0 [sflag:s0], s1  }
0xd8: {  	s1 =	ssub.s32 @!p0 $0x0, s1;
	[sflag:s0] =	ssyncset.done @!p0 $0x0  }
0xd9: {  	[sflag:s0] =	ssyncadd.s32 @!p0 s1  }
0xda: {  	[bflag:$0x3] =	sbarrier.arrive $0xFFFF  }
0xdb: {  	_ =	shalt  }

</sc_bundles>
